<compile_context>
chip_gen: v7x
topology: tpu7x:2x2x1
jax: 0.10.2.dev20260603
libtpu: 0.0.44.dev20260713+nightly
codegen_flags: <defaults>
</compile_context>

<pallas_src>
import jax
import jax.numpy as jnp
from jax import lax
from jax.experimental import pallas as pl
from jax.experimental.pallas import tpu as pltpu
from jax.experimental.pallas import tpu_sc as plsc

N_NODES = 50000
E_EACH = 266667
LATENT = 32

BLK_E = 4096
NBLK_E = 66
EPAD = BLK_E * NBLK_E
NIDX = EPAD // 128
IB = 4
NSUP = NIDX // IB
NPAD = 50176
DUMMY = N_NODES
BLK_N = 1024
NTILES = 16


def _mlp3(x, w1, b1, w2, b2, w3, b3):
    h = jnp.maximum(jnp.dot(x, w1, preferred_element_type=jnp.float32) + b1, 0.0)
    h = jnp.maximum(jnp.dot(h, w2, preferred_element_type=jnp.float32) + b2, 0.0)
    return jnp.dot(h, w3, preferred_element_type=jnp.float32) + b3


def _mlp3_tx(xt, w1, b1, w2, b2, w3, b3):
    h = lax.dot_general(xt, w1, (((0,), (0,)), ((), ())),
                        preferred_element_type=jnp.float32)
    h = jnp.maximum(h + b1, 0.0)
    h = jnp.maximum(jnp.dot(h, w2, preferred_element_type=jnp.float32) + b2, 0.0)
    return jnp.dot(h, w3, preferred_element_type=jnp.float32) + b3


def _mlp_ln(x, w1, b1, w2, b2, w3, b3, g, be):
    h = _mlp3(x, w1, b1, w2, b2, w3, b3)
    mu = jnp.mean(h, axis=-1, keepdims=True)
    d = h - mu
    var = jnp.mean(d * d, axis=-1, keepdims=True)
    return d / jnp.sqrt(var + 1e-5) * g + be


def _mlp_ln_mxu(xt, w1, b1, w2, b2, w3, b3, g, be):
    h = _mlp3_tx(xt, w1, b1, w2, b2, w3, b3)
    avg = jnp.full((LATENT, LATENT), 1.0 / LATENT, jnp.float32)
    mu = jnp.dot(h, avg, preferred_element_type=jnp.float32)
    d = h - mu
    var = jnp.dot(d * d, avg, preferred_element_type=jnp.float32)
    return d / jnp.sqrt(var + 1e-5) * g + be


def _edge_enc_kernel(b_ref, c_ref, k_ref, w1, b1, w2, b2, w3, b3, g, be,
                     o_ref):
    for t, x_ref in enumerate((b_ref, c_ref, k_ref)):
        h = _mlp_ln_mxu(x_ref[...], w1[t], b1[t], w2[t], b2[t], w3[t],
                        b3[t], g[t], be[t])
        for c in range(BLK_E // 512):
            for q in range(4):
                base = c * 512 + q * 128
                o_ref[t, pl.ds(c * 128, 128), pl.ds(q * 32, 32)] = (
                    h[base:base + 128])


def _edge_encode(body_t, cable_t, con_t, *w):
    xspec = pl.BlockSpec((8, BLK_E), lambda i: (0, i))
    wspecs = [pl.BlockSpec(a.shape, lambda i: (0, 0, 0)) for a in w]
    return pl.pallas_call(
        _edge_enc_kernel,
        grid=(NBLK_E,),
        in_specs=[xspec, xspec, xspec] + wspecs,
        out_specs=pl.BlockSpec((3, BLK_E // 4, 128), lambda i: (0, i, 0)),
        out_shape=jax.ShapeDtypeStruct((3, EPAD // 4, 128), jnp.float32),
        compiler_params=pltpu.CompilerParams(
            dimension_semantics=("parallel",)),
    )(body_t, cable_t, con_t, *w)


def _sc_scatter_body(e_hbm, recv_hbm, zeros_hbm, out_hbm, idx_v, val_c, table,
                     ld_sem, sc_sem):
    c = lax.axis_index("c")
    s = lax.axis_index("s")
    rows = NPAD // NTILES
    zlo = s * rows
    for p in range(2):
        pltpu.sync_copy(zeros_hbm.at[pl.ds(zlo, rows)],
                        table.at[pl.ds(zlo, rows)])
        plsc.subcore_barrier()
        if p == 0:
            t = c
            sup0 = jnp.int32(0)
            nsup = NSUP
        else:
            t = jnp.int32(2)
            sup0 = c * (NSUP // 2)
            nsup = NSUP // 2
        ntrips = -(-nsup // NTILES)

        def body(i, carry):
            local = s + NTILES * i

            @pl.when(local < nsup)
            def _():
                g = sup0 + local
                loads = [pltpu.make_async_copy(
                    recv_hbm.at[t, pl.ds(g * IB, IB)], idx_v, ld_sem)]
                for j in range(IB):
                    loads.append(pltpu.make_async_copy(
                        e_hbm.at[t, pl.ds(g * 128, 128), pl.ds(j * 32, 32)],
                        val_c.at[j], ld_sem))
                for d in loads:
                    d.start()
                for d in loads:
                    d.wait()
                scats = [pltpu.make_async_copy(
                    val_c.at[j], table.at[idx_v.at[j]], sc_sem)
                    for j in range(IB)]
                for d in scats:
                    d.start(add=True)
                for d in scats:
                    d.wait()

            return carry

        lax.fori_loop(0, ntrips, body, 0)
        plsc.subcore_barrier()
        slot = 2 * p + c
        pltpu.sync_copy(table.at[pl.ds(zlo, rows)],
                        out_hbm.at[slot, pl.ds(zlo, rows)])
        plsc.subcore_barrier()


_sc_scatter = pl.kernel(
    _sc_scatter_body,
    out_type=jax.ShapeDtypeStruct((4, NPAD, 32), jnp.float32),
    mesh=plsc.VectorSubcoreMesh(core_axis_name="c", subcore_axis_name="s"),
    scratch_types=[
        pltpu.VMEM((IB, 128), jnp.int32),
        pltpu.VMEM((IB, 128, 32), jnp.float32),
        pltpu.VMEM_SHARED((NPAD, 32), jnp.float32),
        pltpu.SemaphoreType.DMA,
        pltpu.SemaphoreType.DMA,
    ],
    compiler_params=pltpu.CompilerParams(use_tc_tiling_on_sc=False),
)


def _node_enc_kernel(x_ref, w1, b1, w2, b2, w3, b3, g, be, o_ref):
    h = _mlp3_tx(x_ref[...], w1[...], b1[...], w2[...], b2[...],
                 w3[...], b3[...])
    mu = jnp.mean(h, axis=-1, keepdims=True)
    d = h - mu
    var = jnp.mean(d * d, axis=-1, keepdims=True)
    o_ref[...] = d / jnp.sqrt(var + 1e-5) * g[...] + be[...]


def _node_encode(nodes_t, *w):
    wspecs = [pl.BlockSpec(a.shape, lambda i: (0, 0)) for a in w]
    return pl.pallas_call(
        _node_enc_kernel,
        grid=(NPAD // BLK_N,),
        in_specs=[pl.BlockSpec((16, BLK_N), lambda i: (0, i))] + wspecs,
        out_specs=pl.BlockSpec((BLK_N, 32), lambda i: (i, 0)),
        out_shape=jax.ShapeDtypeStruct((N_NODES, 32), jnp.float32),
        compiler_params=pltpu.CompilerParams(
            dimension_semantics=("parallel",)),
    )(nodes_t, *w)


def _node_upd_kernel(h_ref, agg_ref,
                     uw1, ub1, uw2, ub2, uw3, ub3, ug, ube,
                     dw1, db1, dw2, db2, dw3, db3, o_ref):
    h = h_ref[...]
    a = agg_ref[...]
    agg = jnp.concatenate([a[0], a[1], a[2] + a[3]], axis=-1)
    for _ in range(3):
        h = _mlp_ln(jnp.concatenate([h, agg], axis=-1),
                    uw1[...], ub1[...], uw2[...], ub2[...],
                    uw3[...], ub3[...], ug[...], ube[...])
    h = jnp.maximum(jnp.dot(h, dw1[...], preferred_element_type=jnp.float32)
                    + db1[...], 0.0)
    h = jnp.maximum(jnp.dot(h, dw2[...], preferred_element_type=jnp.float32)
                    + db2[...], 0.0)
    o_ref[...] = (jnp.dot(h, dw3[...], preferred_element_type=jnp.float32)
                  + db3[...])


def _node_update(h0, agg, *w):
    wspecs = [pl.BlockSpec(a.shape, lambda i: (0, 0)) for a in w]
    return pl.pallas_call(
        _node_upd_kernel,
        grid=(NPAD // BLK_N,),
        in_specs=[
            pl.BlockSpec((BLK_N, 32), lambda i: (i, 0)),
            pl.BlockSpec((4, BLK_N, 32), lambda i: (0, i, 0)),
        ] + wspecs,
        out_specs=pl.BlockSpec((BLK_N, 3), lambda i: (i, 0)),
        out_shape=jax.ShapeDtypeStruct((N_NODES, 3), jnp.float32),
        compiler_params=pltpu.CompilerParams(
            dimension_semantics=("parallel",)),
    )(h0, agg, *w)


def _mlp_weights(p, with_ln):
    (w1, b1), (w2, b2), (w3, b3) = p["layers"]
    ws = [w1.T, b1[None, :], w2.T, b2[None, :], w3.T, b3[None, :]]
    if with_ln:
        g, be = p["ln"]
        ws += [g[None, :], be[None, :]]
    return ws


def kernel(nodes, body, cable, con, edge_type, senders, receivers,
           p_node_enc, p_body_enc, p_cable_enc, p_con_enc,
           p_edge_upd, p_node_upd, p_dec):
    del edge_type, senders, p_edge_upd

    encs = (p_body_enc, p_cable_enc, p_con_enc)
    ew = [jnp.stack([_mlp_weights(p, True)[i] for p in encs])
          for i in range(8)]
    e = _edge_encode(body.T, cable.T, con.T, *ew)

    recv = receivers.reshape(3, E_EACH)
    recv = jnp.pad(recv, ((0, 0), (0, EPAD - E_EACH)), constant_values=DUMMY)
    recv = recv.reshape(3, NIDX, 128)
    zeros = jnp.zeros((NPAD, 32), jnp.float32)
    agg = _sc_scatter(e, recv, zeros)

    h0 = _node_encode(nodes.T, *_mlp_weights(p_node_enc, True))
    out = _node_update(h0, agg, *(_mlp_weights(p_node_upd, True)
                                  + _mlp_weights(p_dec, False)))
    return out

# --- scband reference (transcript-rebuilt; emitter-appended) ---
"""Pipeline reference for scband-custom-gnn-5394478924556 (READ-ONLY COPY).

The authoritative reference and input builder live on the scoring server;
editing this copy changes nothing except your own understanding.
"""

import jax, jax.numpy as jnp
import numpy as np

N_NODES = 50000
E_EACH = 266667
LATENT = 32
HIDDEN = 64
DEPTH = 2
N_MP = 3
NODE_SZ = 16
BODY_SZ = 8
CABLE_SZ = 8
CON_SZ = 8


def init_mlp(key, in_sz, out_sz, width, depth, with_ln=True):
    sizes = [in_sz] + [width] * depth + [out_sz]
    layers = []
    keys = jax.random.split(key, len(sizes) - 1)
    for i in range(len(sizes) - 1):
        wk, bk = jax.random.split(keys[i])
        lim = 1.0 / np.sqrt(sizes[i])
        W = jax.random.uniform(wk, (sizes[i + 1], sizes[i]), minval=-lim, maxval=lim, dtype=jnp.float32)
        b = jax.random.uniform(bk, (sizes[i + 1],), minval=-lim, maxval=lim, dtype=jnp.float32)
        layers.append((W, b))
    ln = (jnp.ones((out_sz,), jnp.float32), jnp.zeros((out_sz,), jnp.float32)) if with_ln else ()
    return {"layers": layers, "ln": ln}


def apply_mlp(p, x):
    h = x
    n = len(p["layers"])
    for i, (W, b) in enumerate(p["layers"]):
        h = h @ W.T + b
        if i < n - 1:
            h = jax.nn.relu(h)
    if len(p["ln"]) > 0:
        g, be = p["ln"]
        mu = jnp.mean(h, axis=-1, keepdims=True)
        var = jnp.mean((h - mu) ** 2, axis=-1, keepdims=True)
        h = (h - mu) / jnp.sqrt(var + 1e-5) * g + be
    return h


def setup_inputs(seed: int = 0):
    key = jax.random.key(seed)
    ks = jax.random.split(key, 16)
    E = 3 * E_EACH
    nodes = jax.random.normal(ks[0], (N_NODES, NODE_SZ), dtype=jnp.float32)
    body = jax.random.normal(ks[1], (E_EACH, BODY_SZ), dtype=jnp.float32)
    cable = jax.random.normal(ks[2], (E_EACH, CABLE_SZ), dtype=jnp.float32)
    con = jax.random.normal(ks[3], (E_EACH, CON_SZ), dtype=jnp.float32)
    edge_type = jnp.concatenate([
        jnp.zeros((E_EACH,), jnp.float32),
        jnp.ones((E_EACH,), jnp.float32),
        2.0 * jnp.ones((E_EACH,), jnp.float32),
    ])
    senders = jax.random.randint(ks[4], (E,), 0, N_NODES, dtype=jnp.int32)
    receivers = jax.random.randint(ks[5], (E,), 0, N_NODES, dtype=jnp.int32)
    p_node_enc = init_mlp(ks[6], NODE_SZ, LATENT, HIDDEN, DEPTH, True)
    p_body_enc = init_mlp(ks[7], BODY_SZ, LATENT, HIDDEN, DEPTH, True)
    p_cable_enc = init_mlp(ks[8], CABLE_SZ, LATENT, HIDDEN, DEPTH, True)
    p_con_enc = init_mlp(ks[9], CON_SZ, LATENT, HIDDEN, DEPTH, True)
    p_edge_upd = init_mlp(ks[10], LATENT * 3, LATENT, HIDDEN, DEPTH, True)
    p_node_upd = init_mlp(ks[11], LATENT * 4, LATENT, HIDDEN, DEPTH, True)
    p_dec = init_mlp(ks[12], LATENT, 3, HIDDEN, DEPTH, False)
    return {
        "nodes": nodes, "body": body, "cable": cable, "con": con,
        "edge_type": edge_type, "senders": senders, "receivers": receivers,
        "p_node_enc": p_node_enc, "p_body_enc": p_body_enc,
        "p_cable_enc": p_cable_enc, "p_con_enc": p_con_enc,
        "p_edge_upd": p_edge_upd, "p_node_upd": p_node_upd, "p_dec": p_dec,
    }


def reference(nodes, body, cable, con, edge_type, senders, receivers,
              p_node_enc, p_body_enc, p_cable_enc, p_con_enc,
              p_edge_upd, p_node_upd, p_dec):
    N = nodes.shape[0]
    # Encoder: nodes and each edge type encoded to latent dim; edge_type appended as last column
    h = apply_mlp(p_node_enc, nodes)
    e = jnp.concatenate([
        apply_mlp(p_body_enc, body),
        apply_mlp(p_cable_enc, cable),
        apply_mlp(p_con_enc, con),
    ], axis=0)
    e = jnp.concatenate([e, edge_type[:, None]], axis=-1)
    # Processor: note that in the original code edge updates and residual connections are
    # computed but DISCARDED (.at[].set() and ._replace() results not assigned). We replicate
    # that behavior faithfully: edges stay fixed; node features are replaced each step.
    for _ in range(N_MP):
        sent = h[senders]
        recv = h[receivers]
        inp_e = jnp.concatenate([e[:, :LATENT], sent, recv], axis=-1)
        _dead = apply_mlp(p_edge_upd, inp_e)  # result discarded, as in original
        seg_ids = receivers * 3 + e[:, -1].astype(jnp.int32)
        agg = jax.ops.segment_sum(e[:, :LATENT], seg_ids, num_segments=N * 3)
        inp_n = jnp.concatenate([h[:, None, :], agg.reshape(N, 3, LATENT)], axis=1).reshape(N, 4 * LATENT)
        h = apply_mlp(p_node_upd, inp_n)
    # Decoder
    return apply_mlp(p_dec, h)

if __name__ == "__main__":
    import jax
    _d = setup_inputs()
    print(jax.jit(kernel)(*tuple(_d.values())))

</pallas_src>

<mosaic_0001>
#map = affine_map<(d0, d1) -> (0, 0, 0)>
#map1 = affine_map<(d0, d1) -> (0, 0)>
module attributes {stable_mosaic.version = 14 : i64} {
  func.func @_sc_scatter_body(%arg0: i32, %arg1: i32, %arg2: memref<3x67584x128xf32, #tpu.memory_space<hbm>>, %arg3: memref<3x2112x128xi32, #tpu.memory_space<hbm>>, %arg4: memref<50176x32xf32, #tpu.memory_space<hbm>>, %arg5: memref<4x50176x32xf32, #tpu.memory_space<hbm>>, %arg6: memref<4x128xi32, #tpu.memory_space<vmem>>, %arg7: memref<4x128x32xf32, #tpu.memory_space<vmem>>, %arg8: memref<50176x32xf32, #tpu.memory_space<vmem_shared>>, %arg9: memref<!tpu.dma_semaphore, #tpu.memory_space<semaphore_mem>>, %arg10: memref<!tpu.dma_semaphore, #tpu.memory_space<semaphore_mem>>) attributes {dimension_semantics = [#tpu.dimension_semantics<core_parallel>, #tpu.dimension_semantics<subcore_parallel>], iteration_bounds = array<i64: 2, 16>, scalar_prefetch = 0 : i64, scratch_operands = 5 : i64, tpu.core_type = #tpu.core_type<sc_vector_subcore>, window_params = [{transform_indices = #map}, {transform_indices = #map}, {transform_indices = #map1}, {transform_indices = #map}]} {
    %mul3A = arith.constant 3136 : i32
    %mul3A_0 = arith.muli %arg1, %mul3A : i32
    "tpu.region"() ({
      %run_scoped3A = tpu.sem_alloc : memref<!tpu.dma_semaphore, #tpu.memory_space<semaphore_mem>>
      %dma_start3A = arith.constant 0 : i32
      %dma_start3A_24 = tpu.memref_slice %arg8[%mul3A_0, %dma_start3A] : memref<50176x32xf32, #tpu.memory_space<vmem_shared>> -> memref<3136x32xf32, #tpu.memory_space<vmem_shared>>
      %dma_start3A_25 = arith.constant 0 : i32
      %dma_start3A_26 = tpu.memref_slice %arg4[%mul3A_0, %dma_start3A_25] : memref<50176x32xf32, #tpu.memory_space<hbm>> -> memref<3136x32xf32, #tpu.memory_space<hbm>>
      tpu.enqueue_dma source(%dma_start3A_26 : memref<3136x32xf32, #tpu.memory_space<hbm>>) target(%dma_start3A_24 : memref<3136x32xf32, #tpu.memory_space<vmem_shared>>) target_semaphore(%run_scoped3A : memref<!tpu.dma_semaphore, #tpu.memory_space<semaphore_mem>>)
      %dma_wait3A = arith.constant 0 : i32
      %dma_wait3A_27 = tpu.memref_slice %arg8[%mul3A_0, %dma_wait3A] : memref<50176x32xf32, #tpu.memory_space<vmem_shared>> -> memref<3136x32xf32, #tpu.memory_space<vmem_shared>>
      %dma_wait3A_28 = arith.constant 0 : i32
      %dma_wait3A_29 = tpu.memref_slice %arg4[%mul3A_0, %dma_wait3A_28] : memref<50176x32xf32, #tpu.memory_space<hbm>> -> memref<3136x32xf32, #tpu.memory_space<hbm>>
      tpu.wait_dma2 semaphore(%run_scoped3A : memref<!tpu.dma_semaphore, #tpu.memory_space<semaphore_mem>>) src(%dma_wait3A_29 : memref<3136x32xf32, #tpu.memory_space<hbm>>) dst(%dma_wait3A_27 : memref<3136x32xf32, #tpu.memory_space<vmem_shared>>)
      tpu.yield
    }) : () -> ()
    %barrier3A = arith.constant 0 : index
    tpu.barrier barrier_id(%barrier3A)
    %scan3A = arith.constant 0 : i32
    %scan3A_1 = arith.constant 0 : i32
    %scan3A_2 = arith.constant 0 : i32
    %scan3A_3 = arith.constant 33 : i32
    %scan3A_4 = arith.addi %scan3A_2, %scan3A_3 : i32
    %scan3A_5 = arith.constant 1 : i32
    scf.for %scan3A_24 = %scan3A_2 to %scan3A_4 step %scan3A_5  : i32 {
      %mul3A_25 = arith.constant 16 : i32
      %mul3A_26 = arith.muli %mul3A_25, %scan3A_24 : i32
      %add3A_27 = arith.addi %arg1, %mul3A_26 : i32
      %lt3A = arith.constant 528 : i32
      %lt3A_28 = arith.cmpi slt, %add3A_27, %lt3A : i32
      %convert_element_type3A = arith.extui %lt3A_28 : i1 to i32
      %cond3A = arith.constant 0 : i32
      %cond3A_29 = arith.cmpi ne, %convert_element_type3A, %cond3A : i32
      scf.if %cond3A_29 {
        %add3A_30 = arith.addi %scan3A_1, %add3A_27 : i32
        %mul3A_31 = arith.constant 4 : i32
        %mul3A_32 = arith.muli %add3A_30, %mul3A_31 : i32
        %mul3A_33 = arith.constant 128 : i32
        %mul3A_34 = arith.muli %add3A_30, %mul3A_33 : i32
        %mul3A_35 = arith.constant 128 : i32
        %mul3A_36 = arith.muli %add3A_30, %mul3A_35 : i32
        %mul3A_37 = arith.constant 128 : i32
        %mul3A_38 = arith.muli %add3A_30, %mul3A_37 : i32
        %mul3A_39 = arith.constant 128 : i32
        %mul3A_40 = arith.muli %add3A_30, %mul3A_39 : i32
        %dma_start3A = arith.constant 0 : i32
        %dma_start3A_41 = tpu.memref_slice %arg3[%arg0, %mul3A_32, %dma_start3A] : memref<3x2112x128xi32, #tpu.memory_space<hbm>> -> memref<1x4x128xi32, #tpu.memory_space<hbm>>
        %dma_start3A_42 = tpu.memref_squeeze %dma_start3A_41 : memref<1x4x128xi32, #tpu.memory_space<hbm>> -> memref<4x128xi32, #tpu.memory_space<hbm>>
        %dma_start3A_43 = arith.constant 0 : i32
        %dma_start3A_44 = tpu.memref_slice %arg3[%arg0, %mul3A_32, %dma_start3A_43] : memref<3x2112x128xi32, #tpu.memory_space<hbm>> -> memref<1x4x128xi32, #tpu.memory_space<hbm>>
        %dma_start3A_45 = tpu.memref_squeeze %dma_start3A_44 : memref<1x4x128xi32, #tpu.memory_space<hbm>> -> memref<4x128xi32, #tpu.memory_space<hbm>>
        tpu.enqueue_dma source(%dma_start3A_45 : memref<4x128xi32, #tpu.memory_space<hbm>>) target(%arg6 : memref<4x128xi32, #tpu.memory_space<vmem>>) target_semaphore(%arg9 : memref<!tpu.dma_semaphore, #tpu.memory_space<semaphore_mem>>)
        %dma_start3A_46 = arith.constant 0 : i32
        %dma_start3A_47 = arith.constant 0 : i32
        %dma_start3A_48 = arith.constant 0 : i32
        %dma_start3A_49 = tpu.memref_slice %arg7[%dma_start3A_46, %dma_start3A_47, %dma_start3A_48] : memref<4x128x32xf32, #tpu.memory_space<vmem>> -> memref<1x128x32xf32, #tpu.memory_space<vmem>>
        %dma_start3A_50 = tpu.memref_squeeze %dma_start3A_49 : memref<1x128x32xf32, #tpu.memory_space<vmem>> -> memref<128x32xf32, #tpu.memory_space<vmem>>
        %dma_start3A_51 = arith.constant 0 : i32
        %dma_start3A_52 = tpu.memref_slice %arg2[%arg0, %mul3A_34, %dma_start3A_51] : memref<3x67584x128xf32, #tpu.memory_space<hbm>> -> memref<1x128x32xf32, #tpu.memory_space<hbm>>
        %dma_start3A_53 = tpu.memref_squeeze %dma_start3A_52 : memref<1x128x32xf32, #tpu.memory_space<hbm>> -> memref<128x32xf32, #tpu.memory_space<hbm>>
        %dma_start3A_54 = arith.constant 0 : i32
        %dma_start3A_55 = arith.constant 0 : i32
        %dma_start3A_56 = tpu.memref_slice %arg7[%dma_start3A_46, %dma_start3A_54, %dma_start3A_55] : memref<4x128x32xf32, #tpu.memory_space<vmem>> -> memref<1x128x32xf32, #tpu.memory_space<vmem>>
        %dma_start3A_57 = tpu.memref_squeeze %dma_start3A_56 : memref<1x128x32xf32, #tpu.memory_space<vmem>> -> memref<128x32xf32, #tpu.memory_space<vmem>>
        %dma_start3A_58 = arith.constant 0 : i32
        %dma_start3A_59 = tpu.memref_slice %arg2[%arg0, %mul3A_34, %dma_start3A_58] : memref<3x67584x128xf32, #tpu.memory_space<hbm>> -> memref<1x128x32xf32, #tpu.memory_space<hbm>>
        %dma_start3A_60 = tpu.memref_squeeze %dma_start3A_59 : memref<1x128x32xf32, #tpu.memory_space<hbm>> -> memref<128x32xf32, #tpu.memory_space<hbm>>
        tpu.enqueue_dma source(%dma_start3A_60 : memref<128x32xf32, #tpu.memory_space<hbm>>) target(%dma_start3A_57 : memref<128x32xf32, #tpu.memory_space<vmem>>) target_semaphore(%arg9 : memref<!tpu.dma_semaphore, #tpu.memory_space<semaphore_mem>>)
        %dma_start3A_61 = arith.constant 1 : i32
        %dma_start3A_62 = arith.constant 0 : i32
        %dma_start3A_63 = arith.constant 0 : i32
        %dma_start3A_64 = tpu.memref_slice %arg7[%dma_start3A_61, %dma_start3A_62, %dma_start3A_63] : memref<4x128x32xf32, #tpu.memory_space<vmem>> -> memref<1x128x32xf32, #tpu.memory_space<vmem>>
        %dma_start3A_65 = tpu.memref_squeeze %dma_start3A_64 : memref<1x128x32xf32, #tpu.memory_space<vmem>> -> memref<128x32xf32, #tpu.memory_space<vmem>>
        %dma_start3A_66 = arith.constant 32 : i32
        %dma_start3A_67 = tpu.memref_slice %arg2[%arg0, %mul3A_36, %dma_start3A_66] : memref<3x67584x128xf32, #tpu.memory_space<hbm>> -> memref<1x128x32xf32, #tpu.memory_space<hbm>>
        %dma_start3A_68 = tpu.memref_squeeze %dma_start3A_67 : memref<1x128x32xf32, #tpu.memory_space<hbm>> -> memref<128x32xf32, #tpu.memory_space<hbm>>
        %dma_start3A_69 = arith.constant 0 : i32
        %dma_start3A_70 = arith.constant 0 : i32
        %dma_start3A_71 = tpu.memref_slice %arg7[%dma_start3A_61, %dma_start3A_69, %dma_start3A_70] : memref<4x128x32xf32, #tpu.memory_space<vmem>> -> memref<1x128x32xf32, #tpu.memory_space<vmem>>
        %dma_start3A_72 = tpu.memref_squeeze %dma_start3A_71 : memref<1x128x32xf32, #tpu.memory_space<vmem>> -> memref<128x32xf32, #tpu.memory_space<vmem>>
        %dma_start3A_73 = arith.constant 32 : i32
        %dma_start3A_74 = tpu.memref_slice %arg2[%arg0, %mul3A_36, %dma_start3A_73] : memref<3x67584x128xf32, #tpu.memory_space<hbm>> -> memref<1x128x32xf32, #tpu.memory_space<hbm>>
        %dma_start3A_75 = tpu.memref_squeeze %dma_start3A_74 : memref<1x128x32xf32, #tpu.memory_space<hbm>> -> memref<128x32xf32, #tpu.memory_space<hbm>>
        tpu.enqueue_dma source(%dma_start3A_75 : memref<128x32xf32, #tpu.memory_space<hbm>>) target(%dma_start3A_72 : memref<128x32xf32, #tpu.memory_space<vmem>>) target_semaphore(%arg9 : memref<!tpu.dma_semaphore, #tpu.memory_space<semaphore_mem>>)
        %dma_start3A_76 = arith.constant 2 : i32
        %dma_start3A_77 = arith.constant 0 : i32
        %dma_start3A_78 = arith.constant 0 : i32
        %dma_start3A_79 = tpu.memref_slice %arg7[%dma_start3A_76, %dma_start3A_77, %dma_start3A_78] : memref<4x128x32xf32, #tpu.memory_space<vmem>> -> memref<1x128x32xf32, #tpu.memory_space<vmem>>
        %dma_start3A_80 = tpu.memref_squeeze %dma_start3A_79 : memref<1x128x32xf32, #tpu.memory_space<vmem>> -> memref<128x32xf32, #tpu.memory_space<vmem>>
        %dma_start3A_81 = arith.constant 64 : i32
        %dma_start3A_82 = tpu.memref_slice %arg2[%arg0, %mul3A_38, %dma_start3A_81] : memref<3x67584x128xf32, #tpu.memory_space<hbm>> -> memref<1x128x32xf32, #tpu.memory_space<hbm>>
        %dma_start3A_83 = tpu.memref_squeeze %dma_start3A_82 : memref<1x128x32xf32, #tpu.memory_space<hbm>> -> memref<128x32xf32, #tpu.memory_space<hbm>>
        %dma_start3A_84 = arith.constant 0 : i32
        %dma_start3A_85 = arith.constant 0 : i32
        %dma_start3A_86 = tpu.memref_slice %arg7[%dma_start3A_76, %dma_start3A_84, %dma_start3A_85] : memref<4x128x32xf32, #tpu.memory_space<vmem>> -> memref<1x128x32xf32, #tpu.memory_space<vmem>>
        %dma_start3A_87 = tpu.memref_squeeze %dma_start3A_86 : memref<1x128x32xf32, #tpu.memory_space<vmem>> -> memref<128x32xf32, #tpu.memory_space<vmem>>
        %dma_start3A_88 = arith.constant 64 : i32
        %dma_start3A_89 = tpu.memref_slice %arg2[%arg0, %mul3A_38, %dma_start3A_88] : memref<3x67584x128xf32, #tpu.memory_space<hbm>> -> memref<1x128x32xf32, #tpu.memory_space<hbm>>
        %dma_start3A_90 = tpu.memref_squeeze %dma_start3A_89 : memref<1x128x32xf32, #tpu.memory_space<hbm>> -> memref<128x32xf32, #tpu.memory_space<hbm>>
        tpu.enqueue_dma source(%dma_start3A_90 : memref<128x32xf32, #tpu.memory_space<hbm>>) target(%dma_start3A_87 : memref<128x32xf32, #tpu.memory_space<vmem>>) target_semaphore(%arg9 : memref<!tpu.dma_semaphore, #tpu.memory_space<semaphore_mem>>)
        %dma_start3A_91 = arith.constant 3 : i32
        %dma_start3A_92 = arith.constant 0 : i32
        %dma_start3A_93 = arith.constant 0 : i32
        %dma_start3A_94 = tpu.memref_slice %arg7[%dma_start3A_91, %dma_start3A_92, %dma_start3A_93] : memref<4x128x32xf32, #tpu.memory_space<vmem>> -> memref<1x128x32xf32, #tpu.memory_space<vmem>>
        %dma_start3A_95 = tpu.memref_squeeze %dma_start3A_94 : memref<1x128x32xf32, #tpu.memory_space<vmem>> -> memref<128x32xf32, #tpu.memory_space<vmem>>
        %dma_start3A_96 = arith.constant 96 : i32
        %dma_start3A_97 = tpu.memref_slice %arg2[%arg0, %mul3A_40, %dma_start3A_96] : memref<3x67584x128xf32, #tpu.memory_space<hbm>> -> memref<1x128x32xf32, #tpu.memory_space<hbm>>
        %dma_start3A_98 = tpu.memref_squeeze %dma_start3A_97 : memref<1x128x32xf32, #tpu.memory_space<hbm>> -> memref<128x32xf32, #tpu.memory_space<hbm>>
        %dma_start3A_99 = arith.constant 0 : i32
        %dma_start3A_100 = arith.constant 0 : i32
        %dma_start3A_101 = tpu.memref_slice %arg7[%dma_start3A_91, %dma_start3A_99, %dma_start3A_100] : memref<4x128x32xf32, #tpu.memory_space<vmem>> -> memref<1x128x32xf32, #tpu.memory_space<vmem>>
        %dma_start3A_102 = tpu.memref_squeeze %dma_start3A_101 : memref<1x128x32xf32, #tpu.memory_space<vmem>> -> memref<128x32xf32, #tpu.memory_space<vmem>>
        %dma_start3A_103 = arith.constant 96 : i32
        %dma_start3A_104 = tpu.memref_slice %arg2[%arg0, %mul3A_40, %dma_start3A_103] : memref<3x67584x128xf32, #tpu.memory_space<hbm>> -> memref<1x128x32xf32, #tpu.memory_space<hbm>>
        %dma_start3A_105 = tpu.memref_squeeze %dma_start3A_104 : memref<1x128x32xf32, #tpu.memory_space<hbm>> -> memref<128x32xf32, #tpu.memory_space<hbm>>
        tpu.enqueue_dma source(%dma_start3A_105 : memref<128x32xf32, #tpu.memory_space<hbm>>) target(%dma_start3A_102 : memref<128x32xf32, #tpu.memory_space<vmem>>) target_semaphore(%arg9 : memref<!tpu.dma_semaphore, #tpu.memory_space<semaphore_mem>>)
        %dma_wait3A = arith.constant 0 : i32
        %dma_wait3A_106 = tpu.memref_slice %arg3[%arg0, %mul3A_32, %dma_wait3A] : memref<3x2112x128xi32, #tpu.memory_space<hbm>> -> memref<1x4x128xi32, #tpu.memory_space<hbm>>
        %dma_wait3A_107 = tpu.memref_squeeze %dma_wait3A_106 : memref<1x4x128xi32, #tpu.memory_space<hbm>> -> memref<4x128xi32, #tpu.memory_space<hbm>>
        %dma_wait3A_108 = arith.constant 0 : i32
        %dma_wait3A_109 = tpu.memref_slice %arg3[%arg0, %mul3A_32, %dma_wait3A_108] : memref<3x2112x128xi32, #tpu.memory_space<hbm>> -> memref<1x4x128xi32, #tpu.memory_space<hbm>>
        %dma_wait3A_110 = tpu.memref_squeeze %dma_wait3A_109 : memref<1x4x128xi32, #tpu.memory_space<hbm>> -> memref<4x128xi32, #tpu.memory_space<hbm>>
        tpu.wait_dma2 semaphore(%arg9 : memref<!tpu.dma_semaphore, #tpu.memory_space<semaphore_mem>>) src(%dma_wait3A_110 : memref<4x128xi32, #tpu.memory_space<hbm>>) dst(%arg6 : memref<4x128xi32, #tpu.memory_space<vmem>>)
        %dma_wait3A_111 = arith.constant 0 : i32
        %dma_wait3A_112 = arith.constant 0 : i32
        %dma_wait3A_113 = arith.constant 0 : i32
        %dma_wait3A_114 = tpu.memref_slice %arg7[%dma_wait3A_111, %dma_wait3A_112, %dma_wait3A_113] : memref<4x128x32xf32, #tpu.memory_space<vmem>> -> memref<1x128x32xf32, #tpu.memory_space<vmem>>
        %dma_wait3A_115 = tpu.memref_squeeze %dma_wait3A_114 : memref<1x128x32xf32, #tpu.memory_space<vmem>> -> memref<128x32xf32, #tpu.memory_space<vmem>>
        %dma_wait3A_116 = arith.constant 0 : i32
        %dma_wait3A_117 = tpu.memref_slice %arg2[%arg0, %mul3A_34, %dma_wait3A_116] : memref<3x67584x128xf32, #tpu.memory_space<hbm>> -> memref<1x128x32xf32, #tpu.memory_space<hbm>>
        %dma_wait3A_118 = tpu.memref_squeeze %dma_wait3A_117 : memref<1x128x32xf32, #tpu.memory_space<hbm>> -> memref<128x32xf32, #tpu.memory_space<hbm>>
        %dma_wait3A_119 = arith.constant 0 : i32
        %dma_wait3A_120 = arith.constant 0 : i32
        %dma_wait3A_121 = tpu.memref_slice %arg7[%dma_wait3A_111, %dma_wait3A_119, %dma_wait3A_120] : memref<4x128x32xf32, #tpu.memory_space<vmem>> -> memref<1x128x32xf32, #tpu.memory_space<vmem>>
        %dma_wait3A_122 = tpu.memref_squeeze %dma_wait3A_121 : memref<1x128x32xf32, #tpu.memory_space<vmem>> -> memref<128x32xf32, #tpu.memory_space<vmem>>
        %dma_wait3A_123 = arith.constant 0 : i32
        %dma_wait3A_124 = tpu.memref_slice %arg2[%arg0, %mul3A_34, %dma_wait3A_123] : memref<3x67584x128xf32, #tpu.memory_space<hbm>> -> memref<1x128x32xf32, #tpu.memory_space<hbm>>
        %dma_wait3A_125 = tpu.memref_squeeze %dma_wait3A_124 : memref<1x128x32xf32, #tpu.memory_space<hbm>> -> memref<128x32xf32, #tpu.memory_space<hbm>>
        tpu.wait_dma2 semaphore(%arg9 : memref<!tpu.dma_semaphore, #tpu.memory_space<semaphore_mem>>) src(%dma_wait3A_125 : memref<128x32xf32, #tpu.memory_space<hbm>>) dst(%dma_wait3A_122 : memref<128x32xf32, #tpu.memory_space<vmem>>)
        %dma_wait3A_126 = arith.constant 1 : i32
        %dma_wait3A_127 = arith.constant 0 : i32
        %dma_wait3A_128 = arith.constant 0 : i32
        %dma_wait3A_129 = tpu.memref_slice %arg7[%dma_wait3A_126, %dma_wait3A_127, %dma_wait3A_128] : memref<4x128x32xf32, #tpu.memory_space<vmem>> -> memref<1x128x32xf32, #tpu.memory_space<vmem>>
        %dma_wait3A_130 = tpu.memref_squeeze %dma_wait3A_129 : memref<1x128x32xf32, #tpu.memory_space<vmem>> -> memref<128x32xf32, #tpu.memory_space<vmem>>
        %dma_wait3A_131 = arith.constant 32 : i32
        %dma_wait3A_132 = tpu.memref_slice %arg2[%arg0, %mul3A_36, %dma_wait3A_131] : memref<3x67584x128xf32, #tpu.memory_space<hbm>> -> memref<1x128x32xf32, #tpu.memory_space<hbm>>
        %dma_wait3A_133 = tpu.memref_squeeze %dma_wait3A_132 : memref<1x128x32xf32, #tpu.memory_space<hbm>> -> memref<128x32xf32, #tpu.memory_space<hbm>>
        %dma_wait3A_134 = arith.constant 0 : i32
        %dma_wait3A_135 = arith.constant 0 : i32
        %dma_wait3A_136 = tpu.memref_slice %arg7[%dma_wait3A_126, %dma_wait3A_134, %dma_wait3A_135] : memref<4x128x32xf32, #tpu.memory_space<vmem>> -> memref<1x128x32xf32, #tpu.memory_space<vmem>>
        %dma_wait3A_137 = tpu.memref_squeeze %dma_wait3A_136 : memref<1x128x32xf32, #tpu.memory_space<vmem>> -> memref<128x32xf32, #tpu.memory_space<vmem>>
        %dma_wait3A_138 = arith.constant 32 : i32
        %dma_wait3A_139 = tpu.memref_slice %arg2[%arg0, %mul3A_36, %dma_wait3A_138] : memref<3x67584x128xf32, #tpu.memory_space<hbm>> -> memref<1x128x32xf32, #tpu.memory_space<hbm>>
        %dma_wait3A_140 = tpu.memref_squeeze %dma_wait3A_139 : memref<1x128x32xf32, #tpu.memory_space<hbm>> -> memref<128x32xf32, #tpu.memory_space<hbm>>
        tpu.wait_dma2 semaphore(%arg9 : memref<!tpu.dma_semaphore, #tpu.memory_space<semaphore_mem>>) src(%dma_wait3A_140 : memref<128x32xf32, #tpu.memory_space<hbm>>) dst(%dma_wait3A_137 : memref<128x32xf32, #tpu.memory_space<vmem>>)
        %dma_wait3A_141 = arith.constant 2 : i32
        %dma_wait3A_142 = arith.constant 0 : i32
        %dma_wait3A_143 = arith.constant 0 : i32
        %dma_wait3A_144 = tpu.memref_slice %arg7[%dma_wait3A_141, %dma_wait3A_142, %dma_wait3A_143] : memref<4x128x32xf32, #tpu.memory_space<vmem>> -> memref<1x128x32xf32, #tpu.memory_space<vmem>>
        %dma_wait3A_145 = tpu.memref_squeeze %dma_wait3A_144 : memref<1x128x32xf32, #tpu.memory_space<vmem>> -> memref<128x32xf32, #tpu.memory_space<vmem>>
        %dma_wait3A_146 = arith.constant 64 : i32
        %dma_wait3A_147 = tpu.memref_slice %arg2[%arg0, %mul3A_38, %dma_wait3A_146] : memref<3x67584x128xf32, #tpu.memory_space<hbm>> -> memref<1x128x32xf32, #tpu.memory_space<hbm>>
        %dma_wait3A_148 = tpu.memref_squeeze %dma_wait3A_147 : memref<1x128x32xf32, #tpu.memory_space<hbm>> -> memref<128x32xf32, #tpu.memory_space<hbm>>
        %dma_wait3A_149 = arith.constant 0 : i32
        %dma_wait3A_150 = arith.constant 0 : i32
        %dma_wait3A_151 = tpu.memref_slice %arg7[%dma_wait3A_141, %dma_wait3A_149, %dma_wait3A_150] : memref<4x128x32xf32, #tpu.memory_space<vmem>> -> memref<1x128x32xf32, #tpu.memory_space<vmem>>
        %dma_wait3A_152 = tpu.memref_squeeze %dma_wait3A_151 : memref<1x128x32xf32, #tpu.memory_space<vmem>> -> memref<128x32xf32, #tpu.memory_space<vmem>>
        %dma_wait3A_153 = arith.constant 64 : i32
        %dma_wait3A_154 = tpu.memref_slice %arg2[%arg0, %mul3A_38, %dma_wait3A_153] : memref<3x67584x128xf32, #tpu.memory_space<hbm>> -> memref<1x128x32xf32, #tpu.memory_space<hbm>>
        %dma_wait3A_155 = tpu.memref_squeeze %dma_wait3A_154 : memref<1x128x32xf32, #tpu.memory_space<hbm>> -> memref<128x32xf32, #tpu.memory_space<hbm>>
        tpu.wait_dma2 semaphore(%arg9 : memref<!tpu.dma_semaphore, #tpu.memory_space<semaphore_mem>>) src(%dma_wait3A_155 : memref<128x32xf32, #tpu.memory_space<hbm>>) dst(%dma_wait3A_152 : memref<128x32xf32, #tpu.memory_space<vmem>>)
        %dma_wait3A_156 = arith.constant 3 : i32
        %dma_wait3A_157 = arith.constant 0 : i32
        %dma_wait3A_158 = arith.constant 0 : i32
        %dma_wait3A_159 = tpu.memref_slice %arg7[%dma_wait3A_156, %dma_wait3A_157, %dma_wait3A_158] : memref<4x128x32xf32, #tpu.memory_space<vmem>> -> memref<1x128x32xf32, #tpu.memory_space<vmem>>
        %dma_wait3A_160 = tpu.memref_squeeze %dma_wait3A_159 : memref<1x128x32xf32, #tpu.memory_space<vmem>> -> memref<128x32xf32, #tpu.memory_space<vmem>>
        %dma_wait3A_161 = arith.constant 96 : i32
        %dma_wait3A_162 = tpu.memref_slice %arg2[%arg0, %mul3A_40, %dma_wait3A_161] : memref<3x67584x128xf32, #tpu.memory_space<hbm>> -> memref<1x128x32xf32, #tpu.memory_space<hbm>>
        %dma_wait3A_163 = tpu.memref_squeeze %dma_wait3A_162 : memref<1x128x32xf32, #tpu.memory_space<hbm>> -> memref<128x32xf32, #tpu.memory_space<hbm>>
        %dma_wait3A_164 = arith.constant 0 : i32
        %dma_wait3A_165 = arith.constant 0 : i32
        %dma_wait3A_166 = tpu.memref_slice %arg7[%dma_wait3A_156, %dma_wait3A_164, %dma_wait3A_165] : memref<4x128x32xf32, #tpu.memory_space<vmem>> -> memref<1x128x32xf32, #tpu.memory_space<vmem>>
        %dma_wait3A_167 = tpu.memref_squeeze %dma_wait3A_166 : memref<1x128x32xf32, #tpu.memory_space<vmem>> -> memref<128x32xf32, #tpu.memory_space<vmem>>
        %dma_wait3A_168 = arith.constant 96 : i32
        %dma_wait3A_169 = tpu.memref_slice %arg2[%arg0, %mul3A_40, %dma_wait3A_168] : memref<3x67584x128xf32, #tpu.memory_space<hbm>> -> memref<1x128x32xf32, #tpu.memory_space<hbm>>
        %dma_wait3A_170 = tpu.memref_squeeze %dma_wait3A_169 : memref<1x128x32xf32, #tpu.memory_space<hbm>> -> memref<128x32xf32, #tpu.memory_space<hbm>>
        tpu.wait_dma2 semaphore(%arg9 : memref<!tpu.dma_semaphore, #tpu.memory_space<semaphore_mem>>) src(%dma_wait3A_170 : memref<128x32xf32, #tpu.memory_space<hbm>>) dst(%dma_wait3A_167 : memref<128x32xf32, #tpu.memory_space<vmem>>)
        %dma_start3A_171 = arith.constant 0 : i32
        %dma_start3A_172 = arith.constant 0 : i32
        %dma_start3A_173 = arith.constant 0 : i32
        %dma_start3A_174 = arith.constant 0 : i32
        %dma_start3A_175 = tpu.memref_slice %arg7[%dma_start3A_171, %dma_start3A_173, %dma_start3A_174] : memref<4x128x32xf32, #tpu.memory_space<vmem>> -> memref<1x128x32xf32, #tpu.memory_space<vmem>>
        %dma_start3A_176 = tpu.memref_squeeze %dma_start3A_175 : memref<1x128x32xf32, #tpu.memory_space<vmem>> -> memref<128x32xf32, #tpu.memory_space<vmem>>
        %dma_start3A_177 = arith.constant 0 : i32
        %dma_start3A_178 = tpu.memref_slice %arg6[%dma_start3A_172, %dma_start3A_177] : memref<4x128xi32, #tpu.memory_space<vmem>> -> memref<1x128xi32, #tpu.memory_space<vmem>>
        %dma_start3A_179 = tpu.memref_squeeze %dma_start3A_178 : memref<1x128xi32, #tpu.memory_space<vmem>> -> memref<128xi32, #tpu.memory_space<vmem>>
        %dma_start3A_180 = arith.constant 0 : i32
        %dma_start3A_181 = arith.constant 0 : i32
        %dma_start3A_182 = tpu.memref_slice %arg8[%dma_start3A_180, %dma_start3A_181] : memref<50176x32xf32, #tpu.memory_space<vmem_shared>> -> memref<50176x32xf32, #tpu.memory_space<vmem_shared>>
        tpu.enqueue_indirect_dma source(%dma_start3A_176 : memref<128x32xf32, #tpu.memory_space<vmem>>) target(%dma_start3A_182 : memref<50176x32xf32, #tpu.memory_space<vmem_shared>>) offsets(%dma_start3A_179 : memref<128xi32, #tpu.memory_space<vmem>>) semaphore(%arg10 : memref<!tpu.dma_semaphore, #tpu.memory_space<semaphore_mem>>) {add = true}
        %dma_start3A_183 = arith.constant 1 : i32
        %dma_start3A_184 = arith.constant 1 : i32
        %dma_start3A_185 = arith.constant 0 : i32
        %dma_start3A_186 = arith.constant 0 : i32
        %dma_start3A_187 = tpu.memref_slice %arg7[%dma_start3A_183, %dma_start3A_185, %dma_start3A_186] : memref<4x128x32xf32, #tpu.memory_space<vmem>> -> memref<1x128x32xf32, #tpu.memory_space<vmem>>
        %dma_start3A_188 = tpu.memref_squeeze %dma_start3A_187 : memref<1x128x32xf32, #tpu.memory_space<vmem>> -> memref<128x32xf32, #tpu.memory_space<vmem>>
        %dma_start3A_189 = arith.constant 0 : i32
        %dma_start3A_190 = tpu.memref_slice %arg6[%dma_start3A_184, %dma_start3A_189] : memref<4x128xi32, #tpu.memory_space<vmem>> -> memref<1x128xi32, #tpu.memory_space<vmem>>
        %dma_start3A_191 = tpu.memref_squeeze %dma_start3A_190 : memref<1x128xi32, #tpu.memory_space<vmem>> -> memref<128xi32, #tpu.memory_space<vmem>>
        %dma_start3A_192 = arith.constant 0 : i32
        %dma_start3A_193 = arith.constant 0 : i32
        %dma_start3A_194 = tpu.memref_slice %arg8[%dma_start3A_192, %dma_start3A_193] : memref<50176x32xf32, #tpu.memory_space<vmem_shared>> -> memref<50176x32xf32, #tpu.memory_space<vmem_shared>>
        tpu.enqueue_indirect_dma source(%dma_start3A_188 : memref<128x32xf32, #tpu.memory_space<vmem>>) target(%dma_start3A_194 : memref<50176x32xf32, #tpu.memory_space<vmem_shared>>) offsets(%dma_start3A_191 : memref<128xi32, #tpu.memory_space<vmem>>) semaphore(%arg10 : memref<!tpu.dma_semaphore, #tpu.memory_space<semaphore_mem>>) {add = true}
        %dma_start3A_195 = arith.constant 2 : i32
        %dma_start3A_196 = arith.constant 2 : i32
        %dma_start3A_197 = arith.constant 0 : i32
        %dma_start3A_198 = arith.constant 0 : i32
        %dma_start3A_199 = tpu.memref_slice %arg7[%dma_start3A_195, %dma_start3A_197, %dma_start3A_198] : memref<4x128x32xf32, #tpu.memory_space<vmem>> -> memref<1x128x32xf32, #tpu.memory_space<vmem>>
        %dma_start3A_200 = tpu.memref_squeeze %dma_start3A_199 : memref<1x128x32xf32, #tpu.memory_space<vmem>> -> memref<128x32xf32, #tpu.memory_space<vmem>>
        %dma_start3A_201 = arith.constant 0 : i32
        %dma_start3A_202 = tpu.memref_slice %arg6[%dma_start3A_196, %dma_start3A_201] : memref<4x128xi32, #tpu.memory_space<vmem>> -> memref<1x128xi32, #tpu.memory_space<vmem>>
        %dma_start3A_203 = tpu.memref_squeeze %dma_start3A_202 : memref<1x128xi32, #tpu.memory_space<vmem>> -> memref<128xi32, #tpu.memory_space<vmem>>
        %dma_start3A_204 = arith.constant 0 : i32
        %dma_start3A_205 = arith.constant 0 : i32
        %dma_start3A_206 = tpu.memref_slice %arg8[%dma_start3A_204, %dma_start3A_205] : memref<50176x32xf32, #tpu.memory_space<vmem_shared>> -> memref<50176x32xf32, #tpu.memory_space<vmem_shared>>
        tpu.enqueue_indirect_dma source(%dma_start3A_200 : memref<128x32xf32, #tpu.memory_space<vmem>>) target(%dma_start3A_206 : memref<50176x32xf32, #tpu.memory_space<vmem_shared>>) offsets(%dma_start3A_203 : memref<128xi32, #tpu.memory_space<vmem>>) semaphore(%arg10 : memref<!tpu.dma_semaphore, #tpu.memory_space<semaphore_mem>>) {add = true}
        %dma_start3A_207 = arith.constant 3 : i32
        %dma_start3A_208 = arith.constant 3 : i32
        %dma_start3A_209 = arith.constant 0 : i32
        %dma_start3A_210 = arith.constant 0 : i32
        %dma_start3A_211 = tpu.memref_slice %arg7[%dma_start3A_207, %dma_start3A_209, %dma_start3A_210] : memref<4x128x32xf32, #tpu.memory_space<vmem>> -> memref<1x128x32xf32, #tpu.memory_space<vmem>>
        %dma_start3A_212 = tpu.memref_squeeze %dma_start3A_211 : memref<1x128x32xf32, #tpu.memory_space<vmem>> -> memref<128x32xf32, #tpu.memory_space<vmem>>
        %dma_start3A_213 = arith.constant 0 : i32
        %dma_start3A_214 = tpu.memref_slice %arg6[%dma_start3A_208, %dma_start3A_213] : memref<4x128xi32, #tpu.memory_space<vmem>> -> memref<1x128xi32, #tpu.memory_space<vmem>>
        %dma_start3A_215 = tpu.memref_squeeze %dma_start3A_214 : memref<1x128xi32, #tpu.memory_space<vmem>> -> memref<128xi32, #tpu.memory_space<vmem>>
        %dma_start3A_216 = arith.constant 0 : i32
        %dma_start3A_217 = arith.constant 0 : i32
        %dma_start3A_218 = tpu.memref_slice %arg8[%dma_start3A_216, %dma_start3A_217] : memref<50176x32xf32, #tpu.memory_space<vmem_shared>> -> memref<50176x32xf32, #tpu.memory_space<vmem_shared>>
        tpu.enqueue_indirect_dma source(%dma_start3A_212 : memref<128x32xf32, #tpu.memory_space<vmem>>) target(%dma_start3A_218 : memref<50176x32xf32, #tpu.memory_space<vmem_shared>>) offsets(%dma_start3A_215 : memref<128xi32, #tpu.memory_space<vmem>>) semaphore(%arg10 : memref<!tpu.dma_semaphore, #tpu.memory_space<semaphore_mem>>) {add = true}
        %dma_wait3A_219 = arith.constant 0 : i32
        %dma_wait3A_220 = arith.constant 0 : i32
        %dma_wait3A_221 = arith.constant 0 : i32
        %dma_wait3A_222 = arith.constant 0 : i32
        %dma_wait3A_223 = tpu.memref_slice %arg7[%dma_wait3A_219, %dma_wait3A_221, %dma_wait3A_222] : memref<4x128x32xf32, #tpu.memory_space<vmem>> -> memref<1x128x32xf32, #tpu.memory_space<vmem>>
        %dma_wait3A_224 = tpu.memref_squeeze %dma_wait3A_223 : memref<1x128x32xf32, #tpu.memory_space<vmem>> -> memref<128x32xf32, #tpu.memory_space<vmem>>
        %dma_wait3A_225 = arith.constant 0 : i32
        %dma_wait3A_226 = tpu.memref_slice %arg6[%dma_wait3A_220, %dma_wait3A_225] : memref<4x128xi32, #tpu.memory_space<vmem>> -> memref<1x128xi32, #tpu.memory_space<vmem>>
        %dma_wait3A_227 = tpu.memref_squeeze %dma_wait3A_226 : memref<1x128xi32, #tpu.memory_space<vmem>> -> memref<128xi32, #tpu.memory_space<vmem>>
        %dma_wait3A_228 = arith.constant 0 : i32
        %dma_wait3A_229 = arith.constant 0 : i32
        %dma_wait3A_230 = tpu.memref_slice %arg8[%dma_wait3A_228, %dma_wait3A_229] : memref<50176x32xf32, #tpu.memory_space<vmem_shared>> -> memref<50176x32xf32, #tpu.memory_space<vmem_shared>>
        tpu.wait_indirect_dma semaphore(%arg10 : memref<!tpu.dma_semaphore, #tpu.memory_space<semaphore_mem>>) src(%dma_wait3A_224 : memref<128x32xf32, #tpu.memory_space<vmem>>) dst(%dma_wait3A_230 : memref<50176x32xf32, #tpu.memory_space<vmem_shared>>)
        %dma_wait3A_231 = arith.constant 1 : i32
        %dma_wait3A_232 = arith.constant 1 : i32
        %dma_wait3A_233 = arith.constant 0 : i32
        %dma_wait3A_234 = arith.constant 0 : i32
        %dma_wait3A_235 = tpu.memref_slice %arg7[%dma_wait3A_231, %dma_wait3A_233, %dma_wait3A_234] : memref<4x128x32xf32, #tpu.memory_space<vmem>> -> memref<1x128x32xf32, #tpu.memory_space<vmem>>
        %dma_wait3A_236 = tpu.memref_squeeze %dma_wait3A_235 : memref<1x128x32xf32, #tpu.memory_space<vmem>> -> memref<128x32xf32, #tpu.memory_space<vmem>>
        %dma_wait3A_237 = arith.constant 0 : i32
        %dma_wait3A_238 = tpu.memref_slice %arg6[%dma_wait3A_232, %dma_wait3A_237] : memref<4x128xi32, #tpu.memory_space<vmem>> -> memref<1x128xi32, #tpu.memory_space<vmem>>
        %dma_wait3A_239 = tpu.memref_squeeze %dma_wait3A_238 : memref<1x128xi32, #tpu.memory_space<vmem>> -> memref<128xi32, #tpu.memory_space<vmem>>
        %dma_wait3A_240 = arith.constant 0 : i32
        %dma_wait3A_241 = arith.constant 0 : i32
        %dma_wait3A_242 = tpu.memref_slice %arg8[%dma_wait3A_240, %dma_wait3A_241] : memref<50176x32xf32, #tpu.memory_space<vmem_shared>> -> memref<50176x32xf32, #tpu.memory_space<vmem_shared>>
        tpu.wait_indirect_dma semaphore(%arg10 : memref<!tpu.dma_semaphore, #tpu.memory_space<semaphore_mem>>) src(%dma_wait3A_236 : memref<128x32xf32, #tpu.memory_space<vmem>>) dst(%dma_wait3A_242 : memref<50176x32xf32, #tpu.memory_space<vmem_shared>>)
        %dma_wait3A_243 = arith.constant 2 : i32
        %dma_wait3A_244 = arith.constant 2 : i32
        %dma_wait3A_245 = arith.constant 0 : i32
        %dma_wait3A_246 = arith.constant 0 : i32
        %dma_wait3A_247 = tpu.memref_slice %arg7[%dma_wait3A_243, %dma_wait3A_245, %dma_wait3A_246] : memref<4x128x32xf32, #tpu.memory_space<vmem>> -> memref<1x128x32xf32, #tpu.memory_space<vmem>>
        %dma_wait3A_248 = tpu.memref_squeeze %dma_wait3A_247 : memref<1x128x32xf32, #tpu.memory_space<vmem>> -> memref<128x32xf32, #tpu.memory_space<vmem>>
        %dma_wait3A_249 = arith.constant 0 : i32
        %dma_wait3A_250 = tpu.memref_slice %arg6[%dma_wait3A_244, %dma_wait3A_249] : memref<4x128xi32, #tpu.memory_space<vmem>> -> memref<1x128xi32, #tpu.memory_space<vmem>>
        %dma_wait3A_251 = tpu.memref_squeeze %dma_wait3A_250 : memref<1x128xi32, #tpu.memory_space<vmem>> -> memref<128xi32, #tpu.memory_space<vmem>>
        %dma_wait3A_252 = arith.constant 0 : i32
        %dma_wait3A_253 = arith.constant 0 : i32
        %dma_wait3A_254 = tpu.memref_slice %arg8[%dma_wait3A_252, %dma_wait3A_253] : memref<50176x32xf32, #tpu.memory_space<vmem_shared>> -> memref<50176x32xf32, #tpu.memory_space<vmem_shared>>
        tpu.wait_indirect_dma semaphore(%arg10 : memref<!tpu.dma_semaphore, #tpu.memory_space<semaphore_mem>>) src(%dma_wait3A_248 : memref<128x32xf32, #tpu.memory_space<vmem>>) dst(%dma_wait3A_254 : memref<50176x32xf32, #tpu.memory_space<vmem_shared>>)
        %dma_wait3A_255 = arith.constant 3 : i32
        %dma_wait3A_256 = arith.constant 3 : i32
        %dma_wait3A_257 = arith.constant 0 : i32
        %dma_wait3A_258 = arith.constant 0 : i32
        %dma_wait3A_259 = tpu.memref_slice %arg7[%dma_wait3A_255, %dma_wait3A_257, %dma_wait3A_258] : memref<4x128x32xf32, #tpu.memory_space<vmem>> -> memref<1x128x32xf32, #tpu.memory_space<vmem>>
        %dma_wait3A_260 = tpu.memref_squeeze %dma_wait3A_259 : memref<1x128x32xf32, #tpu.memory_space<vmem>> -> memref<128x32xf32, #tpu.memory_space<vmem>>
        %dma_wait3A_261 = arith.constant 0 : i32
        %dma_wait3A_262 = tpu.memref_slice %arg6[%dma_wait3A_256, %dma_wait3A_261] : memref<4x128xi32, #tpu.memory_space<vmem>> -> memref<1x128xi32, #tpu.memory_space<vmem>>
        %dma_wait3A_263 = tpu.memref_squeeze %dma_wait3A_262 : memref<1x128xi32, #tpu.memory_space<vmem>> -> memref<128xi32, #tpu.memory_space<vmem>>
        %dma_wait3A_264 = arith.constant 0 : i32
        %dma_wait3A_265 = arith.constant 0 : i32
        %dma_wait3A_266 = tpu.memref_slice %arg8[%dma_wait3A_264, %dma_wait3A_265] : memref<50176x32xf32, #tpu.memory_space<vmem_shared>> -> memref<50176x32xf32, #tpu.memory_space<vmem_shared>>
        tpu.wait_indirect_dma semaphore(%arg10 : memref<!tpu.dma_semaphore, #tpu.memory_space<semaphore_mem>>) src(%dma_wait3A_260 : memref<128x32xf32, #tpu.memory_space<vmem>>) dst(%dma_wait3A_266 : memref<50176x32xf32, #tpu.memory_space<vmem_shared>>)
      } else {
      }
    }
    %scan3A_6 = arith.constant 33 : i32
    %barrier3A_7 = arith.constant 0 : index
    tpu.barrier barrier_id(%barrier3A_7)
    %add3A = arith.constant 0 : i32
    %add3A_8 = arith.addi %add3A, %arg0 : i32
    "tpu.region"() ({
      %run_scoped3A = tpu.sem_alloc : memref<!tpu.dma_semaphore, #tpu.memory_space<semaphore_mem>>
      %dma_start3A = arith.constant 0 : i32
      %dma_start3A_24 = tpu.memref_slice %arg5[%add3A_8, %mul3A_0, %dma_start3A] : memref<4x50176x32xf32, #tpu.memory_space<hbm>> -> memref<1x3136x32xf32, #tpu.memory_space<hbm>>
      %dma_start3A_25 = tpu.memref_squeeze %dma_start3A_24 : memref<1x3136x32xf32, #tpu.memory_space<hbm>> -> memref<3136x32xf32, #tpu.memory_space<hbm>>
      %dma_start3A_26 = arith.constant 0 : i32
      %dma_start3A_27 = tpu.memref_slice %arg8[%mul3A_0, %dma_start3A_26] : memref<50176x32xf32, #tpu.memory_space<vmem_shared>> -> memref<3136x32xf32, #tpu.memory_space<vmem_shared>>
      tpu.enqueue_dma source(%dma_start3A_27 : memref<3136x32xf32, #tpu.memory_space<vmem_shared>>) target(%dma_start3A_25 : memref<3136x32xf32, #tpu.memory_space<hbm>>) target_semaphore(%run_scoped3A : memref<!tpu.dma_semaphore, #tpu.memory_space<semaphore_mem>>)
      %dma_wait3A = arith.constant 0 : i32
      %dma_wait3A_28 = tpu.memref_slice %arg5[%add3A_8, %mul3A_0, %dma_wait3A] : memref<4x50176x32xf32, #tpu.memory_space<hbm>> -> memref<1x3136x32xf32, #tpu.memory_space<hbm>>
      %dma_wait3A_29 = tpu.memref_squeeze %dma_wait3A_28 : memref<1x3136x32xf32, #tpu.memory_space<hbm>> -> memref<3136x32xf32, #tpu.memory_space<hbm>>
      %dma_wait3A_30 = arith.constant 0 : i32
      %dma_wait3A_31 = tpu.memref_slice %arg8[%mul3A_0, %dma_wait3A_30] : memref<50176x32xf32, #tpu.memory_space<vmem_shared>> -> memref<3136x32xf32, #tpu.memory_space<vmem_shared>>
      tpu.wait_dma2 semaphore(%run_scoped3A : memref<!tpu.dma_semaphore, #tpu.memory_space<semaphore_mem>>) src(%dma_wait3A_31 : memref<3136x32xf32, #tpu.memory_space<vmem_shared>>) dst(%dma_wait3A_29 : memref<3136x32xf32, #tpu.memory_space<hbm>>)
      tpu.yield
    }) : () -> ()
    %barrier3A_9 = arith.constant 0 : index
    tpu.barrier barrier_id(%barrier3A_9)
    "tpu.region"() ({
      %run_scoped3A = tpu.sem_alloc : memref<!tpu.dma_semaphore, #tpu.memory_space<semaphore_mem>>
      %dma_start3A = arith.constant 0 : i32
      %dma_start3A_24 = tpu.memref_slice %arg8[%mul3A_0, %dma_start3A] : memref<50176x32xf32, #tpu.memory_space<vmem_shared>> -> memref<3136x32xf32, #tpu.memory_space<vmem_shared>>
      %dma_start3A_25 = arith.constant 0 : i32
      %dma_start3A_26 = tpu.memref_slice %arg4[%mul3A_0, %dma_start3A_25] : memref<50176x32xf32, #tpu.memory_space<hbm>> -> memref<3136x32xf32, #tpu.memory_space<hbm>>
      tpu.enqueue_dma source(%dma_start3A_26 : memref<3136x32xf32, #tpu.memory_space<hbm>>) target(%dma_start3A_24 : memref<3136x32xf32, #tpu.memory_space<vmem_shared>>) target_semaphore(%run_scoped3A : memref<!tpu.dma_semaphore, #tpu.memory_space<semaphore_mem>>)
      %dma_wait3A = arith.constant 0 : i32
      %dma_wait3A_27 = tpu.memref_slice %arg8[%mul3A_0, %dma_wait3A] : memref<50176x32xf32, #tpu.memory_space<vmem_shared>> -> memref<3136x32xf32, #tpu.memory_space<vmem_shared>>
      %dma_wait3A_28 = arith.constant 0 : i32
      %dma_wait3A_29 = tpu.memref_slice %arg4[%mul3A_0, %dma_wait3A_28] : memref<50176x32xf32, #tpu.memory_space<hbm>> -> memref<3136x32xf32, #tpu.memory_space<hbm>>
      tpu.wait_dma2 semaphore(%run_scoped3A : memref<!tpu.dma_semaphore, #tpu.memory_space<semaphore_mem>>) src(%dma_wait3A_29 : memref<3136x32xf32, #tpu.memory_space<hbm>>) dst(%dma_wait3A_27 : memref<3136x32xf32, #tpu.memory_space<vmem_shared>>)
      tpu.yield
    }) : () -> ()
    %barrier3A_10 = arith.constant 0 : index
    tpu.barrier barrier_id(%barrier3A_10)
    %mul3A_11 = arith.constant 264 : i32
    %mul3A_12 = arith.muli %arg0, %mul3A_11 : i32
    %scan3A_13 = arith.constant 0 : i32
    %scan3A_14 = arith.constant 2 : i32
    %scan3A_15 = arith.constant 0 : i32
    %scan3A_16 = arith.constant 17 : i32
    %scan3A_17 = arith.addi %scan3A_15, %scan3A_16 : i32
    %scan3A_18 = arith.constant 1 : i32
    scf.for %scan3A_24 = %scan3A_15 to %scan3A_17 step %scan3A_18  : i32 {
      %mul3A_25 = arith.constant 16 : i32
      %mul3A_26 = arith.muli %mul3A_25, %scan3A_24 : i32
      %add3A_27 = arith.addi %arg1, %mul3A_26 : i32
      %lt3A = arith.constant 264 : i32
      %lt3A_28 = arith.cmpi slt, %add3A_27, %lt3A : i32
      %convert_element_type3A = arith.extui %lt3A_28 : i1 to i32
      %cond3A = arith.constant 0 : i32
      %cond3A_29 = arith.cmpi ne, %convert_element_type3A, %cond3A : i32
      scf.if %cond3A_29 {
        %add3A_30 = arith.addi %mul3A_12, %add3A_27 : i32
        %mul3A_31 = arith.constant 4 : i32
        %mul3A_32 = arith.muli %add3A_30, %mul3A_31 : i32
        %mul3A_33 = arith.constant 128 : i32
        %mul3A_34 = arith.muli %add3A_30, %mul3A_33 : i32
        %mul3A_35 = arith.constant 128 : i32
        %mul3A_36 = arith.muli %add3A_30, %mul3A_35 : i32
        %mul3A_37 = arith.constant 128 : i32
        %mul3A_38 = arith.muli %add3A_30, %mul3A_37 : i32
        %mul3A_39 = arith.constant 128 : i32
        %mul3A_40 = arith.muli %add3A_30, %mul3A_39 : i32
        %dma_start3A = arith.constant 0 : i32
        %dma_start3A_41 = tpu.memref_slice %arg3[%scan3A_14, %mul3A_32, %dma_start3A] : memref<3x2112x128xi32, #tpu.memory_space<hbm>> -> memref<1x4x128xi32, #tpu.memory_space<hbm>>
        %dma_start3A_42 = tpu.memref_squeeze %dma_start3A_41 : memref<1x4x128xi32, #tpu.memory_space<hbm>> -> memref<4x128xi32, #tpu.memory_space<hbm>>
        %dma_start3A_43 = arith.constant 0 : i32
        %dma_start3A_44 = tpu.memref_slice %arg3[%scan3A_14, %mul3A_32, %dma_start3A_43] : memref<3x2112x128xi32, #tpu.memory_space<hbm>> -> memref<1x4x128xi32, #tpu.memory_space<hbm>>
        %dma_start3A_45 = tpu.memref_squeeze %dma_start3A_44 : memref<1x4x128xi32, #tpu.memory_space<hbm>> -> memref<4x128xi32, #tpu.memory_space<hbm>>
        tpu.enqueue_dma source(%dma_start3A_45 : memref<4x128xi32, #tpu.memory_space<hbm>>) target(%arg6 : memref<4x128xi32, #tpu.memory_space<vmem>>) target_semaphore(%arg9 : memref<!tpu.dma_semaphore, #tpu.memory_space<semaphore_mem>>)
        %dma_start3A_46 = arith.constant 0 : i32
        %dma_start3A_47 = arith.constant 0 : i32
        %dma_start3A_48 = arith.constant 0 : i32
        %dma_start3A_49 = tpu.memref_slice %arg7[%dma_start3A_46, %dma_start3A_47, %dma_start3A_48] : memref<4x128x32xf32, #tpu.memory_space<vmem>> -> memref<1x128x32xf32, #tpu.memory_space<vmem>>
        %dma_start3A_50 = tpu.memref_squeeze %dma_start3A_49 : memref<1x128x32xf32, #tpu.memory_space<vmem>> -> memref<128x32xf32, #tpu.memory_space<vmem>>
        %dma_start3A_51 = arith.constant 0 : i32
        %dma_start3A_52 = tpu.memref_slice %arg2[%scan3A_14, %mul3A_34, %dma_start3A_51] : memref<3x67584x128xf32, #tpu.memory_space<hbm>> -> memref<1x128x32xf32, #tpu.memory_space<hbm>>
        %dma_start3A_53 = tpu.memref_squeeze %dma_start3A_52 : memref<1x128x32xf32, #tpu.memory_space<hbm>> -> memref<128x32xf32, #tpu.memory_space<hbm>>
        %dma_start3A_54 = arith.constant 0 : i32
        %dma_start3A_55 = arith.constant 0 : i32
        %dma_start3A_56 = tpu.memref_slice %arg7[%dma_start3A_46, %dma_start3A_54, %dma_start3A_55] : memref<4x128x32xf32, #tpu.memory_space<vmem>> -> memref<1x128x32xf32, #tpu.memory_space<vmem>>
        %dma_start3A_57 = tpu.memref_squeeze %dma_start3A_56 : memref<1x128x32xf32, #tpu.memory_space<vmem>> -> memref<128x32xf32, #tpu.memory_space<vmem>>
        %dma_start3A_58 = arith.constant 0 : i32
        %dma_start3A_59 = tpu.memref_slice %arg2[%scan3A_14, %mul3A_34, %dma_start3A_58] : memref<3x67584x128xf32, #tpu.memory_space<hbm>> -> memref<1x128x32xf32, #tpu.memory_space<hbm>>
        %dma_start3A_60 = tpu.memref_squeeze %dma_start3A_59 : memref<1x128x32xf32, #tpu.memory_space<hbm>> -> memref<128x32xf32, #tpu.memory_space<hbm>>
        tpu.enqueue_dma source(%dma_start3A_60 : memref<128x32xf32, #tpu.memory_space<hbm>>) target(%dma_start3A_57 : memref<128x32xf32, #tpu.memory_space<vmem>>) target_semaphore(%arg9 : memref<!tpu.dma_semaphore, #tpu.memory_space<semaphore_mem>>)
        %dma_start3A_61 = arith.constant 1 : i32
        %dma_start3A_62 = arith.constant 0 : i32
        %dma_start3A_63 = arith.constant 0 : i32
        %dma_start3A_64 = tpu.memref_slice %arg7[%dma_start3A_61, %dma_start3A_62, %dma_start3A_63] : memref<4x128x32xf32, #tpu.memory_space<vmem>> -> memref<1x128x32xf32, #tpu.memory_space<vmem>>
        %dma_start3A_65 = tpu.memref_squeeze %dma_start3A_64 : memref<1x128x32xf32, #tpu.memory_space<vmem>> -> memref<128x32xf32, #tpu.memory_space<vmem>>
        %dma_start3A_66 = arith.constant 32 : i32
        %dma_start3A_67 = tpu.memref_slice %arg2[%scan3A_14, %mul3A_36, %dma_start3A_66] : memref<3x67584x128xf32, #tpu.memory_space<hbm>> -> memref<1x128x32xf32, #tpu.memory_space<hbm>>
        %dma_start3A_68 = tpu.memref_squeeze %dma_start3A_67 : memref<1x128x32xf32, #tpu.memory_space<hbm>> -> memref<128x32xf32, #tpu.memory_space<hbm>>
        %dma_start3A_69 = arith.constant 0 : i32
        %dma_start3A_70 = arith.constant 0 : i32
        %dma_start3A_71 = tpu.memref_slice %arg7[%dma_start3A_61, %dma_start3A_69, %dma_start3A_70] : memref<4x128x32xf32, #tpu.memory_space<vmem>> -> memref<1x128x32xf32, #tpu.memory_space<vmem>>
        %dma_start3A_72 = tpu.memref_squeeze %dma_start3A_71 : memref<1x128x32xf32, #tpu.memory_space<vmem>> -> memref<128x32xf32, #tpu.memory_space<vmem>>
        %dma_start3A_73 = arith.constant 32 : i32
        %dma_start3A_74 = tpu.memref_slice %arg2[%scan3A_14, %mul3A_36, %dma_start3A_73] : memref<3x67584x128xf32, #tpu.memory_space<hbm>> -> memref<1x128x32xf32, #tpu.memory_space<hbm>>
        %dma_start3A_75 = tpu.memref_squeeze %dma_start3A_74 : memref<1x128x32xf32, #tpu.memory_space<hbm>> -> memref<128x32xf32, #tpu.memory_space<hbm>>
        tpu.enqueue_dma source(%dma_start3A_75 : memref<128x32xf32, #tpu.memory_space<hbm>>) target(%dma_start3A_72 : memref<128x32xf32, #tpu.memory_space<vmem>>) target_semaphore(%arg9 : memref<!tpu.dma_semaphore, #tpu.memory_space<semaphore_mem>>)
        %dma_start3A_76 = arith.constant 2 : i32
        %dma_start3A_77 = arith.constant 0 : i32
        %dma_start3A_78 = arith.constant 0 : i32
        %dma_start3A_79 = tpu.memref_slice %arg7[%dma_start3A_76, %dma_start3A_77, %dma_start3A_78] : memref<4x128x32xf32, #tpu.memory_space<vmem>> -> memref<1x128x32xf32, #tpu.memory_space<vmem>>
        %dma_start3A_80 = tpu.memref_squeeze %dma_start3A_79 : memref<1x128x32xf32, #tpu.memory_space<vmem>> -> memref<128x32xf32, #tpu.memory_space<vmem>>
        %dma_start3A_81 = arith.constant 64 : i32
        %dma_start3A_82 = tpu.memref_slice %arg2[%scan3A_14, %mul3A_38, %dma_start3A_81] : memref<3x67584x128xf32, #tpu.memory_space<hbm>> -> memref<1x128x32xf32, #tpu.memory_space<hbm>>
        %dma_start3A_83 = tpu.memref_squeeze %dma_start3A_82 : memref<1x128x32xf32, #tpu.memory_space<hbm>> -> memref<128x32xf32, #tpu.memory_space<hbm>>
        %dma_start3A_84 = arith.constant 0 : i32
        %dma_start3A_85 = arith.constant 0 : i32
        %dma_start3A_86 = tpu.memref_slice %arg7[%dma_start3A_76, %dma_start3A_84, %dma_start3A_85] : memref<4x128x32xf32, #tpu.memory_space<vmem>> -> memref<1x128x32xf32, #tpu.memory_space<vmem>>
        %dma_start3A_87 = tpu.memref_squeeze %dma_start3A_86 : memref<1x128x32xf32, #tpu.memory_space<vmem>> -> memref<128x32xf32, #tpu.memory_space<vmem>>
        %dma_start3A_88 = arith.constant 64 : i32
        %dma_start3A_89 = tpu.memref_slice %arg2[%scan3A_14, %mul3A_38, %dma_start3A_88] : memref<3x67584x128xf32, #tpu.memory_space<hbm>> -> memref<1x128x32xf32, #tpu.memory_space<hbm>>
        %dma_start3A_90 = tpu.memref_squeeze %dma_start3A_89 : memref<1x128x32xf32, #tpu.memory_space<hbm>> -> memref<128x32xf32, #tpu.memory_space<hbm>>
        tpu.enqueue_dma source(%dma_start3A_90 : memref<128x32xf32, #tpu.memory_space<hbm>>) target(%dma_start3A_87 : memref<128x32xf32, #tpu.memory_space<vmem>>) target_semaphore(%arg9 : memref<!tpu.dma_semaphore, #tpu.memory_space<semaphore_mem>>)
        %dma_start3A_91 = arith.constant 3 : i32
        %dma_start3A_92 = arith.constant 0 : i32
        %dma_start3A_93 = arith.constant 0 : i32
        %dma_start3A_94 = tpu.memref_slice %arg7[%dma_start3A_91, %dma_start3A_92, %dma_start3A_93] : memref<4x128x32xf32, #tpu.memory_space<vmem>> -> memref<1x128x32xf32, #tpu.memory_space<vmem>>
        %dma_start3A_95 = tpu.memref_squeeze %dma_start3A_94 : memref<1x128x32xf32, #tpu.memory_space<vmem>> -> memref<128x32xf32, #tpu.memory_space<vmem>>
        %dma_start3A_96 = arith.constant 96 : i32
        %dma_start3A_97 = tpu.memref_slice %arg2[%scan3A_14, %mul3A_40, %dma_start3A_96] : memref<3x67584x128xf32, #tpu.memory_space<hbm>> -> memref<1x128x32xf32, #tpu.memory_space<hbm>>
        %dma_start3A_98 = tpu.memref_squeeze %dma_start3A_97 : memref<1x128x32xf32, #tpu.memory_space<hbm>> -> memref<128x32xf32, #tpu.memory_space<hbm>>
        %dma_start3A_99 = arith.constant 0 : i32
        %dma_start3A_100 = arith.constant 0 : i32
        %dma_start3A_101 = tpu.memref_slice %arg7[%dma_start3A_91, %dma_start3A_99, %dma_start3A_100] : memref<4x128x32xf32, #tpu.memory_space<vmem>> -> memref<1x128x32xf32, #tpu.memory_space<vmem>>
        %dma_start3A_102 = tpu.memref_squeeze %dma_start3A_101 : memref<1x128x32xf32, #tpu.memory_space<vmem>> -> memref<128x32xf32, #tpu.memory_space<vmem>>
        %dma_start3A_103 = arith.constant 96 : i32
        %dma_start3A_104 = tpu.memref_slice %arg2[%scan3A_14, %mul3A_40, %dma_start3A_103] : memref<3x67584x128xf32, #tpu.memory_space<hbm>> -> memref<1x128x32xf32, #tpu.memory_space<hbm>>
        %dma_start3A_105 = tpu.memref_squeeze %dma_start3A_104 : memref<1x128x32xf32, #tpu.memory_space<hbm>> -> memref<128x32xf32, #tpu.memory_space<hbm>>
        tpu.enqueue_dma source(%dma_start3A_105 : memref<128x32xf32, #tpu.memory_space<hbm>>) target(%dma_start3A_102 : memref<128x32xf32, #tpu.memory_space<vmem>>) target_semaphore(%arg9 : memref<!tpu.dma_semaphore, #tpu.memory_space<semaphore_mem>>)
        %dma_wait3A = arith.constant 0 : i32
        %dma_wait3A_106 = tpu.memref_slice %arg3[%scan3A_14, %mul3A_32, %dma_wait3A] : memref<3x2112x128xi32, #tpu.memory_space<hbm>> -> memref<1x4x128xi32, #tpu.memory_space<hbm>>
        %dma_wait3A_107 = tpu.memref_squeeze %dma_wait3A_106 : memref<1x4x128xi32, #tpu.memory_space<hbm>> -> memref<4x128xi32, #tpu.memory_space<hbm>>
        %dma_wait3A_108 = arith.constant 0 : i32
        %dma_wait3A_109 = tpu.memref_slice %arg3[%scan3A_14, %mul3A_32, %dma_wait3A_108] : memref<3x2112x128xi32, #tpu.memory_space<hbm>> -> memref<1x4x128xi32, #tpu.memory_space<hbm>>
        %dma_wait3A_110 = tpu.memref_squeeze %dma_wait3A_109 : memref<1x4x128xi32, #tpu.memory_space<hbm>> -> memref<4x128xi32, #tpu.memory_space<hbm>>
        tpu.wait_dma2 semaphore(%arg9 : memref<!tpu.dma_semaphore, #tpu.memory_space<semaphore_mem>>) src(%dma_wait3A_110 : memref<4x128xi32, #tpu.memory_space<hbm>>) dst(%arg6 : memref<4x128xi32, #tpu.memory_space<vmem>>)
        %dma_wait3A_111 = arith.constant 0 : i32
        %dma_wait3A_112 = arith.constant 0 : i32
        %dma_wait3A_113 = arith.constant 0 : i32
        %dma_wait3A_114 = tpu.memref_slice %arg7[%dma_wait3A_111, %dma_wait3A_112, %dma_wait3A_113] : memref<4x128x32xf32, #tpu.memory_space<vmem>> -> memref<1x128x32xf32, #tpu.memory_space<vmem>>
        %dma_wait3A_115 = tpu.memref_squeeze %dma_wait3A_114 : memref<1x128x32xf32, #tpu.memory_space<vmem>> -> memref<128x32xf32, #tpu.memory_space<vmem>>
        %dma_wait3A_116 = arith.constant 0 : i32
        %dma_wait3A_117 = tpu.memref_slice %arg2[%scan3A_14, %mul3A_34, %dma_wait3A_116] : memref<3x67584x128xf32, #tpu.memory_space<hbm>> -> memref<1x128x32xf32, #tpu.memory_space<hbm>>
        %dma_wait3A_118 = tpu.memref_squeeze %dma_wait3A_117 : memref<1x128x32xf32, #tpu.memory_space<hbm>> -> memref<128x32xf32, #tpu.memory_space<hbm>>
        %dma_wait3A_119 = arith.constant 0 : i32
        %dma_wait3A_120 = arith.constant 0 : i32
        %dma_wait3A_121 = tpu.memref_slice %arg7[%dma_wait3A_111, %dma_wait3A_119, %dma_wait3A_120] : memref<4x128x32xf32, #tpu.memory_space<vmem>> -> memref<1x128x32xf32, #tpu.memory_space<vmem>>
        %dma_wait3A_122 = tpu.memref_squeeze %dma_wait3A_121 : memref<1x128x32xf32, #tpu.memory_space<vmem>> -> memref<128x32xf32, #tpu.memory_space<vmem>>
        %dma_wait3A_123 = arith.constant 0 : i32
        %dma_wait3A_124 = tpu.memref_slice %arg2[%scan3A_14, %mul3A_34, %dma_wait3A_123] : memref<3x67584x128xf32, #tpu.memory_space<hbm>> -> memref<1x128x32xf32, #tpu.memory_space<hbm>>
        %dma_wait3A_125 = tpu.memref_squeeze %dma_wait3A_124 : memref<1x128x32xf32, #tpu.memory_space<hbm>> -> memref<128x32xf32, #tpu.memory_space<hbm>>
        tpu.wait_dma2 semaphore(%arg9 : memref<!tpu.dma_semaphore, #tpu.memory_space<semaphore_mem>>) src(%dma_wait3A_125 : memref<128x32xf32, #tpu.memory_space<hbm>>) dst(%dma_wait3A_122 : memref<128x32xf32, #tpu.memory_space<vmem>>)
        %dma_wait3A_126 = arith.constant 1 : i32
        %dma_wait3A_127 = arith.constant 0 : i32
        %dma_wait3A_128 = arith.constant 0 : i32
        %dma_wait3A_129 = tpu.memref_slice %arg7[%dma_wait3A_126, %dma_wait3A_127, %dma_wait3A_128] : memref<4x128x32xf32, #tpu.memory_space<vmem>> -> memref<1x128x32xf32, #tpu.memory_space<vmem>>
        %dma_wait3A_130 = tpu.memref_squeeze %dma_wait3A_129 : memref<1x128x32xf32, #tpu.memory_space<vmem>> -> memref<128x32xf32, #tpu.memory_space<vmem>>
        %dma_wait3A_131 = arith.constant 32 : i32
        %dma_wait3A_132 = tpu.memref_slice %arg2[%scan3A_14, %mul3A_36, %dma_wait3A_131] : memref<3x67584x128xf32, #tpu.memory_space<hbm>> -> memref<1x128x32xf32, #tpu.memory_space<hbm>>
        %dma_wait3A_133 = tpu.memref_squeeze %dma_wait3A_132 : memref<1x128x32xf32, #tpu.memory_space<hbm>> -> memref<128x32xf32, #tpu.memory_space<hbm>>
        %dma_wait3A_134 = arith.constant 0 : i32
        %dma_wait3A_135 = arith.constant 0 : i32
        %dma_wait3A_136 = tpu.memref_slice %arg7[%dma_wait3A_126, %dma_wait3A_134, %dma_wait3A_135] : memref<4x128x32xf32, #tpu.memory_space<vmem>> -> memref<1x128x32xf32, #tpu.memory_space<vmem>>
        %dma_wait3A_137 = tpu.memref_squeeze %dma_wait3A_136 : memref<1x128x32xf32, #tpu.memory_space<vmem>> -> memref<128x32xf32, #tpu.memory_space<vmem>>
        %dma_wait3A_138 = arith.constant 32 : i32
        %dma_wait3A_139 = tpu.memref_slice %arg2[%scan3A_14, %mul3A_36, %dma_wait3A_138] : memref<3x67584x128xf32, #tpu.memory_space<hbm>> -> memref<1x128x32xf32, #tpu.memory_space<hbm>>
        %dma_wait3A_140 = tpu.memref_squeeze %dma_wait3A_139 : memref<1x128x32xf32, #tpu.memory_space<hbm>> -> memref<128x32xf32, #tpu.memory_space<hbm>>
        tpu.wait_dma2 semaphore(%arg9 : memref<!tpu.dma_semaphore, #tpu.memory_space<semaphore_mem>>) src(%dma_wait3A_140 : memref<128x32xf32, #tpu.memory_space<hbm>>) dst(%dma_wait3A_137 : memref<128x32xf32, #tpu.memory_space<vmem>>)
        %dma_wait3A_141 = arith.constant 2 : i32
        %dma_wait3A_142 = arith.constant 0 : i32
        %dma_wait3A_143 = arith.constant 0 : i32
        %dma_wait3A_144 = tpu.memref_slice %arg7[%dma_wait3A_141, %dma_wait3A_142, %dma_wait3A_143] : memref<4x128x32xf32, #tpu.memory_space<vmem>> -> memref<1x128x32xf32, #tpu.memory_space<vmem>>
        %dma_wait3A_145 = tpu.memref_squeeze %dma_wait3A_144 : memref<1x128x32xf32, #tpu.memory_space<vmem>> -> memref<128x32xf32, #tpu.memory_space<vmem>>
        %dma_wait3A_146 = arith.constant 64 : i32
        %dma_wait3A_147 = tpu.memref_slice %arg2[%scan3A_14, %mul3A_38, %dma_wait3A_146] : memref<3x67584x128xf32, #tpu.memory_space<hbm>> -> memref<1x128x32xf32, #tpu.memory_space<hbm>>
        %dma_wait3A_148 = tpu.memref_squeeze %dma_wait3A_147 : memref<1x128x32xf32, #tpu.memory_space<hbm>> -> memref<128x32xf32, #tpu.memory_space<hbm>>
        %dma_wait3A_149 = arith.constant 0 : i32
        %dma_wait3A_150 = arith.constant 0 : i32
        %dma_wait3A_151 = tpu.memref_slice %arg7[%dma_wait3A_141, %dma_wait3A_149, %dma_wait3A_150] : memref<4x128x32xf32, #tpu.memory_space<vmem>> -> memref<1x128x32xf32, #tpu.memory_space<vmem>>
        %dma_wait3A_152 = tpu.memref_squeeze %dma_wait3A_151 : memref<1x128x32xf32, #tpu.memory_space<vmem>> -> memref<128x32xf32, #tpu.memory_space<vmem>>
        %dma_wait3A_153 = arith.constant 64 : i32
        %dma_wait3A_154 = tpu.memref_slice %arg2[%scan3A_14, %mul3A_38, %dma_wait3A_153] : memref<3x67584x128xf32, #tpu.memory_space<hbm>> -> memref<1x128x32xf32, #tpu.memory_space<hbm>>
        %dma_wait3A_155 = tpu.memref_squeeze %dma_wait3A_154 : memref<1x128x32xf32, #tpu.memory_space<hbm>> -> memref<128x32xf32, #tpu.memory_space<hbm>>
        tpu.wait_dma2 semaphore(%arg9 : memref<!tpu.dma_semaphore, #tpu.memory_space<semaphore_mem>>) src(%dma_wait3A_155 : memref<128x32xf32, #tpu.memory_space<hbm>>) dst(%dma_wait3A_152 : memref<128x32xf32, #tpu.memory_space<vmem>>)
        %dma_wait3A_156 = arith.constant 3 : i32
        %dma_wait3A_157 = arith.constant 0 : i32
        %dma_wait3A_158 = arith.constant 0 : i32
        %dma_wait3A_159 = tpu.memref_slice %arg7[%dma_wait3A_156, %dma_wait3A_157, %dma_wait3A_158] : memref<4x128x32xf32, #tpu.memory_space<vmem>> -> memref<1x128x32xf32, #tpu.memory_space<vmem>>
        %dma_wait3A_160 = tpu.memref_squeeze %dma_wait3A_159 : memref<1x128x32xf32, #tpu.memory_space<vmem>> -> memref<128x32xf32, #tpu.memory_space<vmem>>
        %dma_wait3A_161 = arith.constant 96 : i32
        %dma_wait3A_162 = tpu.memref_slice %arg2[%scan3A_14, %mul3A_40, %dma_wait3A_161] : memref<3x67584x128xf32, #tpu.memory_space<hbm>> -> memref<1x128x32xf32, #tpu.memory_space<hbm>>
        %dma_wait3A_163 = tpu.memref_squeeze %dma_wait3A_162 : memref<1x128x32xf32, #tpu.memory_space<hbm>> -> memref<128x32xf32, #tpu.memory_space<hbm>>
        %dma_wait3A_164 = arith.constant 0 : i32
        %dma_wait3A_165 = arith.constant 0 : i32
        %dma_wait3A_166 = tpu.memref_slice %arg7[%dma_wait3A_156, %dma_wait3A_164, %dma_wait3A_165] : memref<4x128x32xf32, #tpu.memory_space<vmem>> -> memref<1x128x32xf32, #tpu.memory_space<vmem>>
        %dma_wait3A_167 = tpu.memref_squeeze %dma_wait3A_166 : memref<1x128x32xf32, #tpu.memory_space<vmem>> -> memref<128x32xf32, #tpu.memory_space<vmem>>
        %dma_wait3A_168 = arith.constant 96 : i32
        %dma_wait3A_169 = tpu.memref_slice %arg2[%scan3A_14, %mul3A_40, %dma_wait3A_168] : memref<3x67584x128xf32, #tpu.memory_space<hbm>> -> memref<1x128x32xf32, #tpu.memory_space<hbm>>
        %dma_wait3A_170 = tpu.memref_squeeze %dma_wait3A_169 : memref<1x128x32xf32, #tpu.memory_space<hbm>> -> memref<128x32xf32, #tpu.memory_space<hbm>>
        tpu.wait_dma2 semaphore(%arg9 : memref<!tpu.dma_semaphore, #tpu.memory_space<semaphore_mem>>) src(%dma_wait3A_170 : memref<128x32xf32, #tpu.memory_space<hbm>>) dst(%dma_wait3A_167 : memref<128x32xf32, #tpu.memory_space<vmem>>)
        %dma_start3A_171 = arith.constant 0 : i32
        %dma_start3A_172 = arith.constant 0 : i32
        %dma_start3A_173 = arith.constant 0 : i32
        %dma_start3A_174 = arith.constant 0 : i32
        %dma_start3A_175 = tpu.memref_slice %arg7[%dma_start3A_171, %dma_start3A_173, %dma_start3A_174] : memref<4x128x32xf32, #tpu.memory_space<vmem>> -> memref<1x128x32xf32, #tpu.memory_space<vmem>>
        %dma_start3A_176 = tpu.memref_squeeze %dma_start3A_175 : memref<1x128x32xf32, #tpu.memory_space<vmem>> -> memref<128x32xf32, #tpu.memory_space<vmem>>
        %dma_start3A_177 = arith.constant 0 : i32
        %dma_start3A_178 = tpu.memref_slice %arg6[%dma_start3A_172, %dma_start3A_177] : memref<4x128xi32, #tpu.memory_space<vmem>> -> memref<1x128xi32, #tpu.memory_space<vmem>>
        %dma_start3A_179 = tpu.memref_squeeze %dma_start3A_178 : memref<1x128xi32, #tpu.memory_space<vmem>> -> memref<128xi32, #tpu.memory_space<vmem>>
        %dma_start3A_180 = arith.constant 0 : i32
        %dma_start3A_181 = arith.constant 0 : i32
        %dma_start3A_182 = tpu.memref_slice %arg8[%dma_start3A_180, %dma_start3A_181] : memref<50176x32xf32, #tpu.memory_space<vmem_shared>> -> memref<50176x32xf32, #tpu.memory_space<vmem_shared>>
        tpu.enqueue_indirect_dma source(%dma_start3A_176 : memref<128x32xf32, #tpu.memory_space<vmem>>) target(%dma_start3A_182 : memref<50176x32xf32, #tpu.memory_space<vmem_shared>>) offsets(%dma_start3A_179 : memref<128xi32, #tpu.memory_space<vmem>>) semaphore(%arg10 : memref<!tpu.dma_semaphore, #tpu.memory_space<semaphore_mem>>) {add = true}
        %dma_start3A_183 = arith.constant 1 : i32
        %dma_start3A_184 = arith.constant 1 : i32
        %dma_start3A_185 = arith.constant 0 : i32
        %dma_start3A_186 = arith.constant 0 : i32
        %dma_start3A_187 = tpu.memref_slice %arg7[%dma_start3A_183, %dma_start3A_185, %dma_start3A_186] : memref<4x128x32xf32, #tpu.memory_space<vmem>> -> memref<1x128x32xf32, #tpu.memory_space<vmem>>
        %dma_start3A_188 = tpu.memref_squeeze %dma_start3A_187 : memref<1x128x32xf32, #tpu.memory_space<vmem>> -> memref<128x32xf32, #tpu.memory_space<vmem>>
        %dma_start3A_189 = arith.constant 0 : i32
        %dma_start3A_190 = tpu.memref_slice %arg6[%dma_start3A_184, %dma_start3A_189] : memref<4x128xi32, #tpu.memory_space<vmem>> -> memref<1x128xi32, #tpu.memory_space<vmem>>
        %dma_start3A_191 = tpu.memref_squeeze %dma_start3A_190 : memref<1x128xi32, #tpu.memory_space<vmem>> -> memref<128xi32, #tpu.memory_space<vmem>>
        %dma_start3A_192 = arith.constant 0 : i32
        %dma_start3A_193 = arith.constant 0 : i32
        %dma_start3A_194 = tpu.memref_slice %arg8[%dma_start3A_192, %dma_start3A_193] : memref<50176x32xf32, #tpu.memory_space<vmem_shared>> -> memref<50176x32xf32, #tpu.memory_space<vmem_shared>>
        tpu.enqueue_indirect_dma source(%dma_start3A_188 : memref<128x32xf32, #tpu.memory_space<vmem>>) target(%dma_start3A_194 : memref<50176x32xf32, #tpu.memory_space<vmem_shared>>) offsets(%dma_start3A_191 : memref<128xi32, #tpu.memory_space<vmem>>) semaphore(%arg10 : memref<!tpu.dma_semaphore, #tpu.memory_space<semaphore_mem>>) {add = true}
        %dma_start3A_195 = arith.constant 2 : i32
        %dma_start3A_196 = arith.constant 2 : i32
        %dma_start3A_197 = arith.constant 0 : i32
        %dma_start3A_198 = arith.constant 0 : i32
        %dma_start3A_199 = tpu.memref_slice %arg7[%dma_start3A_195, %dma_start3A_197, %dma_start3A_198] : memref<4x128x32xf32, #tpu.memory_space<vmem>> -> memref<1x128x32xf32, #tpu.memory_space<vmem>>
        %dma_start3A_200 = tpu.memref_squeeze %dma_start3A_199 : memref<1x128x32xf32, #tpu.memory_space<vmem>> -> memref<128x32xf32, #tpu.memory_space<vmem>>
        %dma_start3A_201 = arith.constant 0 : i32
        %dma_start3A_202 = tpu.memref_slice %arg6[%dma_start3A_196, %dma_start3A_201] : memref<4x128xi32, #tpu.memory_space<vmem>> -> memref<1x128xi32, #tpu.memory_space<vmem>>
        %dma_start3A_203 = tpu.memref_squeeze %dma_start3A_202 : memref<1x128xi32, #tpu.memory_space<vmem>> -> memref<128xi32, #tpu.memory_space<vmem>>
        %dma_start3A_204 = arith.constant 0 : i32
        %dma_start3A_205 = arith.constant 0 : i32
        %dma_start3A_206 = tpu.memref_slice %arg8[%dma_start3A_204, %dma_start3A_205] : memref<50176x32xf32, #tpu.memory_space<vmem_shared>> -> memref<50176x32xf32, #tpu.memory_space<vmem_shared>>
        tpu.enqueue_indirect_dma source(%dma_start3A_200 : memref<128x32xf32, #tpu.memory_space<vmem>>) target(%dma_start3A_206 : memref<50176x32xf32, #tpu.memory_space<vmem_shared>>) offsets(%dma_start3A_203 : memref<128xi32, #tpu.memory_space<vmem>>) semaphore(%arg10 : memref<!tpu.dma_semaphore, #tpu.memory_space<semaphore_mem>>) {add = true}
        %dma_start3A_207 = arith.constant 3 : i32
        %dma_start3A_208 = arith.constant 3 : i32
        %dma_start3A_209 = arith.constant 0 : i32
        %dma_start3A_210 = arith.constant 0 : i32
        %dma_start3A_211 = tpu.memref_slice %arg7[%dma_start3A_207, %dma_start3A_209, %dma_start3A_210] : memref<4x128x32xf32, #tpu.memory_space<vmem>> -> memref<1x128x32xf32, #tpu.memory_space<vmem>>
        %dma_start3A_212 = tpu.memref_squeeze %dma_start3A_211 : memref<1x128x32xf32, #tpu.memory_space<vmem>> -> memref<128x32xf32, #tpu.memory_space<vmem>>
        %dma_start3A_213 = arith.constant 0 : i32
        %dma_start3A_214 = tpu.memref_slice %arg6[%dma_start3A_208, %dma_start3A_213] : memref<4x128xi32, #tpu.memory_space<vmem>> -> memref<1x128xi32, #tpu.memory_space<vmem>>
        %dma_start3A_215 = tpu.memref_squeeze %dma_start3A_214 : memref<1x128xi32, #tpu.memory_space<vmem>> -> memref<128xi32, #tpu.memory_space<vmem>>
        %dma_start3A_216 = arith.constant 0 : i32
        %dma_start3A_217 = arith.constant 0 : i32
        %dma_start3A_218 = tpu.memref_slice %arg8[%dma_start3A_216, %dma_start3A_217] : memref<50176x32xf32, #tpu.memory_space<vmem_shared>> -> memref<50176x32xf32, #tpu.memory_space<vmem_shared>>
        tpu.enqueue_indirect_dma source(%dma_start3A_212 : memref<128x32xf32, #tpu.memory_space<vmem>>) target(%dma_start3A_218 : memref<50176x32xf32, #tpu.memory_space<vmem_shared>>) offsets(%dma_start3A_215 : memref<128xi32, #tpu.memory_space<vmem>>) semaphore(%arg10 : memref<!tpu.dma_semaphore, #tpu.memory_space<semaphore_mem>>) {add = true}
        %dma_wait3A_219 = arith.constant 0 : i32
        %dma_wait3A_220 = arith.constant 0 : i32
        %dma_wait3A_221 = arith.constant 0 : i32
        %dma_wait3A_222 = arith.constant 0 : i32
        %dma_wait3A_223 = tpu.memref_slice %arg7[%dma_wait3A_219, %dma_wait3A_221, %dma_wait3A_222] : memref<4x128x32xf32, #tpu.memory_space<vmem>> -> memref<1x128x32xf32, #tpu.memory_space<vmem>>
        %dma_wait3A_224 = tpu.memref_squeeze %dma_wait3A_223 : memref<1x128x32xf32, #tpu.memory_space<vmem>> -> memref<128x32xf32, #tpu.memory_space<vmem>>
        %dma_wait3A_225 = arith.constant 0 : i32
        %dma_wait3A_226 = tpu.memref_slice %arg6[%dma_wait3A_220, %dma_wait3A_225] : memref<4x128xi32, #tpu.memory_space<vmem>> -> memref<1x128xi32, #tpu.memory_space<vmem>>
        %dma_wait3A_227 = tpu.memref_squeeze %dma_wait3A_226 : memref<1x128xi32, #tpu.memory_space<vmem>> -> memref<128xi32, #tpu.memory_space<vmem>>
        %dma_wait3A_228 = arith.constant 0 : i32
        %dma_wait3A_229 = arith.constant 0 : i32
        %dma_wait3A_230 = tpu.memref_slice %arg8[%dma_wait3A_228, %dma_wait3A_229] : memref<50176x32xf32, #tpu.memory_space<vmem_shared>> -> memref<50176x32xf32, #tpu.memory_space<vmem_shared>>
        tpu.wait_indirect_dma semaphore(%arg10 : memref<!tpu.dma_semaphore, #tpu.memory_space<semaphore_mem>>) src(%dma_wait3A_224 : memref<128x32xf32, #tpu.memory_space<vmem>>) dst(%dma_wait3A_230 : memref<50176x32xf32, #tpu.memory_space<vmem_shared>>)
        %dma_wait3A_231 = arith.constant 1 : i32
        %dma_wait3A_232 = arith.constant 1 : i32
        %dma_wait3A_233 = arith.constant 0 : i32
        %dma_wait3A_234 = arith.constant 0 : i32
        %dma_wait3A_235 = tpu.memref_slice %arg7[%dma_wait3A_231, %dma_wait3A_233, %dma_wait3A_234] : memref<4x128x32xf32, #tpu.memory_space<vmem>> -> memref<1x128x32xf32, #tpu.memory_space<vmem>>
        %dma_wait3A_236 = tpu.memref_squeeze %dma_wait3A_235 : memref<1x128x32xf32, #tpu.memory_space<vmem>> -> memref<128x32xf32, #tpu.memory_space<vmem>>
        %dma_wait3A_237 = arith.constant 0 : i32
        %dma_wait3A_238 = tpu.memref_slice %arg6[%dma_wait3A_232, %dma_wait3A_237] : memref<4x128xi32, #tpu.memory_space<vmem>> -> memref<1x128xi32, #tpu.memory_space<vmem>>
        %dma_wait3A_239 = tpu.memref_squeeze %dma_wait3A_238 : memref<1x128xi32, #tpu.memory_space<vmem>> -> memref<128xi32, #tpu.memory_space<vmem>>
        %dma_wait3A_240 = arith.constant 0 : i32
        %dma_wait3A_241 = arith.constant 0 : i32
        %dma_wait3A_242 = tpu.memref_slice %arg8[%dma_wait3A_240, %dma_wait3A_241] : memref<50176x32xf32, #tpu.memory_space<vmem_shared>> -> memref<50176x32xf32, #tpu.memory_space<vmem_shared>>
        tpu.wait_indirect_dma semaphore(%arg10 : memref<!tpu.dma_semaphore, #tpu.memory_space<semaphore_mem>>) src(%dma_wait3A_236 : memref<128x32xf32, #tpu.memory_space<vmem>>) dst(%dma_wait3A_242 : memref<50176x32xf32, #tpu.memory_space<vmem_shared>>)
        %dma_wait3A_243 = arith.constant 2 : i32
        %dma_wait3A_244 = arith.constant 2 : i32
        %dma_wait3A_245 = arith.constant 0 : i32
        %dma_wait3A_246 = arith.constant 0 : i32
        %dma_wait3A_247 = tpu.memref_slice %arg7[%dma_wait3A_243, %dma_wait3A_245, %dma_wait3A_246] : memref<4x128x32xf32, #tpu.memory_space<vmem>> -> memref<1x128x32xf32, #tpu.memory_space<vmem>>
        %dma_wait3A_248 = tpu.memref_squeeze %dma_wait3A_247 : memref<1x128x32xf32, #tpu.memory_space<vmem>> -> memref<128x32xf32, #tpu.memory_space<vmem>>
        %dma_wait3A_249 = arith.constant 0 : i32
        %dma_wait3A_250 = tpu.memref_slice %arg6[%dma_wait3A_244, %dma_wait3A_249] : memref<4x128xi32, #tpu.memory_space<vmem>> -> memref<1x128xi32, #tpu.memory_space<vmem>>
        %dma_wait3A_251 = tpu.memref_squeeze %dma_wait3A_250 : memref<1x128xi32, #tpu.memory_space<vmem>> -> memref<128xi32, #tpu.memory_space<vmem>>
        %dma_wait3A_252 = arith.constant 0 : i32
        %dma_wait3A_253 = arith.constant 0 : i32
        %dma_wait3A_254 = tpu.memref_slice %arg8[%dma_wait3A_252, %dma_wait3A_253] : memref<50176x32xf32, #tpu.memory_space<vmem_shared>> -> memref<50176x32xf32, #tpu.memory_space<vmem_shared>>
        tpu.wait_indirect_dma semaphore(%arg10 : memref<!tpu.dma_semaphore, #tpu.memory_space<semaphore_mem>>) src(%dma_wait3A_248 : memref<128x32xf32, #tpu.memory_space<vmem>>) dst(%dma_wait3A_254 : memref<50176x32xf32, #tpu.memory_space<vmem_shared>>)
        %dma_wait3A_255 = arith.constant 3 : i32
        %dma_wait3A_256 = arith.constant 3 : i32
        %dma_wait3A_257 = arith.constant 0 : i32
        %dma_wait3A_258 = arith.constant 0 : i32
        %dma_wait3A_259 = tpu.memref_slice %arg7[%dma_wait3A_255, %dma_wait3A_257, %dma_wait3A_258] : memref<4x128x32xf32, #tpu.memory_space<vmem>> -> memref<1x128x32xf32, #tpu.memory_space<vmem>>
        %dma_wait3A_260 = tpu.memref_squeeze %dma_wait3A_259 : memref<1x128x32xf32, #tpu.memory_space<vmem>> -> memref<128x32xf32, #tpu.memory_space<vmem>>
        %dma_wait3A_261 = arith.constant 0 : i32
        %dma_wait3A_262 = tpu.memref_slice %arg6[%dma_wait3A_256, %dma_wait3A_261] : memref<4x128xi32, #tpu.memory_space<vmem>> -> memref<1x128xi32, #tpu.memory_space<vmem>>
        %dma_wait3A_263 = tpu.memref_squeeze %dma_wait3A_262 : memref<1x128xi32, #tpu.memory_space<vmem>> -> memref<128xi32, #tpu.memory_space<vmem>>
        %dma_wait3A_264 = arith.constant 0 : i32
        %dma_wait3A_265 = arith.constant 0 : i32
        %dma_wait3A_266 = tpu.memref_slice %arg8[%dma_wait3A_264, %dma_wait3A_265] : memref<50176x32xf32, #tpu.memory_space<vmem_shared>> -> memref<50176x32xf32, #tpu.memory_space<vmem_shared>>
        tpu.wait_indirect_dma semaphore(%arg10 : memref<!tpu.dma_semaphore, #tpu.memory_space<semaphore_mem>>) src(%dma_wait3A_260 : memref<128x32xf32, #tpu.memory_space<vmem>>) dst(%dma_wait3A_266 : memref<50176x32xf32, #tpu.memory_space<vmem_shared>>)
      } else {
      }
    }
    %scan3A_19 = arith.constant 17 : i32
    %barrier3A_20 = arith.constant 0 : index
    tpu.barrier barrier_id(%barrier3A_20)
    %add3A_21 = arith.constant 2 : i32
    %add3A_22 = arith.addi %add3A_21, %arg0 : i32
    "tpu.region"() ({
      %run_scoped3A = tpu.sem_alloc : memref<!tpu.dma_semaphore, #tpu.memory_space<semaphore_mem>>
      %dma_start3A = arith.constant 0 : i32
      %dma_start3A_24 = tpu.memref_slice %arg5[%add3A_22, %mul3A_0, %dma_start3A] : memref<4x50176x32xf32, #tpu.memory_space<hbm>> -> memref<1x3136x32xf32, #tpu.memory_space<hbm>>
      %dma_start3A_25 = tpu.memref_squeeze %dma_start3A_24 : memref<1x3136x32xf32, #tpu.memory_space<hbm>> -> memref<3136x32xf32, #tpu.memory_space<hbm>>
      %dma_start3A_26 = arith.constant 0 : i32
      %dma_start3A_27 = tpu.memref_slice %arg8[%mul3A_0, %dma_start3A_26] : memref<50176x32xf32, #tpu.memory_space<vmem_shared>> -> memref<3136x32xf32, #tpu.memory_space<vmem_shared>>
      tpu.enqueue_dma source(%dma_start3A_27 : memref<3136x32xf32, #tpu.memory_space<vmem_shared>>) target(%dma_start3A_25 : memref<3136x32xf32, #tpu.memory_space<hbm>>) target_semaphore(%run_scoped3A : memref<!tpu.dma_semaphore, #tpu.memory_space<semaphore_mem>>)
      %dma_wait3A = arith.constant 0 : i32
      %dma_wait3A_28 = tpu.memref_slice %arg5[%add3A_22, %mul3A_0, %dma_wait3A] : memref<4x50176x32xf32, #tpu.memory_space<hbm>> -> memref<1x3136x32xf32, #tpu.memory_space<hbm>>
      %dma_wait3A_29 = tpu.memref_squeeze %dma_wait3A_28 : memref<1x3136x32xf32, #tpu.memory_space<hbm>> -> memref<3136x32xf32, #tpu.memory_space<hbm>>
      %dma_wait3A_30 = arith.constant 0 : i32
      %dma_wait3A_31 = tpu.memref_slice %arg8[%mul3A_0, %dma_wait3A_30] : memref<50176x32xf32, #tpu.memory_space<vmem_shared>> -> memref<3136x32xf32, #tpu.memory_space<vmem_shared>>
      tpu.wait_dma2 semaphore(%run_scoped3A : memref<!tpu.dma_semaphore, #tpu.memory_space<semaphore_mem>>) src(%dma_wait3A_31 : memref<3136x32xf32, #tpu.memory_space<vmem_shared>>) dst(%dma_wait3A_29 : memref<3136x32xf32, #tpu.memory_space<hbm>>)
      tpu.yield
    }) : () -> ()
    %barrier3A_23 = arith.constant 0 : index
    tpu.barrier barrier_id(%barrier3A_23)
    return
  }
}

module attributes {stable_mosaic.version = 14 : i64} {
  func.func @_edge_enc_kernel(%arg0: i32, %arg1: memref<8x4096xf32, #tpu.memory_space<vmem>>, %arg2: memref<8x4096xf32, #tpu.memory_space<vmem>>, %arg3: memref<8x4096xf32, #tpu.memory_space<vmem>>, %arg4: memref<3x8x64xf32, #tpu.memory_space<vmem>>, %arg5: memref<3x1x64xf32, #tpu.memory_space<vmem>>, %arg6: memref<3x64x64xf32, #tpu.memory_space<vmem>>, %arg7: memref<3x1x64xf32, #tpu.memory_space<vmem>>, %arg8: memref<3x64x32xf32, #tpu.memory_space<vmem>>, %arg9: memref<3x1x32xf32, #tpu.memory_space<vmem>>, %arg10: memref<3x1x32xf32, #tpu.memory_space<vmem>>, %arg11: memref<3x1x32xf32, #tpu.memory_space<vmem>>, %arg12: memref<3x1024x128xf32, #tpu.memory_space<vmem>>) attributes {dimension_semantics = [#tpu.dimension_semantics<parallel>], iteration_bounds = array<i64: 66>, scalar_prefetch = 0 : i64, scratch_operands = 0 : i64, tpu.core_type = #tpu.core_type<tc>, window_params = [{transform_indices = @transform_0, window_bounds = array<i64: 8, 4096>}, {transform_indices = @transform_1, window_bounds = array<i64: 8, 4096>}, {transform_indices = @transform_2, window_bounds = array<i64: 8, 4096>}, {pipeline_mode = #tpu.pipeline_mode<synchronous>, transform_indices = @transform_3, window_bounds = array<i64: 3, 8, 64>}, {pipeline_mode = #tpu.pipeline_mode<synchronous>, transform_indices = @transform_4, window_bounds = array<i64: 3, 1, 64>}, {pipeline_mode = #tpu.pipeline_mode<synchronous>, transform_indices = @transform_5, window_bounds = array<i64: 3, 64, 64>}, {pipeline_mode = #tpu.pipeline_mode<synchronous>, transform_indices = @transform_6, window_bounds = array<i64: 3, 1, 64>}, {pipeline_mode = #tpu.pipeline_mode<synchronous>, transform_indices = @transform_7, window_bounds = array<i64: 3, 64, 32>}, {pipeline_mode = #tpu.pipeline_mode<synchronous>, transform_indices = @transform_8, window_bounds = array<i64: 3, 1, 32>}, {pipeline_mode = #tpu.pipeline_mode<synchronous>, transform_indices = @transform_9, window_bounds = array<i64: 3, 1, 32>}, {pipeline_mode = #tpu.pipeline_mode<synchronous>, transform_indices = @transform_10, window_bounds = array<i64: 3, 1, 32>}, {transform_indices = @transform_11, window_bounds = array<i64: 3, 1024, 128>}]} {
    %get3A = arith.constant 0 : index
    %get3A_0 = arith.constant 0 : index
    %get3A_1 = vector.load %arg1[%get3A, %get3A_0] : memref<8x4096xf32, #tpu.memory_space<vmem>>, vector<8x4096xf32>
    %get3A_2 = arith.constant 0 : index
    %get3A_3 = arith.constant 0 : index
    %get3A_4 = arith.constant 0 : index
    %get3A_5 = vector.load %arg4[%get3A_2, %get3A_3, %get3A_4] : memref<3x8x64xf32, #tpu.memory_space<vmem>>, vector<1x8x64xf32>
    %get3A_6 = vector.shape_cast %get3A_5 : vector<1x8x64xf32> to vector<8x64xf32>
    %get3A_7 = arith.constant 0 : index
    %get3A_8 = arith.constant 0 : index
    %get3A_9 = arith.constant 0 : index
    %get3A_10 = vector.load %arg5[%get3A_7, %get3A_8, %get3A_9] : memref<3x1x64xf32, #tpu.memory_space<vmem>>, vector<1x1x64xf32>
    %get3A_11 = vector.shape_cast %get3A_10 : vector<1x1x64xf32> to vector<1x64xf32>
    %get3A_12 = arith.constant 0 : index
    %get3A_13 = arith.constant 0 : index
    %get3A_14 = arith.constant 0 : index
    %get3A_15 = vector.load %arg6[%get3A_12, %get3A_13, %get3A_14] : memref<3x64x64xf32, #tpu.memory_space<vmem>>, vector<1x64x64xf32>
    %get3A_16 = vector.shape_cast %get3A_15 : vector<1x64x64xf32> to vector<64x64xf32>
    %get3A_17 = arith.constant 0 : index
    %get3A_18 = arith.constant 0 : index
    %get3A_19 = arith.constant 0 : index
    %get3A_20 = vector.load %arg7[%get3A_17, %get3A_18, %get3A_19] : memref<3x1x64xf32, #tpu.memory_space<vmem>>, vector<1x1x64xf32>
    %get3A_21 = vector.shape_cast %get3A_20 : vector<1x1x64xf32> to vector<1x64xf32>
    %get3A_22 = arith.constant 0 : index
    %get3A_23 = arith.constant 0 : index
    %get3A_24 = arith.constant 0 : index
    %get3A_25 = vector.load %arg8[%get3A_22, %get3A_23, %get3A_24] : memref<3x64x32xf32, #tpu.memory_space<vmem>>, vector<1x64x32xf32>
    %get3A_26 = vector.shape_cast %get3A_25 : vector<1x64x32xf32> to vector<64x32xf32>
    %get3A_27 = arith.constant 0 : index
    %get3A_28 = arith.constant 0 : index
    %get3A_29 = arith.constant 0 : index
    %get3A_30 = vector.load %arg9[%get3A_27, %get3A_28, %get3A_29] : memref<3x1x32xf32, #tpu.memory_space<vmem>>, vector<1x1x32xf32>
    %get3A_31 = vector.shape_cast %get3A_30 : vector<1x1x32xf32> to vector<1x32xf32>
    %get3A_32 = arith.constant 0 : index
    %get3A_33 = arith.constant 0 : index
    %get3A_34 = arith.constant 0 : index
    %get3A_35 = vector.load %arg10[%get3A_32, %get3A_33, %get3A_34] : memref<3x1x32xf32, #tpu.memory_space<vmem>>, vector<1x1x32xf32>
    %get3A_36 = vector.shape_cast %get3A_35 : vector<1x1x32xf32> to vector<1x32xf32>
    %get3A_37 = arith.constant 0 : index
    %get3A_38 = arith.constant 0 : index
    %get3A_39 = arith.constant 0 : index
    %get3A_40 = vector.load %arg11[%get3A_37, %get3A_38, %get3A_39] : memref<3x1x32xf32, #tpu.memory_space<vmem>>, vector<1x1x32xf32>
    %get3A_41 = vector.shape_cast %get3A_40 : vector<1x1x32xf32> to vector<1x32xf32>
    %dot_general3A = arith.constant dense<0.000000e+00> : vector<4096x64xf32>
    %dot_general3A_42 = tpu.matmul %get3A_1, %get3A_6, %dot_general3A {dimension_numbers = #tpu.dot_dimension_numbers<[0], [0], [1], [1], [0, 1, 1, 1], [], []>, transpose_lhs_hint = false} : vector<8x4096xf32>, vector<8x64xf32>, vector<4096x64xf32> -> vector<4096x64xf32>
    %add3A = vector.broadcast %get3A_11 : vector<1x64xf32> to vector<4096x64xf32>
    %add3A_43 = arith.addf %dot_general3A_42, %add3A : vector<4096x64xf32>
    %max3A = arith.constant 0.000000e+00 : f32
    %max3A_44 = vector.broadcast %max3A : f32 to vector<4096x64xf32>
    %max3A_45 = arith.maximumf %add3A_43, %max3A_44 : vector<4096x64xf32>
    %dot_general3A_46 = arith.constant dense<0.000000e+00> : vector<4096x64xf32>
    %dot_general3A_47 = tpu.matmul %max3A_45, %get3A_16, %dot_general3A_46 {dimension_numbers = #tpu.dot_dimension_numbers<[1], [0], [0], [1], [0, 0, 1, 1], [], []>, transpose_lhs_hint = false} : vector<4096x64xf32>, vector<64x64xf32>, vector<4096x64xf32> -> vector<4096x64xf32>
    %add3A_48 = vector.broadcast %get3A_21 : vector<1x64xf32> to vector<4096x64xf32>
    %add3A_49 = arith.addf %dot_general3A_47, %add3A_48 : vector<4096x64xf32>
    %max3A_50 = arith.constant 0.000000e+00 : f32
    %max3A_51 = vector.broadcast %max3A_50 : f32 to vector<4096x64xf32>
    %max3A_52 = arith.maximumf %add3A_49, %max3A_51 : vector<4096x64xf32>
    %dot_general3A_53 = arith.constant dense<0.000000e+00> : vector<4096x32xf32>
    %dot_general3A_54 = tpu.matmul %max3A_52, %get3A_26, %dot_general3A_53 {dimension_numbers = #tpu.dot_dimension_numbers<[1], [0], [0], [1], [0, 0, 1, 1], [], []>, transpose_lhs_hint = false} : vector<4096x64xf32>, vector<64x32xf32>, vector<4096x32xf32> -> vector<4096x32xf32>
    %add3A_55 = vector.broadcast %get3A_31 : vector<1x32xf32> to vector<4096x32xf32>
    %add3A_56 = arith.addf %dot_general3A_54, %add3A_55 : vector<4096x32xf32>
    %broadcast_in_dim3A = arith.constant 3.125000e-02 : f32
    %broadcast_in_dim3A_57 = vector.broadcast %broadcast_in_dim3A : f32 to vector<32x32xf32>
    %dot_general3A_58 = arith.constant dense<0.000000e+00> : vector<4096x32xf32>
    %dot_general3A_59 = tpu.matmul %add3A_56, %broadcast_in_dim3A_57, %dot_general3A_58 {dimension_numbers = #tpu.dot_dimension_numbers<[1], [0], [0], [1], [0, 0, 1, 1], [], []>, transpose_lhs_hint = false} : vector<4096x32xf32>, vector<32x32xf32>, vector<4096x32xf32> -> vector<4096x32xf32>
    %sub3A = arith.subf %add3A_56, %dot_general3A_59 : vector<4096x32xf32>
    %mul3A = arith.mulf %sub3A, %sub3A : vector<4096x32xf32>
    %dot_general3A_60 = arith.constant dense<0.000000e+00> : vector<4096x32xf32>
    %dot_general3A_61 = tpu.matmul %mul3A, %broadcast_in_dim3A_57, %dot_general3A_60 {dimension_numbers = #tpu.dot_dimension_numbers<[1], [0], [0], [1], [0, 0, 1, 1], [], []>, transpose_lhs_hint = false} : vector<4096x32xf32>, vector<32x32xf32>, vector<4096x32xf32> -> vector<4096x32xf32>
    %add3A_62 = arith.constant 9.99999974E-6 : f32
    %add3A_63 = vector.broadcast %add3A_62 : f32 to vector<4096x32xf32>
    %add3A_64 = arith.addf %dot_general3A_61, %add3A_63 : vector<4096x32xf32>
    %sqrt3A = math.sqrt %add3A_64 : vector<4096x32xf32>
    %div3A = arith.divf %sub3A, %sqrt3A : vector<4096x32xf32>
    %mul3A_65 = vector.broadcast %get3A_36 : vector<1x32xf32> to vector<4096x32xf32>
    %mul3A_66 = arith.mulf %div3A, %mul3A_65 : vector<4096x32xf32>
    %add3A_67 = vector.broadcast %get3A_41 : vector<1x32xf32> to vector<4096x32xf32>
    %add3A_68 = arith.addf %mul3A_66, %add3A_67 : vector<4096x32xf32>
    %slice3A = vector.extract_strided_slice %add3A_68 {offsets = [0, 0], sizes = [128, 32], strides = [1, 1]} : vector<4096x32xf32> to vector<128x32xf32>
    %swap3A = arith.constant 0 : index
    %swap3A_69 = arith.constant 0 : index
    %swap3A_70 = arith.constant 0 : index
    %swap3A_71 = vector.load %arg12[%swap3A, %swap3A_69, %swap3A_70] : memref<3x1024x128xf32, #tpu.memory_space<vmem>>, vector<1x128x32xf32>
    %swap3A_72 = vector.shape_cast %swap3A_71 : vector<1x128x32xf32> to vector<128x32xf32>
    %swap3A_73 = vector.shape_cast %slice3A : vector<128x32xf32> to vector<1x128x32xf32>
    tpu.vector_store %arg12[%swap3A, %swap3A_69, %swap3A_70], %swap3A_73 {strides = array<i32>} : memref<3x1024x128xf32, #tpu.memory_space<vmem>>, vector<1x128x32xf32>,
    %slice3A_74 = vector.extract_strided_slice %add3A_68 {offsets = [128, 0], sizes = [128, 32], strides = [1, 1]} : vector<4096x32xf32> to vector<128x32xf32>
    %swap3A_75 = arith.constant 0 : index
    %swap3A_76 = arith.constant 0 : index
    %swap3A_77 = arith.constant 32 : index
    %swap3A_78 = vector.load %arg12[%swap3A_75, %swap3A_76, %swap3A_77] : memref<3x1024x128xf32, #tpu.memory_space<vmem>>, vector<1x128x32xf32>
    %swap3A_79 = vector.shape_cast %swap3A_78 : vector<1x128x32xf32> to vector<128x32xf32>
    %swap3A_80 = vector.shape_cast %slice3A_74 : vector<128x32xf32> to vector<1x128x32xf32>
    tpu.vector_store %arg12[%swap3A_75, %swap3A_76, %swap3A_77], %swap3A_80 {strides = array<i32>} : memref<3x1024x128xf32, #tpu.memory_space<vmem>>, vector<1x128x32xf32>,
    %slice3A_81 = vector.extract_strided_slice %add3A_68 {offsets = [256, 0], sizes = [128, 32], strides = [1, 1]} : vector<4096x32xf32> to vector<128x32xf32>
    %swap3A_82 = arith.constant 0 : index
    %swap3A_83 = arith.constant 0 : index
    %swap3A_84 = arith.constant 64 : index
    %swap3A_85 = vector.load %arg12[%swap3A_82, %swap3A_83, %swap3A_84] : memref<3x1024x128xf32, #tpu.memory_space<vmem>>, vector<1x128x32xf32>
    %swap3A_86 = vector.shape_cast %swap3A_85 : vector<1x128x32xf32> to vector<128x32xf32>
    %swap3A_87 = vector.shape_cast %slice3A_81 : vector<128x32xf32> to vector<1x128x32xf32>
    tpu.vector_store %arg12[%swap3A_82, %swap3A_83, %swap3A_84], %swap3A_87 {strides = array<i32>} : memref<3x1024x128xf32, #tpu.memory_space<vmem>>, vector<1x128x32xf32>,
    %slice3A_88 = vector.extract_strided_slice %add3A_68 {offsets = [384, 0], sizes = [128, 32], strides = [1, 1]} : vector<4096x32xf32> to vector<128x32xf32>
    %swap3A_89 = arith.constant 0 : index
    %swap3A_90 = arith.constant 0 : index
    %swap3A_91 = arith.constant 96 : index
    %swap3A_92 = vector.load %arg12[%swap3A_89, %swap3A_90, %swap3A_91] : memref<3x1024x128xf32, #tpu.memory_space<vmem>>, vector<1x128x32xf32>
    %swap3A_93 = vector.shape_cast %swap3A_92 : vector<1x128x32xf32> to vector<128x32xf32>
    %swap3A_94 = vector.shape_cast %slice3A_88 : vector<128x32xf32> to vector<1x128x32xf32>
    tpu.vector_store %arg12[%swap3A_89, %swap3A_90, %swap3A_91], %swap3A_94 {strides = array<i32>} : memref<3x1024x128xf32, #tpu.memory_space<vmem>>, vector<1x128x32xf32>,
    %slice3A_95 = vector.extract_strided_slice %add3A_68 {offsets = [512, 0], sizes = [128, 32], strides = [1, 1]} : vector<4096x32xf32> to vector<128x32xf32>
    %swap3A_96 = arith.constant 0 : index
    %swap3A_97 = arith.constant 128 : index
    %swap3A_98 = arith.constant 0 : index
    %swap3A_99 = vector.load %arg12[%swap3A_96, %swap3A_97, %swap3A_98] : memref<3x1024x128xf32, #tpu.memory_space<vmem>>, vector<1x128x32xf32>
    %swap3A_100 = vector.shape_cast %swap3A_99 : vector<1x128x32xf32> to vector<128x32xf32>
    %swap3A_101 = vector.shape_cast %slice3A_95 : vector<128x32xf32> to vector<1x128x32xf32>
    tpu.vector_store %arg12[%swap3A_96, %swap3A_97, %swap3A_98], %swap3A_101 {strides = array<i32>} : memref<3x1024x128xf32, #tpu.memory_space<vmem>>, vector<1x128x32xf32>,
    %slice3A_102 = vector.extract_strided_slice %add3A_68 {offsets = [640, 0], sizes = [128, 32], strides = [1, 1]} : vector<4096x32xf32> to vector<128x32xf32>
    %swap3A_103 = arith.constant 0 : index
    %swap3A_104 = arith.constant 128 : index
    %swap3A_105 = arith.constant 32 : index
    %swap3A_106 = vector.load %arg12[%swap3A_103, %swap3A_104, %swap3A_105] : memref<3x1024x128xf32, #tpu.memory_space<vmem>>, vector<1x128x32xf32>
    %swap3A_107 = vector.shape_cast %swap3A_106 : vector<1x128x32xf32> to vector<128x32xf32>
    %swap3A_108 = vector.shape_cast %slice3A_102 : vector<128x32xf32> to vector<1x128x32xf32>
    tpu.vector_store %arg12[%swap3A_103, %swap3A_104, %swap3A_105], %swap3A_108 {strides = array<i32>} : memref<3x1024x128xf32, #tpu.memory_space<vmem>>, vector<1x128x32xf32>,
    %slice3A_109 = vector.extract_strided_slice %add3A_68 {offsets = [768, 0], sizes = [128, 32], strides = [1, 1]} : vector<4096x32xf32> to vector<128x32xf32>
    %swap3A_110 = arith.constant 0 : index
    %swap3A_111 = arith.constant 128 : index
    %swap3A_112 = arith.constant 64 : index
    %swap3A_113 = vector.load %arg12[%swap3A_110, %swap3A_111, %swap3A_112] : memref<3x1024x128xf32, #tpu.memory_space<vmem>>, vector<1x128x32xf32>
    %swap3A_114 = vector.shape_cast %swap3A_113 : vector<1x128x32xf32> to vector<128x32xf32>
    %swap3A_115 = vector.shape_cast %slice3A_109 : vector<128x32xf32> to vector<1x128x32xf32>
    tpu.vector_store %arg12[%swap3A_110, %swap3A_111, %swap3A_112], %swap3A_115 {strides = array<i32>} : memref<3x1024x128xf32, #tpu.memory_space<vmem>>, vector<1x128x32xf32>,
    %slice3A_116 = vector.extract_strided_slice %add3A_68 {offsets = [896, 0], sizes = [128, 32], strides = [1, 1]} : vector<4096x32xf32> to vector<128x32xf32>
    %swap3A_117 = arith.constant 0 : index
    %swap3A_118 = arith.constant 128 : index
    %swap3A_119 = arith.constant 96 : index
    %swap3A_120 = vector.load %arg12[%swap3A_117, %swap3A_118, %swap3A_119] : memref<3x1024x128xf32, #tpu.memory_space<vmem>>, vector<1x128x32xf32>
    %swap3A_121 = vector.shape_cast %swap3A_120 : vector<1x128x32xf32> to vector<128x32xf32>
    %swap3A_122 = vector.shape_cast %slice3A_116 : vector<128x32xf32> to vector<1x128x32xf32>
    tpu.vector_store %arg12[%swap3A_117, %swap3A_118, %swap3A_119], %swap3A_122 {strides = array<i32>} : memref<3x1024x128xf32, #tpu.memory_space<vmem>>, vector<1x128x32xf32>,
    %slice3A_123 = vector.extract_strided_slice %add3A_68 {offsets = [1024, 0], sizes = [128, 32], strides = [1, 1]} : vector<4096x32xf32> to vector<128x32xf32>
    %swap3A_124 = arith.constant 0 : index
    %swap3A_125 = arith.constant 256 : index
    %swap3A_126 = arith.constant 0 : index
    %swap3A_127 = vector.load %arg12[%swap3A_124, %swap3A_125, %swap3A_126] : memref<3x1024x128xf32, #tpu.memory_space<vmem>>, vector<1x128x32xf32>
    %swap3A_128 = vector.shape_cast %swap3A_127 : vector<1x128x32xf32> to vector<128x32xf32>
    %swap3A_129 = vector.shape_cast %slice3A_123 : vector<128x32xf32> to vector<1x128x32xf32>
    tpu.vector_store %arg12[%swap3A_124, %swap3A_125, %swap3A_126], %swap3A_129 {strides = array<i32>} : memref<3x1024x128xf32, #tpu.memory_space<vmem>>, vector<1x128x32xf32>,
    %slice3A_130 = vector.extract_strided_slice %add3A_68 {offsets = [1152, 0], sizes = [128, 32], strides = [1, 1]} : vector<4096x32xf32> to vector<128x32xf32>
    %swap3A_131 = arith.constant 0 : index
    %swap3A_132 = arith.constant 256 : index
    %swap3A_133 = arith.constant 32 : index
    %swap3A_134 = vector.load %arg12[%swap3A_131, %swap3A_132, %swap3A_133] : memref<3x1024x128xf32, #tpu.memory_space<vmem>>, vector<1x128x32xf32>
    %swap3A_135 = vector.shape_cast %swap3A_134 : vector<1x128x32xf32> to vector<128x32xf32>
    %swap3A_136 = vector.shape_cast %slice3A_130 : vector<128x32xf32> to vector<1x128x32xf32>
    tpu.vector_store %arg12[%swap3A_131, %swap3A_132, %swap3A_133], %swap3A_136 {strides = array<i32>} : memref<3x1024x128xf32, #tpu.memory_space<vmem>>, vector<1x128x32xf32>,
    %slice3A_137 = vector.extract_strided_slice %add3A_68 {offsets = [1280, 0], sizes = [128, 32], strides = [1, 1]} : vector<4096x32xf32> to vector<128x32xf32>
    %swap3A_138 = arith.constant 0 : index
    %swap3A_139 = arith.constant 256 : index
    %swap3A_140 = arith.constant 64 : index
    %swap3A_141 = vector.load %arg12[%swap3A_138, %swap3A_139, %swap3A_140] : memref<3x1024x128xf32, #tpu.memory_space<vmem>>, vector<1x128x32xf32>
    %swap3A_142 = vector.shape_cast %swap3A_141 : vector<1x128x32xf32> to vector<128x32xf32>
    %swap3A_143 = vector.shape_cast %slice3A_137 : vector<128x32xf32> to vector<1x128x32xf32>
    tpu.vector_store %arg12[%swap3A_138, %swap3A_139, %swap3A_140], %swap3A_143 {strides = array<i32>} : memref<3x1024x128xf32, #tpu.memory_space<vmem>>, vector<1x128x32xf32>,
    %slice3A_144 = vector.extract_strided_slice %add3A_68 {offsets = [1408, 0], sizes = [128, 32], strides = [1, 1]} : vector<4096x32xf32> to vector<128x32xf32>
    %swap3A_145 = arith.constant 0 : index
    %swap3A_146 = arith.constant 256 : index
    %swap3A_147 = arith.constant 96 : index
    %swap3A_148 = vector.load %arg12[%swap3A_145, %swap3A_146, %swap3A_147] : memref<3x1024x128xf32, #tpu.memory_space<vmem>>, vector<1x128x32xf32>
    %swap3A_149 = vector.shape_cast %swap3A_148 : vector<1x128x32xf32> to vector<128x32xf32>
    %swap3A_150 = vector.shape_cast %slice3A_144 : vector<128x32xf32> to vector<1x128x32xf32>
    tpu.vector_store %arg12[%swap3A_145, %swap3A_146, %swap3A_147], %swap3A_150 {strides = array<i32>} : memref<3x1024x128xf32, #tpu.memory_space<vmem>>, vector<1x128x32xf32>,
    %slice3A_151 = vector.extract_strided_slice %add3A_68 {offsets = [1536, 0], sizes = [128, 32], strides = [1, 1]} : vector<4096x32xf32> to vector<128x32xf32>
    %swap3A_152 = arith.constant 0 : index
    %swap3A_153 = arith.constant 384 : index
    %swap3A_154 = arith.constant 0 : index
    %swap3A_155 = vector.load %arg12[%swap3A_152, %swap3A_153, %swap3A_154] : memref<3x1024x128xf32, #tpu.memory_space<vmem>>, vector<1x128x32xf32>
    %swap3A_156 = vector.shape_cast %swap3A_155 : vector<1x128x32xf32> to vector<128x32xf32>
    %swap3A_157 = vector.shape_cast %slice3A_151 : vector<128x32xf32> to vector<1x128x32xf32>
    tpu.vector_store %arg12[%swap3A_152, %swap3A_153, %swap3A_154], %swap3A_157 {strides = array<i32>} : memref<3x1024x128xf32, #tpu.memory_space<vmem>>, vector<1x128x32xf32>,
    %slice3A_158 = vector.extract_strided_slice %add3A_68 {offsets = [1664, 0], sizes = [128, 32], strides = [1, 1]} : vector<4096x32xf32> to vector<128x32xf32>
    %swap3A_159 = arith.constant 0 : index
    %swap3A_160 = arith.constant 384 : index
    %swap3A_161 = arith.constant 32 : index
    %swap3A_162 = vector.load %arg12[%swap3A_159, %swap3A_160, %swap3A_161] : memref<3x1024x128xf32, #tpu.memory_space<vmem>>, vector<1x128x32xf32>
    %swap3A_163 = vector.shape_cast %swap3A_162 : vector<1x128x32xf32> to vector<128x32xf32>
    %swap3A_164 = vector.shape_cast %slice3A_158 : vector<128x32xf32> to vector<1x128x32xf32>
    tpu.vector_store %arg12[%swap3A_159, %swap3A_160, %swap3A_161], %swap3A_164 {strides = array<i32>} : memref<3x1024x128xf32, #tpu.memory_space<vmem>>, vector<1x128x32xf32>,
    %slice3A_165 = vector.extract_strided_slice %add3A_68 {offsets = [1792, 0], sizes = [128, 32], strides = [1, 1]} : vector<4096x32xf32> to vector<128x32xf32>
    %swap3A_166 = arith.constant 0 : index
    %swap3A_167 = arith.constant 384 : index
    %swap3A_168 = arith.constant 64 : index
    %swap3A_169 = vector.load %arg12[%swap3A_166, %swap3A_167, %swap3A_168] : memref<3x1024x128xf32, #tpu.memory_space<vmem>>, vector<1x128x32xf32>
    %swap3A_170 = vector.shape_cast %swap3A_169 : vector<1x128x32xf32> to vector<128x32xf32>
    %swap3A_171 = vector.shape_cast %slice3A_165 : vector<128x32xf32> to vector<1x128x32xf32>
    tpu.vector_store %arg12[%swap3A_166, %swap3A_167, %swap3A_168], %swap3A_171 {strides = array<i32>} : memref<3x1024x128xf32, #tpu.memory_space<vmem>>, vector<1x128x32xf32>,
    %slice3A_172 = vector.extract_strided_slice %add3A_68 {offsets = [1920, 0], sizes = [128, 32], strides = [1, 1]} : vector<4096x32xf32> to vector<128x32xf32>
    %swap3A_173 = arith.constant 0 : index
    %swap3A_174 = arith.constant 384 : index
    %swap3A_175 = arith.constant 96 : index
    %swap3A_176 = vector.load %arg12[%swap3A_173, %swap3A_174, %swap3A_175] : memref<3x1024x128xf32, #tpu.memory_space<vmem>>, vector<1x128x32xf32>
    %swap3A_177 = vector.shape_cast %swap3A_176 : vector<1x128x32xf32> to vector<128x32xf32>
    %swap3A_178 = vector.shape_cast %slice3A_172 : vector<128x32xf32> to vector<1x128x32xf32>
    tpu.vector_store %arg12[%swap3A_173, %swap3A_174, %swap3A_175], %swap3A_178 {strides = array<i32>} : memref<3x1024x128xf32, #tpu.memory_space<vmem>>, vector<1x128x32xf32>,
    %slice3A_179 = vector.extract_strided_slice %add3A_68 {offsets = [2048, 0], sizes = [128, 32], strides = [1, 1]} : vector<4096x32xf32> to vector<128x32xf32>
    %swap3A_180 = arith.constant 0 : index
    %swap3A_181 = arith.constant 512 : index
    %swap3A_182 = arith.constant 0 : index
    %swap3A_183 = vector.load %arg12[%swap3A_180, %swap3A_181, %swap3A_182] : memref<3x1024x128xf32, #tpu.memory_space<vmem>>, vector<1x128x32xf32>
    %swap3A_184 = vector.shape_cast %swap3A_183 : vector<1x128x32xf32> to vector<128x32xf32>
    %swap3A_185 = vector.shape_cast %slice3A_179 : vector<128x32xf32> to vector<1x128x32xf32>
    tpu.vector_store %arg12[%swap3A_180, %swap3A_181, %swap3A_182], %swap3A_185 {strides = array<i32>} : memref<3x1024x128xf32, #tpu.memory_space<vmem>>, vector<1x128x32xf32>,
    %slice3A_186 = vector.extract_strided_slice %add3A_68 {offsets = [2176, 0], sizes = [128, 32], strides = [1, 1]} : vector<4096x32xf32> to vector<128x32xf32>
    %swap3A_187 = arith.constant 0 : index
    %swap3A_188 = arith.constant 512 : index
    %swap3A_189 = arith.constant 32 : index
    %swap3A_190 = vector.load %arg12[%swap3A_187, %swap3A_188, %swap3A_189] : memref<3x1024x128xf32, #tpu.memory_space<vmem>>, vector<1x128x32xf32>
    %swap3A_191 = vector.shape_cast %swap3A_190 : vector<1x128x32xf32> to vector<128x32xf32>
    %swap3A_192 = vector.shape_cast %slice3A_186 : vector<128x32xf32> to vector<1x128x32xf32>
    tpu.vector_store %arg12[%swap3A_187, %swap3A_188, %swap3A_189], %swap3A_192 {strides = array<i32>} : memref<3x1024x128xf32, #tpu.memory_space<vmem>>, vector<1x128x32xf32>,
    %slice3A_193 = vector.extract_strided_slice %add3A_68 {offsets = [2304, 0], sizes = [128, 32], strides = [1, 1]} : vector<4096x32xf32> to vector<128x32xf32>
    %swap3A_194 = arith.constant 0 : index
    %swap3A_195 = arith.constant 512 : index
    %swap3A_196 = arith.constant 64 : index
    %swap3A_197 = vector.load %arg12[%swap3A_194, %swap3A_195, %swap3A_196] : memref<3x1024x128xf32, #tpu.memory_space<vmem>>, vector<1x128x32xf32>
    %swap3A_198 = vector.shape_cast %swap3A_197 : vector<1x128x32xf32> to vector<128x32xf32>
    %swap3A_199 = vector.shape_cast %slice3A_193 : vector<128x32xf32> to vector<1x128x32xf32>
    tpu.vector_store %arg12[%swap3A_194, %swap3A_195, %swap3A_196], %swap3A_199 {strides = array<i32>} : memref<3x1024x128xf32, #tpu.memory_space<vmem>>, vector<1x128x32xf32>,
    %slice3A_200 = vector.extract_strided_slice %add3A_68 {offsets = [2432, 0], sizes = [128, 32], strides = [1, 1]} : vector<4096x32xf32> to vector<128x32xf32>
    %swap3A_201 = arith.constant 0 : index
    %swap3A_202 = arith.constant 512 : index
    %swap3A_203 = arith.constant 96 : index
    %swap3A_204 = vector.load %arg12[%swap3A_201, %swap3A_202, %swap3A_203] : memref<3x1024x128xf32, #tpu.memory_space<vmem>>, vector<1x128x32xf32>
    %swap3A_205 = vector.shape_cast %swap3A_204 : vector<1x128x32xf32> to vector<128x32xf32>
    %swap3A_206 = vector.shape_cast %slice3A_200 : vector<128x32xf32> to vector<1x128x32xf32>
    tpu.vector_store %arg12[%swap3A_201, %swap3A_202, %swap3A_203], %swap3A_206 {strides = array<i32>} : memref<3x1024x128xf32, #tpu.memory_space<vmem>>, vector<1x128x32xf32>,
    %slice3A_207 = vector.extract_strided_slice %add3A_68 {offsets = [2560, 0], sizes = [128, 32], strides = [1, 1]} : vector<4096x32xf32> to vector<128x32xf32>
    %swap3A_208 = arith.constant 0 : index
    %swap3A_209 = arith.constant 640 : index
    %swap3A_210 = arith.constant 0 : index
    %swap3A_211 = vector.load %arg12[%swap3A_208, %swap3A_209, %swap3A_210] : memref<3x1024x128xf32, #tpu.memory_space<vmem>>, vector<1x128x32xf32>
    %swap3A_212 = vector.shape_cast %swap3A_211 : vector<1x128x32xf32> to vector<128x32xf32>
    %swap3A_213 = vector.shape_cast %slice3A_207 : vector<128x32xf32> to vector<1x128x32xf32>
    tpu.vector_store %arg12[%swap3A_208, %swap3A_209, %swap3A_210], %swap3A_213 {strides = array<i32>} : memref<3x1024x128xf32, #tpu.memory_space<vmem>>, vector<1x128x32xf32>,
    %slice3A_214 = vector.extract_strided_slice %add3A_68 {offsets = [2688, 0], sizes = [128, 32], strides = [1, 1]} : vector<4096x32xf32> to vector<128x32xf32>
    %swap3A_215 = arith.constant 0 : index
    %swap3A_216 = arith.constant 640 : index
    %swap3A_217 = arith.constant 32 : index
    %swap3A_218 = vector.load %arg12[%swap3A_215, %swap3A_216, %swap3A_217] : memref<3x1024x128xf32, #tpu.memory_space<vmem>>, vector<1x128x32xf32>
    %swap3A_219 = vector.shape_cast %swap3A_218 : vector<1x128x32xf32> to vector<128x32xf32>
    %swap3A_220 = vector.shape_cast %slice3A_214 : vector<128x32xf32> to vector<1x128x32xf32>
    tpu.vector_store %arg12[%swap3A_215, %swap3A_216, %swap3A_217], %swap3A_220 {strides = array<i32>} : memref<3x1024x128xf32, #tpu.memory_space<vmem>>, vector<1x128x32xf32>,
    %slice3A_221 = vector.extract_strided_slice %add3A_68 {offsets = [2816, 0], sizes = [128, 32], strides = [1, 1]} : vector<4096x32xf32> to vector<128x32xf32>
    %swap3A_222 = arith.constant 0 : index
    %swap3A_223 = arith.constant 640 : index
    %swap3A_224 = arith.constant 64 : index
    %swap3A_225 = vector.load %arg12[%swap3A_222, %swap3A_223, %swap3A_224] : memref<3x1024x128xf32, #tpu.memory_space<vmem>>, vector<1x128x32xf32>
    %swap3A_226 = vector.shape_cast %swap3A_225 : vector<1x128x32xf32> to vector<128x32xf32>
    %swap3A_227 = vector.shape_cast %slice3A_221 : vector<128x32xf32> to vector<1x128x32xf32>
    tpu.vector_store %arg12[%swap3A_222, %swap3A_223, %swap3A_224], %swap3A_227 {strides = array<i32>} : memref<3x1024x128xf32, #tpu.memory_space<vmem>>, vector<1x128x32xf32>,
    %slice3A_228 = vector.extract_strided_slice %add3A_68 {offsets = [2944, 0], sizes = [128, 32], strides = [1, 1]} : vector<4096x32xf32> to vector<128x32xf32>
    %swap3A_229 = arith.constant 0 : index
    %swap3A_230 = arith.constant 640 : index
    %swap3A_231 = arith.constant 96 : index
    %swap3A_232 = vector.load %arg12[%swap3A_229, %swap3A_230, %swap3A_231] : memref<3x1024x128xf32, #tpu.memory_space<vmem>>, vector<1x128x32xf32>
    %swap3A_233 = vector.shape_cast %swap3A_232 : vector<1x128x32xf32> to vector<128x32xf32>
    %swap3A_234 = vector.shape_cast %slice3A_228 : vector<128x32xf32> to vector<1x128x32xf32>
    tpu.vector_store %arg12[%swap3A_229, %swap3A_230, %swap3A_231], %swap3A_234 {strides = array<i32>} : memref<3x1024x128xf32, #tpu.memory_space<vmem>>, vector<1x128x32xf32>,
    %slice3A_235 = vector.extract_strided_slice %add3A_68 {offsets = [3072, 0], sizes = [128, 32], strides = [1, 1]} : vector<4096x32xf32> to vector<128x32xf32>
    %swap3A_236 = arith.constant 0 : index
    %swap3A_237 = arith.constant 768 : index
    %swap3A_238 = arith.constant 0 : index
    %swap3A_239 = vector.load %arg12[%swap3A_236, %swap3A_237, %swap3A_238] : memref<3x1024x128xf32, #tpu.memory_space<vmem>>, vector<1x128x32xf32>
    %swap3A_240 = vector.shape_cast %swap3A_239 : vector<1x128x32xf32> to vector<128x32xf32>
    %swap3A_241 = vector.shape_cast %slice3A_235 : vector<128x32xf32> to vector<1x128x32xf32>
    tpu.vector_store %arg12[%swap3A_236, %swap3A_237, %swap3A_238], %swap3A_241 {strides = array<i32>} : memref<3x1024x128xf32, #tpu.memory_space<vmem>>, vector<1x128x32xf32>,
    %slice3A_242 = vector.extract_strided_slice %add3A_68 {offsets = [3200, 0], sizes = [128, 32], strides = [1, 1]} : vector<4096x32xf32> to vector<128x32xf32>
    %swap3A_243 = arith.constant 0 : index
    %swap3A_244 = arith.constant 768 : index
    %swap3A_245 = arith.constant 32 : index
    %swap3A_246 = vector.load %arg12[%swap3A_243, %swap3A_244, %swap3A_245] : memref<3x1024x128xf32, #tpu.memory_space<vmem>>, vector<1x128x32xf32>
    %swap3A_247 = vector.shape_cast %swap3A_246 : vector<1x128x32xf32> to vector<128x32xf32>
    %swap3A_248 = vector.shape_cast %slice3A_242 : vector<128x32xf32> to vector<1x128x32xf32>
    tpu.vector_store %arg12[%swap3A_243, %swap3A_244, %swap3A_245], %swap3A_248 {strides = array<i32>} : memref<3x1024x128xf32, #tpu.memory_space<vmem>>, vector<1x128x32xf32>,
    %slice3A_249 = vector.extract_strided_slice %add3A_68 {offsets = [3328, 0], sizes = [128, 32], strides = [1, 1]} : vector<4096x32xf32> to vector<128x32xf32>
    %swap3A_250 = arith.constant 0 : index
    %swap3A_251 = arith.constant 768 : index
    %swap3A_252 = arith.constant 64 : index
    %swap3A_253 = vector.load %arg12[%swap3A_250, %swap3A_251, %swap3A_252] : memref<3x1024x128xf32, #tpu.memory_space<vmem>>, vector<1x128x32xf32>
    %swap3A_254 = vector.shape_cast %swap3A_253 : vector<1x128x32xf32> to vector<128x32xf32>
    %swap3A_255 = vector.shape_cast %slice3A_249 : vector<128x32xf32> to vector<1x128x32xf32>
    tpu.vector_store %arg12[%swap3A_250, %swap3A_251, %swap3A_252], %swap3A_255 {strides = array<i32>} : memref<3x1024x128xf32, #tpu.memory_space<vmem>>, vector<1x128x32xf32>,
    %slice3A_256 = vector.extract_strided_slice %add3A_68 {offsets = [3456, 0], sizes = [128, 32], strides = [1, 1]} : vector<4096x32xf32> to vector<128x32xf32>
    %swap3A_257 = arith.constant 0 : index
    %swap3A_258 = arith.constant 768 : index
    %swap3A_259 = arith.constant 96 : index
    %swap3A_260 = vector.load %arg12[%swap3A_257, %swap3A_258, %swap3A_259] : memref<3x1024x128xf32, #tpu.memory_space<vmem>>, vector<1x128x32xf32>
    %swap3A_261 = vector.shape_cast %swap3A_260 : vector<1x128x32xf32> to vector<128x32xf32>
    %swap3A_262 = vector.shape_cast %slice3A_256 : vector<128x32xf32> to vector<1x128x32xf32>
    tpu.vector_store %arg12[%swap3A_257, %swap3A_258, %swap3A_259], %swap3A_262 {strides = array<i32>} : memref<3x1024x128xf32, #tpu.memory_space<vmem>>, vector<1x128x32xf32>,
    %slice3A_263 = vector.extract_strided_slice %add3A_68 {offsets = [3584, 0], sizes = [128, 32], strides = [1, 1]} : vector<4096x32xf32> to vector<128x32xf32>
    %swap3A_264 = arith.constant 0 : index
    %swap3A_265 = arith.constant 896 : index
    %swap3A_266 = arith.constant 0 : index
    %swap3A_267 = vector.load %arg12[%swap3A_264, %swap3A_265, %swap3A_266] : memref<3x1024x128xf32, #tpu.memory_space<vmem>>, vector<1x128x32xf32>
    %swap3A_268 = vector.shape_cast %swap3A_267 : vector<1x128x32xf32> to vector<128x32xf32>
    %swap3A_269 = vector.shape_cast %slice3A_263 : vector<128x32xf32> to vector<1x128x32xf32>
    tpu.vector_store %arg12[%swap3A_264, %swap3A_265, %swap3A_266], %swap3A_269 {strides = array<i32>} : memref<3x1024x128xf32, #tpu.memory_space<vmem>>, vector<1x128x32xf32>,
    %slice3A_270 = vector.extract_strided_slice %add3A_68 {offsets = [3712, 0], sizes = [128, 32], strides = [1, 1]} : vector<4096x32xf32> to vector<128x32xf32>
    %swap3A_271 = arith.constant 0 : index
    %swap3A_272 = arith.constant 896 : index
    %swap3A_273 = arith.constant 32 : index
    %swap3A_274 = vector.load %arg12[%swap3A_271, %swap3A_272, %swap3A_273] : memref<3x1024x128xf32, #tpu.memory_space<vmem>>, vector<1x128x32xf32>
    %swap3A_275 = vector.shape_cast %swap3A_274 : vector<1x128x32xf32> to vector<128x32xf32>
    %swap3A_276 = vector.shape_cast %slice3A_270 : vector<128x32xf32> to vector<1x128x32xf32>
    tpu.vector_store %arg12[%swap3A_271, %swap3A_272, %swap3A_273], %swap3A_276 {strides = array<i32>} : memref<3x1024x128xf32, #tpu.memory_space<vmem>>, vector<1x128x32xf32>,
    %slice3A_277 = vector.extract_strided_slice %add3A_68 {offsets = [3840, 0], sizes = [128, 32], strides = [1, 1]} : vector<4096x32xf32> to vector<128x32xf32>
    %swap3A_278 = arith.constant 0 : index
    %swap3A_279 = arith.constant 896 : index
    %swap3A_280 = arith.constant 64 : index
    %swap3A_281 = vector.load %arg12[%swap3A_278, %swap3A_279, %swap3A_280] : memref<3x1024x128xf32, #tpu.memory_space<vmem>>, vector<1x128x32xf32>
    %swap3A_282 = vector.shape_cast %swap3A_281 : vector<1x128x32xf32> to vector<128x32xf32>
    %swap3A_283 = vector.shape_cast %slice3A_277 : vector<128x32xf32> to vector<1x128x32xf32>
    tpu.vector_store %arg12[%swap3A_278, %swap3A_279, %swap3A_280], %swap3A_283 {strides = array<i32>} : memref<3x1024x128xf32, #tpu.memory_space<vmem>>, vector<1x128x32xf32>,
    %slice3A_284 = vector.extract_strided_slice %add3A_68 {offsets = [3968, 0], sizes = [128, 32], strides = [1, 1]} : vector<4096x32xf32> to vector<128x32xf32>
    %swap3A_285 = arith.constant 0 : index
    %swap3A_286 = arith.constant 896 : index
    %swap3A_287 = arith.constant 96 : index
    %swap3A_288 = vector.load %arg12[%swap3A_285, %swap3A_286, %swap3A_287] : memref<3x1024x128xf32, #tpu.memory_space<vmem>>, vector<1x128x32xf32>
    %swap3A_289 = vector.shape_cast %swap3A_288 : vector<1x128x32xf32> to vector<128x32xf32>
    %swap3A_290 = vector.shape_cast %slice3A_284 : vector<128x32xf32> to vector<1x128x32xf32>
    tpu.vector_store %arg12[%swap3A_285, %swap3A_286, %swap3A_287], %swap3A_290 {strides = array<i32>} : memref<3x1024x128xf32, #tpu.memory_space<vmem>>, vector<1x128x32xf32>,
    %get3A_291 = arith.constant 0 : index
    %get3A_292 = arith.constant 0 : index
    %get3A_293 = vector.load %arg2[%get3A_291, %get3A_292] : memref<8x4096xf32, #tpu.memory_space<vmem>>, vector<8x4096xf32>
    %get3A_294 = arith.constant 1 : index
    %get3A_295 = arith.constant 0 : index
    %get3A_296 = arith.constant 0 : index
    %get3A_297 = vector.load %arg4[%get3A_294, %get3A_295, %get3A_296] : memref<3x8x64xf32, #tpu.memory_space<vmem>>, vector<1x8x64xf32>
    %get3A_298 = vector.shape_cast %get3A_297 : vector<1x8x64xf32> to vector<8x64xf32>
    %get3A_299 = arith.constant 1 : index
    %get3A_300 = arith.constant 0 : index
    %get3A_301 = arith.constant 0 : index
    %get3A_302 = vector.load %arg5[%get3A_299, %get3A_300, %get3A_301] : memref<3x1x64xf32, #tpu.memory_space<vmem>>, vector<1x1x64xf32>
    %get3A_303 = vector.shape_cast %get3A_302 : vector<1x1x64xf32> to vector<1x64xf32>
    %get3A_304 = arith.constant 1 : index
    %get3A_305 = arith.constant 0 : index
    %get3A_306 = arith.constant 0 : index
    %get3A_307 = vector.load %arg6[%get3A_304, %get3A_305, %get3A_306] : memref<3x64x64xf32, #tpu.memory_space<vmem>>, vector<1x64x64xf32>
    %get3A_308 = vector.shape_cast %get3A_307 : vector<1x64x64xf32> to vector<64x64xf32>
    %get3A_309 = arith.constant 1 : index
    %get3A_310 = arith.constant 0 : index
    %get3A_311 = arith.constant 0 : index
    %get3A_312 = vector.load %arg7[%get3A_309, %get3A_310, %get3A_311] : memref<3x1x64xf32, #tpu.memory_space<vmem>>, vector<1x1x64xf32>
    %get3A_313 = vector.shape_cast %get3A_312 : vector<1x1x64xf32> to vector<1x64xf32>
    %get3A_314 = arith.constant 1 : index
    %get3A_315 = arith.constant 0 : index
    %get3A_316 = arith.constant 0 : index
    %get3A_317 = vector.load %arg8[%get3A_314, %get3A_315, %get3A_316] : memref<3x64x32xf32, #tpu.memory_space<vmem>>, vector<1x64x32xf32>
    %get3A_318 = vector.shape_cast %get3A_317 : vector<1x64x32xf32> to vector<64x32xf32>
    %get3A_319 = arith.constant 1 : index
    %get3A_320 = arith.constant 0 : index
    %get3A_321 = arith.constant 0 : index
    %get3A_322 = vector.load %arg9[%get3A_319, %get3A_320, %get3A_321] : memref<3x1x32xf32, #tpu.memory_space<vmem>>, vector<1x1x32xf32>
    %get3A_323 = vector.shape_cast %get3A_322 : vector<1x1x32xf32> to vector<1x32xf32>
    %get3A_324 = arith.constant 1 : index
    %get3A_325 = arith.constant 0 : index
    %get3A_326 = arith.constant 0 : index
    %get3A_327 = vector.load %arg10[%get3A_324, %get3A_325, %get3A_326] : memref<3x1x32xf32, #tpu.memory_space<vmem>>, vector<1x1x32xf32>
    %get3A_328 = vector.shape_cast %get3A_327 : vector<1x1x32xf32> to vector<1x32xf32>
    %get3A_329 = arith.constant 1 : index
    %get3A_330 = arith.constant 0 : index
    %get3A_331 = arith.constant 0 : index
    %get3A_332 = vector.load %arg11[%get3A_329, %get3A_330, %get3A_331] : memref<3x1x32xf32, #tpu.memory_space<vmem>>, vector<1x1x32xf32>
    %get3A_333 = vector.shape_cast %get3A_332 : vector<1x1x32xf32> to vector<1x32xf32>
    %dot_general3A_334 = arith.constant dense<0.000000e+00> : vector<4096x64xf32>
    %dot_general3A_335 = tpu.matmul %get3A_293, %get3A_298, %dot_general3A_334 {dimension_numbers = #tpu.dot_dimension_numbers<[0], [0], [1], [1], [0, 1, 1, 1], [], []>, transpose_lhs_hint = false} : vector<8x4096xf32>, vector<8x64xf32>, vector<4096x64xf32> -> vector<4096x64xf32>
    %add3A_336 = vector.broadcast %get3A_303 : vector<1x64xf32> to vector<4096x64xf32>
    %add3A_337 = arith.addf %dot_general3A_335, %add3A_336 : vector<4096x64xf32>
    %max3A_338 = arith.constant 0.000000e+00 : f32
    %max3A_339 = vector.broadcast %max3A_338 : f32 to vector<4096x64xf32>
    %max3A_340 = arith.maximumf %add3A_337, %max3A_339 : vector<4096x64xf32>
    %dot_general3A_341 = arith.constant dense<0.000000e+00> : vector<4096x64xf32>
    %dot_general3A_342 = tpu.matmul %max3A_340, %get3A_308, %dot_general3A_341 {dimension_numbers = #tpu.dot_dimension_numbers<[1], [0], [0], [1], [0, 0, 1, 1], [], []>, transpose_lhs_hint = false} : vector<4096x64xf32>, vector<64x64xf32>, vector<4096x64xf32> -> vector<4096x64xf32>
    %add3A_343 = vector.broadcast %get3A_313 : vector<1x64xf32> to vector<4096x64xf32>
    %add3A_344 = arith.addf %dot_general3A_342, %add3A_343 : vector<4096x64xf32>
    %max3A_345 = arith.constant 0.000000e+00 : f32
    %max3A_346 = vector.broadcast %max3A_345 : f32 to vector<4096x64xf32>
    %max3A_347 = arith.maximumf %add3A_344, %max3A_346 : vector<4096x64xf32>
    %dot_general3A_348 = arith.constant dense<0.000000e+00> : vector<4096x32xf32>
    %dot_general3A_349 = tpu.matmul %max3A_347, %get3A_318, %dot_general3A_348 {dimension_numbers = #tpu.dot_dimension_numbers<[1], [0], [0], [1], [0, 0, 1, 1], [], []>, transpose_lhs_hint = false} : vector<4096x64xf32>, vector<64x32xf32>, vector<4096x32xf32> -> vector<4096x32xf32>
    %add3A_350 = vector.broadcast %get3A_323 : vector<1x32xf32> to vector<4096x32xf32>
    %add3A_351 = arith.addf %dot_general3A_349, %add3A_350 : vector<4096x32xf32>
    %broadcast_in_dim3A_352 = arith.constant 3.125000e-02 : f32
    %broadcast_in_dim3A_353 = vector.broadcast %broadcast_in_dim3A_352 : f32 to vector<32x32xf32>
    %dot_general3A_354 = arith.constant dense<0.000000e+00> : vector<4096x32xf32>
    %dot_general3A_355 = tpu.matmul %add3A_351, %broadcast_in_dim3A_353, %dot_general3A_354 {dimension_numbers = #tpu.dot_dimension_numbers<[1], [0], [0], [1], [0, 0, 1, 1], [], []>, transpose_lhs_hint = false} : vector<4096x32xf32>, vector<32x32xf32>, vector<4096x32xf32> -> vector<4096x32xf32>
    %sub3A_356 = arith.subf %add3A_351, %dot_general3A_355 : vector<4096x32xf32>
    %mul3A_357 = arith.mulf %sub3A_356, %sub3A_356 : vector<4096x32xf32>
    %dot_general3A_358 = arith.constant dense<0.000000e+00> : vector<4096x32xf32>
    %dot_general3A_359 = tpu.matmul %mul3A_357, %broadcast_in_dim3A_353, %dot_general3A_358 {dimension_numbers = #tpu.dot_dimension_numbers<[1], [0], [0], [1], [0, 0, 1, 1], [], []>, transpose_lhs_hint = false} : vector<4096x32xf32>, vector<32x32xf32>, vector<4096x32xf32> -> vector<4096x32xf32>
    %add3A_360 = arith.constant 9.99999974E-6 : f32
    %add3A_361 = vector.broadcast %add3A_360 : f32 to vector<4096x32xf32>
    %add3A_362 = arith.addf %dot_general3A_359, %add3A_361 : vector<4096x32xf32>
    %sqrt3A_363 = math.sqrt %add3A_362 : vector<4096x32xf32>
    %div3A_364 = arith.divf %sub3A_356, %sqrt3A_363 : vector<4096x32xf32>
    %mul3A_365 = vector.broadcast %get3A_328 : vector<1x32xf32> to vector<4096x32xf32>
    %mul3A_366 = arith.mulf %div3A_364, %mul3A_365 : vector<4096x32xf32>
    %add3A_367 = vector.broadcast %get3A_333 : vector<1x32xf32> to vector<4096x32xf32>
    %add3A_368 = arith.addf %mul3A_366, %add3A_367 : vector<4096x32xf32>
    %slice3A_369 = vector.extract_strided_slice %add3A_368 {offsets = [0, 0], sizes = [128, 32], strides = [1, 1]} : vector<4096x32xf32> to vector<128x32xf32>
    %swap3A_370 = arith.constant 1 : index
    %swap3A_371 = arith.constant 0 : index
    %swap3A_372 = arith.constant 0 : index
    %swap3A_373 = vector.load %arg12[%swap3A_370, %swap3A_371, %swap3A_372] : memref<3x1024x128xf32, #tpu.memory_space<vmem>>, vector<1x128x32xf32>
    %swap3A_374 = vector.shape_cast %swap3A_373 : vector<1x128x32xf32> to vector<128x32xf32>
    %swap3A_375 = vector.shape_cast %slice3A_369 : vector<128x32xf32> to vector<1x128x32xf32>
    tpu.vector_store %arg12[%swap3A_370, %swap3A_371, %swap3A_372], %swap3A_375 {strides = array<i32>} : memref<3x1024x128xf32, #tpu.memory_space<vmem>>, vector<1x128x32xf32>,
    %slice3A_376 = vector.extract_strided_slice %add3A_368 {offsets = [128, 0], sizes = [128, 32], strides = [1, 1]} : vector<4096x32xf32> to vector<128x32xf32>
    %swap3A_377 = arith.constant 1 : index
    %swap3A_378 = arith.constant 0 : index
    %swap3A_379 = arith.constant 32 : index
    %swap3A_380 = vector.load %arg12[%swap3A_377, %swap3A_378, %swap3A_379] : memref<3x1024x128xf32, #tpu.memory_space<vmem>>, vector<1x128x32xf32>
    %swap3A_381 = vector.shape_cast %swap3A_380 : vector<1x128x32xf32> to vector<128x32xf32>
    %swap3A_382 = vector.shape_cast %slice3A_376 : vector<128x32xf32> to vector<1x128x32xf32>
    tpu.vector_store %arg12[%swap3A_377, %swap3A_378, %swap3A_379], %swap3A_382 {strides = array<i32>} : memref<3x1024x128xf32, #tpu.memory_space<vmem>>, vector<1x128x32xf32>,
    %slice3A_383 = vector.extract_strided_slice %add3A_368 {offsets = [256, 0], sizes = [128, 32], strides = [1, 1]} : vector<4096x32xf32> to vector<128x32xf32>
    %swap3A_384 = arith.constant 1 : index
    %swap3A_385 = arith.constant 0 : index
    %swap3A_386 = arith.constant 64 : index
    %swap3A_387 = vector.load %arg12[%swap3A_384, %swap3A_385, %swap3A_386] : memref<3x1024x128xf32, #tpu.memory_space<vmem>>, vector<1x128x32xf32>
    %swap3A_388 = vector.shape_cast %swap3A_387 : vector<1x128x32xf32> to vector<128x32xf32>
    %swap3A_389 = vector.shape_cast %slice3A_383 : vector<128x32xf32> to vector<1x128x32xf32>
    tpu.vector_store %arg12[%swap3A_384, %swap3A_385, %swap3A_386], %swap3A_389 {strides = array<i32>} : memref<3x1024x128xf32, #tpu.memory_space<vmem>>, vector<1x128x32xf32>,
    %slice3A_390 = vector.extract_strided_slice %add3A_368 {offsets = [384, 0], sizes = [128, 32], strides = [1, 1]} : vector<4096x32xf32> to vector<128x32xf32>
    %swap3A_391 = arith.constant 1 : index
    %swap3A_392 = arith.constant 0 : index
    %swap3A_393 = arith.constant 96 : index
    %swap3A_394 = vector.load %arg12[%swap3A_391, %swap3A_392, %swap3A_393] : memref<3x1024x128xf32, #tpu.memory_space<vmem>>, vector<1x128x32xf32>
    %swap3A_395 = vector.shape_cast %swap3A_394 : vector<1x128x32xf32> to vector<128x32xf32>
    %swap3A_396 = vector.shape_cast %slice3A_390 : vector<128x32xf32> to vector<1x128x32xf32>
    tpu.vector_store %arg12[%swap3A_391, %swap3A_392, %swap3A_393], %swap3A_396 {strides = array<i32>} : memref<3x1024x128xf32, #tpu.memory_space<vmem>>, vector<1x128x32xf32>,
    %slice3A_397 = vector.extract_strided_slice %add3A_368 {offsets = [512, 0], sizes = [128, 32], strides = [1, 1]} : vector<4096x32xf32> to vector<128x32xf32>
    %swap3A_398 = arith.constant 1 : index
    %swap3A_399 = arith.constant 128 : index
    %swap3A_400 = arith.constant 0 : index
    %swap3A_401 = vector.load %arg12[%swap3A_398, %swap3A_399, %swap3A_400] : memref<3x1024x128xf32, #tpu.memory_space<vmem>>, vector<1x128x32xf32>
    %swap3A_402 = vector.shape_cast %swap3A_401 : vector<1x128x32xf32> to vector<128x32xf32>
    %swap3A_403 = vector.shape_cast %slice3A_397 : vector<128x32xf32> to vector<1x128x32xf32>
    tpu.vector_store %arg12[%swap3A_398, %swap3A_399, %swap3A_400], %swap3A_403 {strides = array<i32>} : memref<3x1024x128xf32, #tpu.memory_space<vmem>>, vector<1x128x32xf32>,
    %slice3A_404 = vector.extract_strided_slice %add3A_368 {offsets = [640, 0], sizes = [128, 32], strides = [1, 1]} : vector<4096x32xf32> to vector<128x32xf32>
    %swap3A_405 = arith.constant 1 : index
    %swap3A_406 = arith.constant 128 : index
    %swap3A_407 = arith.constant 32 : index
    %swap3A_408 = vector.load %arg12[%swap3A_405, %swap3A_406, %swap3A_407] : memref<3x1024x128xf32, #tpu.memory_space<vmem>>, vector<1x128x32xf32>
    %swap3A_409 = vector.shape_cast %swap3A_408 : vector<1x128x32xf32> to vector<128x32xf32>
    %swap3A_410 = vector.shape_cast %slice3A_404 : vector<128x32xf32> to vector<1x128x32xf32>
    tpu.vector_store %arg12[%swap3A_405, %swap3A_406, %swap3A_407], %swap3A_410 {strides = array<i32>} : memref<3x1024x128xf32, #tpu.memory_space<vmem>>, vector<1x128x32xf32>,
    %slice3A_411 = vector.extract_strided_slice %add3A_368 {offsets = [768, 0], sizes = [128, 32], strides = [1, 1]} : vector<4096x32xf32> to vector<128x32xf32>
    %swap3A_412 = arith.constant 1 : index
    %swap3A_413 = arith.constant 128 : index
    %swap3A_414 = arith.constant 64 : index
    %swap3A_415 = vector.load %arg12[%swap3A_412, %swap3A_413, %swap3A_414] : memref<3x1024x128xf32, #tpu.memory_space<vmem>>, vector<1x128x32xf32>
    %swap3A_416 = vector.shape_cast %swap3A_415 : vector<1x128x32xf32> to vector<128x32xf32>
    %swap3A_417 = vector.shape_cast %slice3A_411 : vector<128x32xf32> to vector<1x128x32xf32>
    tpu.vector_store %arg12[%swap3A_412, %swap3A_413, %swap3A_414], %swap3A_417 {strides = array<i32>} : memref<3x1024x128xf32, #tpu.memory_space<vmem>>, vector<1x128x32xf32>,
    %slice3A_418 = vector.extract_strided_slice %add3A_368 {offsets = [896, 0], sizes = [128, 32], strides = [1, 1]} : vector<4096x32xf32> to vector<128x32xf32>
    %swap3A_419 = arith.constant 1 : index
    %swap3A_420 = arith.constant 128 : index
    %swap3A_421 = arith.constant 96 : index
    %swap3A_422 = vector.load %arg12[%swap3A_419, %swap3A_420, %swap3A_421] : memref<3x1024x128xf32, #tpu.memory_space<vmem>>, vector<1x128x32xf32>
    %swap3A_423 = vector.shape_cast %swap3A_422 : vector<1x128x32xf32> to vector<128x32xf32>
    %swap3A_424 = vector.shape_cast %slice3A_418 : vector<128x32xf32> to vector<1x128x32xf32>
    tpu.vector_store %arg12[%swap3A_419, %swap3A_420, %swap3A_421], %swap3A_424 {strides = array<i32>} : memref<3x1024x128xf32, #tpu.memory_space<vmem>>, vector<1x128x32xf32>,
    %slice3A_425 = vector.extract_strided_slice %add3A_368 {offsets = [1024, 0], sizes = [128, 32], strides = [1, 1]} : vector<4096x32xf32> to vector<128x32xf32>
    %swap3A_426 = arith.constant 1 : index
    %swap3A_427 = arith.constant 256 : index
    %swap3A_428 = arith.constant 0 : index
    %swap3A_429 = vector.load %arg12[%swap3A_426, %swap3A_427, %swap3A_428] : memref<3x1024x128xf32, #tpu.memory_space<vmem>>, vector<1x128x32xf32>
    %swap3A_430 = vector.shape_cast %swap3A_429 : vector<1x128x32xf32> to vector<128x32xf32>
    %swap3A_431 = vector.shape_cast %slice3A_425 : vector<128x32xf32> to vector<1x128x32xf32>
    tpu.vector_store %arg12[%swap3A_426, %swap3A_427, %swap3A_428], %swap3A_431 {strides = array<i32>} : memref<3x1024x128xf32, #tpu.memory_space<vmem>>, vector<1x128x32xf32>,
    %slice3A_432 = vector.extract_strided_slice %add3A_368 {offsets = [1152, 0], sizes = [128, 32], strides = [1, 1]} : vector<4096x32xf32> to vector<128x32xf32>
    %swap3A_433 = arith.constant 1 : index
    %swap3A_434 = arith.constant 256 : index
    %swap3A_435 = arith.constant 32 : index
    %swap3A_436 = vector.load %arg12[%swap3A_433, %swap3A_434, %swap3A_435] : memref<3x1024x128xf32, #tpu.memory_space<vmem>>, vector<1x128x32xf32>
    %swap3A_437 = vector.shape_cast %swap3A_436 : vector<1x128x32xf32> to vector<128x32xf32>
    %swap3A_438 = vector.shape_cast %slice3A_432 : vector<128x32xf32> to vector<1x128x32xf32>
    tpu.vector_store %arg12[%swap3A_433, %swap3A_434, %swap3A_435], %swap3A_438 {strides = array<i32>} : memref<3x1024x128xf32, #tpu.memory_space<vmem>>, vector<1x128x32xf32>,
    %slice3A_439 = vector.extract_strided_slice %add3A_368 {offsets = [1280, 0], sizes = [128, 32], strides = [1, 1]} : vector<4096x32xf32> to vector<128x32xf32>
    %swap3A_440 = arith.constant 1 : index
    %swap3A_441 = arith.constant 256 : index
    %swap3A_442 = arith.constant 64 : index
    %swap3A_443 = vector.load %arg12[%swap3A_440, %swap3A_441, %swap3A_442] : memref<3x1024x128xf32, #tpu.memory_space<vmem>>, vector<1x128x32xf32>
    %swap3A_444 = vector.shape_cast %swap3A_443 : vector<1x128x32xf32> to vector<128x32xf32>
    %swap3A_445 = vector.shape_cast %slice3A_439 : vector<128x32xf32> to vector<1x128x32xf32>
    tpu.vector_store %arg12[%swap3A_440, %swap3A_441, %swap3A_442], %swap3A_445 {strides = array<i32>} : memref<3x1024x128xf32, #tpu.memory_space<vmem>>, vector<1x128x32xf32>,
    %slice3A_446 = vector.extract_strided_slice %add3A_368 {offsets = [1408, 0], sizes = [128, 32], strides = [1, 1]} : vector<4096x32xf32> to vector<128x32xf32>
    %swap3A_447 = arith.constant 1 : index
    %swap3A_448 = arith.constant 256 : index
    %swap3A_449 = arith.constant 96 : index
    %swap3A_450 = vector.load %arg12[%swap3A_447, %swap3A_448, %swap3A_449] : memref<3x1024x128xf32, #tpu.memory_space<vmem>>, vector<1x128x32xf32>
    %swap3A_451 = vector.shape_cast %swap3A_450 : vector<1x128x32xf32> to vector<128x32xf32>
    %swap3A_452 = vector.shape_cast %slice3A_446 : vector<128x32xf32> to vector<1x128x32xf32>
    tpu.vector_store %arg12[%swap3A_447, %swap3A_448, %swap3A_449], %swap3A_452 {strides = array<i32>} : memref<3x1024x128xf32, #tpu.memory_space<vmem>>, vector<1x128x32xf32>,
    %slice3A_453 = vector.extract_strided_slice %add3A_368 {offsets = [1536, 0], sizes = [128, 32], strides = [1, 1]} : vector<4096x32xf32> to vector<128x32xf32>
    %swap3A_454 = arith.constant 1 : index
    %swap3A_455 = arith.constant 384 : index
    %swap3A_456 = arith.constant 0 : index
    %swap3A_457 = vector.load %arg12[%swap3A_454, %swap3A_455, %swap3A_456] : memref<3x1024x128xf32, #tpu.memory_space<vmem>>, vector<1x128x32xf32>
    %swap3A_458 = vector.shape_cast %swap3A_457 : vector<1x128x32xf32> to vector<128x32xf32>
    %swap3A_459 = vector.shape_cast %slice3A_453 : vector<128x32xf32> to vector<1x128x32xf32>
    tpu.vector_store %arg12[%swap3A_454, %swap3A_455, %swap3A_456], %swap3A_459 {strides = array<i32>} : memref<3x1024x128xf32, #tpu.memory_space<vmem>>, vector<1x128x32xf32>,
    %slice3A_460 = vector.extract_strided_slice %add3A_368 {offsets = [1664, 0], sizes = [128, 32], strides = [1, 1]} : vector<4096x32xf32> to vector<128x32xf32>
    %swap3A_461 = arith.constant 1 : index
    %swap3A_462 = arith.constant 384 : index
    %swap3A_463 = arith.constant 32 : index
    %swap3A_464 = vector.load %arg12[%swap3A_461, %swap3A_462, %swap3A_463] : memref<3x1024x128xf32, #tpu.memory_space<vmem>>, vector<1x128x32xf32>
    %swap3A_465 = vector.shape_cast %swap3A_464 : vector<1x128x32xf32> to vector<128x32xf32>
    %swap3A_466 = vector.shape_cast %slice3A_460 : vector<128x32xf32> to vector<1x128x32xf32>
    tpu.vector_store %arg12[%swap3A_461, %swap3A_462, %swap3A_463], %swap3A_466 {strides = array<i32>} : memref<3x1024x128xf32, #tpu.memory_space<vmem>>, vector<1x128x32xf32>,
    %slice3A_467 = vector.extract_strided_slice %add3A_368 {offsets = [1792, 0], sizes = [128, 32], strides = [1, 1]} : vector<4096x32xf32> to vector<128x32xf32>
    %swap3A_468 = arith.constant 1 : index
    %swap3A_469 = arith.constant 384 : index
    %swap3A_470 = arith.constant 64 : index
    %swap3A_471 = vector.load %arg12[%swap3A_468, %swap3A_469, %swap3A_470] : memref<3x1024x128xf32, #tpu.memory_space<vmem>>, vector<1x128x32xf32>
    %swap3A_472 = vector.shape_cast %swap3A_471 : vector<1x128x32xf32> to vector<128x32xf32>
    %swap3A_473 = vector.shape_cast %slice3A_467 : vector<128x32xf32> to vector<1x128x32xf32>
    tpu.vector_store %arg12[%swap3A_468, %swap3A_469, %swap3A_470], %swap3A_473 {strides = array<i32>} : memref<3x1024x128xf32, #tpu.memory_space<vmem>>, vector<1x128x32xf32>,
    %slice3A_474 = vector.extract_strided_slice %add3A_368 {offsets = [1920, 0], sizes = [128, 32], strides = [1, 1]} : vector<4096x32xf32> to vector<128x32xf32>
    %swap3A_475 = arith.constant 1 : index
    %swap3A_476 = arith.constant 384 : index
    %swap3A_477 = arith.constant 96 : index
    %swap3A_478 = vector.load %arg12[%swap3A_475, %swap3A_476, %swap3A_477] : memref<3x1024x128xf32, #tpu.memory_space<vmem>>, vector<1x128x32xf32>
    %swap3A_479 = vector.shape_cast %swap3A_478 : vector<1x128x32xf32> to vector<128x32xf32>
    %swap3A_480 = vector.shape_cast %slice3A_474 : vector<128x32xf32> to vector<1x128x32xf32>
    tpu.vector_store %arg12[%swap3A_475, %swap3A_476, %swap3A_477], %swap3A_480 {strides = array<i32>} : memref<3x1024x128xf32, #tpu.memory_space<vmem>>, vector<1x128x32xf32>,
    %slice3A_481 = vector.extract_strided_slice %add3A_368 {offsets = [2048, 0], sizes = [128, 32], strides = [1, 1]} : vector<4096x32xf32> to vector<128x32xf32>
    %swap3A_482 = arith.constant 1 : index
    %swap3A_483 = arith.constant 512 : index
    %swap3A_484 = arith.constant 0 : index
    %swap3A_485 = vector.load %arg12[%swap3A_482, %swap3A_483, %swap3A_484] : memref<3x1024x128xf32, #tpu.memory_space<vmem>>, vector<1x128x32xf32>
    %swap3A_486 = vector.shape_cast %swap3A_485 : vector<1x128x32xf32> to vector<128x32xf32>
    %swap3A_487 = vector.shape_cast %slice3A_481 : vector<128x32xf32> to vector<1x128x32xf32>
    tpu.vector_store %arg12[%swap3A_482, %swap3A_483, %swap3A_484], %swap3A_487 {strides = array<i32>} : memref<3x1024x128xf32, #tpu.memory_space<vmem>>, vector<1x128x32xf32>,
    %slice3A_488 = vector.extract_strided_slice %add3A_368 {offsets = [2176, 0], sizes = [128, 32], strides = [1, 1]} : vector<4096x32xf32> to vector<128x32xf32>
    %swap3A_489 = arith.constant 1 : index
    %swap3A_490 = arith.constant 512 : index
    %swap3A_491 = arith.constant 32 : index
    %swap3A_492 = vector.load %arg12[%swap3A_489, %swap3A_490, %swap3A_491] : memref<3x1024x128xf32, #tpu.memory_space<vmem>>, vector<1x128x32xf32>
    %swap3A_493 = vector.shape_cast %swap3A_492 : vector<1x128x32xf32> to vector<128x32xf32>
    %swap3A_494 = vector.shape_cast %slice3A_488 : vector<128x32xf32> to vector<1x128x32xf32>
    tpu.vector_store %arg12[%swap3A_489, %swap3A_490, %swap3A_491], %swap3A_494 {strides = array<i32>} : memref<3x1024x128xf32, #tpu.memory_space<vmem>>, vector<1x128x32xf32>,
    %slice3A_495 = vector.extract_strided_slice %add3A_368 {offsets = [2304, 0], sizes = [128, 32], strides = [1, 1]} : vector<4096x32xf32> to vector<128x32xf32>
    %swap3A_496 = arith.constant 1 : index
    %swap3A_497 = arith.constant 512 : index
    %swap3A_498 = arith.constant 64 : index
    %swap3A_499 = vector.load %arg12[%swap3A_496, %swap3A_497, %swap3A_498] : memref<3x1024x128xf32, #tpu.memory_space<vmem>>, vector<1x128x32xf32>
    %swap3A_500 = vector.shape_cast %swap3A_499 : vector<1x128x32xf32> to vector<128x32xf32>
    %swap3A_501 = vector.shape_cast %slice3A_495 : vector<128x32xf32> to vector<1x128x32xf32>
    tpu.vector_store %arg12[%swap3A_496, %swap3A_497, %swap3A_498], %swap3A_501 {strides = array<i32>} : memref<3x1024x128xf32, #tpu.memory_space<vmem>>, vector<1x128x32xf32>,
    %slice3A_502 = vector.extract_strided_slice %add3A_368 {offsets = [2432, 0], sizes = [128, 32], strides = [1, 1]} : vector<4096x32xf32> to vector<128x32xf32>
    %swap3A_503 = arith.constant 1 : index
    %swap3A_504 = arith.constant 512 : index
    %swap3A_505 = arith.constant 96 : index
    %swap3A_506 = vector.load %arg12[%swap3A_503, %swap3A_504, %swap3A_505] : memref<3x1024x128xf32, #tpu.memory_space<vmem>>, vector<1x128x32xf32>
    %swap3A_507 = vector.shape_cast %swap3A_506 : vector<1x128x32xf32> to vector<128x32xf32>
    %swap3A_508 = vector.shape_cast %slice3A_502 : vector<128x32xf32> to vector<1x128x32xf32>
    tpu.vector_store %arg12[%swap3A_503, %swap3A_504, %swap3A_505], %swap3A_508 {strides = array<i32>} : memref<3x1024x128xf32, #tpu.memory_space<vmem>>, vector<1x128x32xf32>,
    %slice3A_509 = vector.extract_strided_slice %add3A_368 {offsets = [2560, 0], sizes = [128, 32], strides = [1, 1]} : vector<4096x32xf32> to vector<128x32xf32>
    %swap3A_510 = arith.constant 1 : index
    %swap3A_511 = arith.constant 640 : index
    %swap3A_512 = arith.constant 0 : index
    %swap3A_513 = vector.load %arg12[%swap3A_510, %swap3A_511, %swap3A_512] : memref<3x1024x128xf32, #tpu.memory_space<vmem>>, vector<1x128x32xf32>
    %swap3A_514 = vector.shape_cast %swap3A_513 : vector<1x128x32xf32> to vector<128x32xf32>
    %swap3A_515 = vector.shape_cast %slice3A_509 : vector<128x32xf32> to vector<1x128x32xf32>
    tpu.vector_store %arg12[%swap3A_510, %swap3A_511, %swap3A_512], %swap3A_515 {strides = array<i32>} : memref<3x1024x128xf32, #tpu.memory_space<vmem>>, vector<1x128x32xf32>,
    %slice3A_516 = vector.extract_strided_slice %add3A_368 {offsets = [2688, 0], sizes = [128, 32], strides = [1, 1]} : vector<4096x32xf32> to vector<128x32xf32>
    %swap3A_517 = arith.constant 1 : index
    %swap3A_518 = arith.constant 640 : index
    %swap3A_519 = arith.constant 32 : index
    %swap3A_520 = vector.load %arg12[%swap3A_517, %swap3A_518, %swap3A_519] : memref<3x1024x128xf32, #tpu.memory_space<vmem>>, vector<1x128x32xf32>
    %swap3A_521 = vector.shape_cast %swap3A_520 : vector<1x128x32xf32> to vector<128x32xf32>
    %swap3A_522 = vector.shape_cast %slice3A_516 : vector<128x32xf32> to vector<1x128x32xf32>
    tpu.vector_store %arg12[%swap3A_517, %swap3A_518, %swap3A_519], %swap3A_522 {strides = array<i32>} : memref<3x1024x128xf32, #tpu.memory_space<vmem>>, vector<1x128x32xf32>,
    %slice3A_523 = vector.extract_strided_slice %add3A_368 {offsets = [2816, 0], sizes = [128, 32], strides = [1, 1]} : vector<4096x32xf32> to vector<128x32xf32>
    %swap3A_524 = arith.constant 1 : index
    %swap3A_525 = arith.constant 640 : index
    %swap3A_526 = arith.constant 64 : index
    %swap3A_527 = vector.load %arg12[%swap3A_524, %swap3A_525, %swap3A_526] : memref<3x1024x128xf32, #tpu.memory_space<vmem>>, vector<1x128x32xf32>
    %swap3A_528 = vector.shape_cast %swap3A_527 : vector<1x128x32xf32> to vector<128x32xf32>
    %swap3A_529 = vector.shape_cast %slice3A_523 : vector<128x32xf32> to vector<1x128x32xf32>
    tpu.vector_store %arg12[%swap3A_524, %swap3A_525, %swap3A_526], %swap3A_529 {strides = array<i32>} : memref<3x1024x128xf32, #tpu.memory_space<vmem>>, vector<1x128x32xf32>,
    %slice3A_530 = vector.extract_strided_slice %add3A_368 {offsets = [2944, 0], sizes = [128, 32], strides = [1, 1]} : vector<4096x32xf32> to vector<128x32xf32>
    %swap3A_531 = arith.constant 1 : index
    %swap3A_532 = arith.constant 640 : index
    %swap3A_533 = arith.constant 96 : index
    %swap3A_534 = vector.load %arg12[%swap3A_531, %swap3A_532, %swap3A_533] : memref<3x1024x128xf32, #tpu.memory_space<vmem>>, vector<1x128x32xf32>
    %swap3A_535 = vector.shape_cast %swap3A_534 : vector<1x128x32xf32> to vector<128x32xf32>
    %swap3A_536 = vector.shape_cast %slice3A_530 : vector<128x32xf32> to vector<1x128x32xf32>
    tpu.vector_store %arg12[%swap3A_531, %swap3A_532, %swap3A_533], %swap3A_536 {strides = array<i32>} : memref<3x1024x128xf32, #tpu.memory_space<vmem>>, vector<1x128x32xf32>,
    %slice3A_537 = vector.extract_strided_slice %add3A_368 {offsets = [3072, 0], sizes = [128, 32], strides = [1, 1]} : vector<4096x32xf32> to vector<128x32xf32>
    %swap3A_538 = arith.constant 1 : index
    %swap3A_539 = arith.constant 768 : index
    %swap3A_540 = arith.constant 0 : index
    %swap3A_541 = vector.load %arg12[%swap3A_538, %swap3A_539, %swap3A_540] : memref<3x1024x128xf32, #tpu.memory_space<vmem>>, vector<1x128x32xf32>
    %swap3A_542 = vector.shape_cast %swap3A_541 : vector<1x128x32xf32> to vector<128x32xf32>
    %swap3A_543 = vector.shape_cast %slice3A_537 : vector<128x32xf32> to vector<1x128x32xf32>
    tpu.vector_store %arg12[%swap3A_538, %swap3A_539, %swap3A_540], %swap3A_543 {strides = array<i32>} : memref<3x1024x128xf32, #tpu.memory_space<vmem>>, vector<1x128x32xf32>,
    %slice3A_544 = vector.extract_strided_slice %add3A_368 {offsets = [3200, 0], sizes = [128, 32], strides = [1, 1]} : vector<4096x32xf32> to vector<128x32xf32>
    %swap3A_545 = arith.constant 1 : index
    %swap3A_546 = arith.constant 768 : index
    %swap3A_547 = arith.constant 32 : index
    %swap3A_548 = vector.load %arg12[%swap3A_545, %swap3A_546, %swap3A_547] : memref<3x1024x128xf32, #tpu.memory_space<vmem>>, vector<1x128x32xf32>
    %swap3A_549 = vector.shape_cast %swap3A_548 : vector<1x128x32xf32> to vector<128x32xf32>
    %swap3A_550 = vector.shape_cast %slice3A_544 : vector<128x32xf32> to vector<1x128x32xf32>
    tpu.vector_store %arg12[%swap3A_545, %swap3A_546, %swap3A_547], %swap3A_550 {strides = array<i32>} : memref<3x1024x128xf32, #tpu.memory_space<vmem>>, vector<1x128x32xf32>,
    %slice3A_551 = vector.extract_strided_slice %add3A_368 {offsets = [3328, 0], sizes = [128, 32], strides = [1, 1]} : vector<4096x32xf32> to vector<128x32xf32>
    %swap3A_552 = arith.constant 1 : index
    %swap3A_553 = arith.constant 768 : index
    %swap3A_554 = arith.constant 64 : index
    %swap3A_555 = vector.load %arg12[%swap3A_552, %swap3A_553, %swap3A_554] : memref<3x1024x128xf32, #tpu.memory_space<vmem>>, vector<1x128x32xf32>
    %swap3A_556 = vector.shape_cast %swap3A_555 : vector<1x128x32xf32> to vector<128x32xf32>
    %swap3A_557 = vector.shape_cast %slice3A_551 : vector<128x32xf32> to vector<1x128x32xf32>
    tpu.vector_store %arg12[%swap3A_552, %swap3A_553, %swap3A_554], %swap3A_557 {strides = array<i32>} : memref<3x1024x128xf32, #tpu.memory_space<vmem>>, vector<1x128x32xf32>,
    %slice3A_558 = vector.extract_strided_slice %add3A_368 {offsets = [3456, 0], sizes = [128, 32], strides = [1, 1]} : vector<4096x32xf32> to vector<128x32xf32>
    %swap3A_559 = arith.constant 1 : index
    %swap3A_560 = arith.constant 768 : index
    %swap3A_561 = arith.constant 96 : index
    %swap3A_562 = vector.load %arg12[%swap3A_559, %swap3A_560, %swap3A_561] : memref<3x1024x128xf32, #tpu.memory_space<vmem>>, vector<1x128x32xf32>
    %swap3A_563 = vector.shape_cast %swap3A_562 : vector<1x128x32xf32> to vector<128x32xf32>
    %swap3A_564 = vector.shape_cast %slice3A_558 : vector<128x32xf32> to vector<1x128x32xf32>
    tpu.vector_store %arg12[%swap3A_559, %swap3A_560, %swap3A_561], %swap3A_564 {strides = array<i32>} : memref<3x1024x128xf32, #tpu.memory_space<vmem>>, vector<1x128x32xf32>,
    %slice3A_565 = vector.extract_strided_slice %add3A_368 {offsets = [3584, 0], sizes = [128, 32], strides = [1, 1]} : vector<4096x32xf32> to vector<128x32xf32>
    %swap3A_566 = arith.constant 1 : index
    %swap3A_567 = arith.constant 896 : index
    %swap3A_568 = arith.constant 0 : index
    %swap3A_569 = vector.load %arg12[%swap3A_566, %swap3A_567, %swap3A_568] : memref<3x1024x128xf32, #tpu.memory_space<vmem>>, vector<1x128x32xf32>
    %swap3A_570 = vector.shape_cast %swap3A_569 : vector<1x128x32xf32> to vector<128x32xf32>
    %swap3A_571 = vector.shape_cast %slice3A_565 : vector<128x32xf32> to vector<1x128x32xf32>
    tpu.vector_store %arg12[%swap3A_566, %swap3A_567, %swap3A_568], %swap3A_571 {strides = array<i32>} : memref<3x1024x128xf32, #tpu.memory_space<vmem>>, vector<1x128x32xf32>,
    %slice3A_572 = vector.extract_strided_slice %add3A_368 {offsets = [3712, 0], sizes = [128, 32], strides = [1, 1]} : vector<4096x32xf32> to vector<128x32xf32>
    %swap3A_573 = arith.constant 1 : index
    %swap3A_574 = arith.constant 896 : index
    %swap3A_575 = arith.constant 32 : index
    %swap3A_576 = vector.load %arg12[%swap3A_573, %swap3A_574, %swap3A_575] : memref<3x1024x128xf32, #tpu.memory_space<vmem>>, vector<1x128x32xf32>
    %swap3A_577 = vector.shape_cast %swap3A_576 : vector<1x128x32xf32> to vector<128x32xf32>
    %swap3A_578 = vector.shape_cast %slice3A_572 : vector<128x32xf32> to vector<1x128x32xf32>
    tpu.vector_store %arg12[%swap3A_573, %swap3A_574, %swap3A_575], %swap3A_578 {strides = array<i32>} : memref<3x1024x128xf32, #tpu.memory_space<vmem>>, vector<1x128x32xf32>,
    %slice3A_579 = vector.extract_strided_slice %add3A_368 {offsets = [3840, 0], sizes = [128, 32], strides = [1, 1]} : vector<4096x32xf32> to vector<128x32xf32>
    %swap3A_580 = arith.constant 1 : index
    %swap3A_581 = arith.constant 896 : index
    %swap3A_582 = arith.constant 64 : index
    %swap3A_583 = vector.load %arg12[%swap3A_580, %swap3A_581, %swap3A_582] : memref<3x1024x128xf32, #tpu.memory_space<vmem>>, vector<1x128x32xf32>
    %swap3A_584 = vector.shape_cast %swap3A_583 : vector<1x128x32xf32> to vector<128x32xf32>
    %swap3A_585 = vector.shape_cast %slice3A_579 : vector<128x32xf32> to vector<1x128x32xf32>
    tpu.vector_store %arg12[%swap3A_580, %swap3A_581, %swap3A_582], %swap3A_585 {strides = array<i32>} : memref<3x1024x128xf32, #tpu.memory_space<vmem>>, vector<1x128x32xf32>,
    %slice3A_586 = vector.extract_strided_slice %add3A_368 {offsets = [3968, 0], sizes = [128, 32], strides = [1, 1]} : vector<4096x32xf32> to vector<128x32xf32>
    %swap3A_587 = arith.constant 1 : index
    %swap3A_588 = arith.constant 896 : index
    %swap3A_589 = arith.constant 96 : index
    %swap3A_590 = vector.load %arg12[%swap3A_587, %swap3A_588, %swap3A_589] : memref<3x1024x128xf32, #tpu.memory_space<vmem>>, vector<1x128x32xf32>
    %swap3A_591 = vector.shape_cast %swap3A_590 : vector<1x128x32xf32> to vector<128x32xf32>
    %swap3A_592 = vector.shape_cast %slice3A_586 : vector<128x32xf32> to vector<1x128x32xf32>
    tpu.vector_store %arg12[%swap3A_587, %swap3A_588, %swap3A_589], %swap3A_592 {strides = array<i32>} : memref<3x1024x128xf32, #tpu.memory_space<vmem>>, vector<1x128x32xf32>,
    %get3A_593 = arith.constant 0 : index
    %get3A_594 = arith.constant 0 : index
    %get3A_595 = vector.load %arg3[%get3A_593, %get3A_594] : memref<8x4096xf32, #tpu.memory_space<vmem>>, vector<8x4096xf32>
    %get3A_596 = arith.constant 2 : index
    %get3A_597 = arith.constant 0 : index
    %get3A_598 = arith.constant 0 : index
    %get3A_599 = vector.load %arg4[%get3A_596, %get3A_597, %get3A_598] : memref<3x8x64xf32, #tpu.memory_space<vmem>>, vector<1x8x64xf32>
    %get3A_600 = vector.shape_cast %get3A_599 : vector<1x8x64xf32> to vector<8x64xf32>
    %get3A_601 = arith.constant 2 : index
    %get3A_602 = arith.constant 0 : index
    %get3A_603 = arith.constant 0 : index
    %get3A_604 = vector.load %arg5[%get3A_601, %get3A_602, %get3A_603] : memref<3x1x64xf32, #tpu.memory_space<vmem>>, vector<1x1x64xf32>
    %get3A_605 = vector.shape_cast %get3A_604 : vector<1x1x64xf32> to vector<1x64xf32>
    %get3A_606 = arith.constant 2 : index
    %get3A_607 = arith.constant 0 : index
    %get3A_608 = arith.constant 0 : index
    %get3A_609 = vector.load %arg6[%get3A_606, %get3A_607, %get3A_608] : memref<3x64x64xf32, #tpu.memory_space<vmem>>, vector<1x64x64xf32>
    %get3A_610 = vector.shape_cast %get3A_609 : vector<1x64x64xf32> to vector<64x64xf32>
    %get3A_611 = arith.constant 2 : index
    %get3A_612 = arith.constant 0 : index
    %get3A_613 = arith.constant 0 : index
    %get3A_614 = vector.load %arg7[%get3A_611, %get3A_612, %get3A_613] : memref<3x1x64xf32, #tpu.memory_space<vmem>>, vector<1x1x64xf32>
    %get3A_615 = vector.shape_cast %get3A_614 : vector<1x1x64xf32> to vector<1x64xf32>
    %get3A_616 = arith.constant 2 : index
    %get3A_617 = arith.constant 0 : index
    %get3A_618 = arith.constant 0 : index
    %get3A_619 = vector.load %arg8[%get3A_616, %get3A_617, %get3A_618] : memref<3x64x32xf32, #tpu.memory_space<vmem>>, vector<1x64x32xf32>
    %get3A_620 = vector.shape_cast %get3A_619 : vector<1x64x32xf32> to vector<64x32xf32>
    %get3A_621 = arith.constant 2 : index
    %get3A_622 = arith.constant 0 : index
    %get3A_623 = arith.constant 0 : index
    %get3A_624 = vector.load %arg9[%get3A_621, %get3A_622, %get3A_623] : memref<3x1x32xf32, #tpu.memory_space<vmem>>, vector<1x1x32xf32>
    %get3A_625 = vector.shape_cast %get3A_624 : vector<1x1x32xf32> to vector<1x32xf32>
    %get3A_626 = arith.constant 2 : index
    %get3A_627 = arith.constant 0 : index
    %get3A_628 = arith.constant 0 : index
    %get3A_629 = vector.load %arg10[%get3A_626, %get3A_627, %get3A_628] : memref<3x1x32xf32, #tpu.memory_space<vmem>>, vector<1x1x32xf32>
    %get3A_630 = vector.shape_cast %get3A_629 : vector<1x1x32xf32> to vector<1x32xf32>
    %get3A_631 = arith.constant 2 : index
    %get3A_632 = arith.constant 0 : index
    %get3A_633 = arith.constant 0 : index
    %get3A_634 = vector.load %arg11[%get3A_631, %get3A_632, %get3A_633] : memref<3x1x32xf32, #tpu.memory_space<vmem>>, vector<1x1x32xf32>
    %get3A_635 = vector.shape_cast %get3A_634 : vector<1x1x32xf32> to vector<1x32xf32>
    %dot_general3A_636 = arith.constant dense<0.000000e+00> : vector<4096x64xf32>
    %dot_general3A_637 = tpu.matmul %get3A_595, %get3A_600, %dot_general3A_636 {dimension_numbers = #tpu.dot_dimension_numbers<[0], [0], [1], [1], [0, 1, 1, 1], [], []>, transpose_lhs_hint = false} : vector<8x4096xf32>, vector<8x64xf32>, vector<4096x64xf32> -> vector<4096x64xf32>
    %add3A_638 = vector.broadcast %get3A_605 : vector<1x64xf32> to vector<4096x64xf32>
    %add3A_639 = arith.addf %dot_general3A_637, %add3A_638 : vector<4096x64xf32>
    %max3A_640 = arith.constant 0.000000e+00 : f32
    %max3A_641 = vector.broadcast %max3A_640 : f32 to vector<4096x64xf32>
    %max3A_642 = arith.maximumf %add3A_639, %max3A_641 : vector<4096x64xf32>
    %dot_general3A_643 = arith.constant dense<0.000000e+00> : vector<4096x64xf32>
    %dot_general3A_644 = tpu.matmul %max3A_642, %get3A_610, %dot_general3A_643 {dimension_numbers = #tpu.dot_dimension_numbers<[1], [0], [0], [1], [0, 0, 1, 1], [], []>, transpose_lhs_hint = false} : vector<4096x64xf32>, vector<64x64xf32>, vector<4096x64xf32> -> vector<4096x64xf32>
    %add3A_645 = vector.broadcast %get3A_615 : vector<1x64xf32> to vector<4096x64xf32>
    %add3A_646 = arith.addf %dot_general3A_644, %add3A_645 : vector<4096x64xf32>
    %max3A_647 = arith.constant 0.000000e+00 : f32
    %max3A_648 = vector.broadcast %max3A_647 : f32 to vector<4096x64xf32>
    %max3A_649 = arith.maximumf %add3A_646, %max3A_648 : vector<4096x64xf32>
    %dot_general3A_650 = arith.constant dense<0.000000e+00> : vector<4096x32xf32>
    %dot_general3A_651 = tpu.matmul %max3A_649, %get3A_620, %dot_general3A_650 {dimension_numbers = #tpu.dot_dimension_numbers<[1], [0], [0], [1], [0, 0, 1, 1], [], []>, transpose_lhs_hint = false} : vector<4096x64xf32>, vector<64x32xf32>, vector<4096x32xf32> -> vector<4096x32xf32>
    %add3A_652 = vector.broadcast %get3A_625 : vector<1x32xf32> to vector<4096x32xf32>
    %add3A_653 = arith.addf %dot_general3A_651, %add3A_652 : vector<4096x32xf32>
    %broadcast_in_dim3A_654 = arith.constant 3.125000e-02 : f32
    %broadcast_in_dim3A_655 = vector.broadcast %broadcast_in_dim3A_654 : f32 to vector<32x32xf32>
    %dot_general3A_656 = arith.constant dense<0.000000e+00> : vector<4096x32xf32>
    %dot_general3A_657 = tpu.matmul %add3A_653, %broadcast_in_dim3A_655, %dot_general3A_656 {dimension_numbers = #tpu.dot_dimension_numbers<[1], [0], [0], [1], [0, 0, 1, 1], [], []>, transpose_lhs_hint = false} : vector<4096x32xf32>, vector<32x32xf32>, vector<4096x32xf32> -> vector<4096x32xf32>
    %sub3A_658 = arith.subf %add3A_653, %dot_general3A_657 : vector<4096x32xf32>
    %mul3A_659 = arith.mulf %sub3A_658, %sub3A_658 : vector<4096x32xf32>
    %dot_general3A_660 = arith.constant dense<0.000000e+00> : vector<4096x32xf32>
    %dot_general3A_661 = tpu.matmul %mul3A_659, %broadcast_in_dim3A_655, %dot_general3A_660 {dimension_numbers = #tpu.dot_dimension_numbers<[1], [0], [0], [1], [0, 0, 1, 1], [], []>, transpose_lhs_hint = false} : vector<4096x32xf32>, vector<32x32xf32>, vector<4096x32xf32> -> vector<4096x32xf32>
    %add3A_662 = arith.constant 9.99999974E-6 : f32
    %add3A_663 = vector.broadcast %add3A_662 : f32 to vector<4096x32xf32>
    %add3A_664 = arith.addf %dot_general3A_661, %add3A_663 : vector<4096x32xf32>
    %sqrt3A_665 = math.sqrt %add3A_664 : vector<4096x32xf32>
    %div3A_666 = arith.divf %sub3A_658, %sqrt3A_665 : vector<4096x32xf32>
    %mul3A_667 = vector.broadcast %get3A_630 : vector<1x32xf32> to vector<4096x32xf32>
    %mul3A_668 = arith.mulf %div3A_666, %mul3A_667 : vector<4096x32xf32>
    %add3A_669 = vector.broadcast %get3A_635 : vector<1x32xf32> to vector<4096x32xf32>
    %add3A_670 = arith.addf %mul3A_668, %add3A_669 : vector<4096x32xf32>
    %slice3A_671 = vector.extract_strided_slice %add3A_670 {offsets = [0, 0], sizes = [128, 32], strides = [1, 1]} : vector<4096x32xf32> to vector<128x32xf32>
    %swap3A_672 = arith.constant 2 : index
    %swap3A_673 = arith.constant 0 : index
    %swap3A_674 = arith.constant 0 : index
    %swap3A_675 = vector.load %arg12[%swap3A_672, %swap3A_673, %swap3A_674] : memref<3x1024x128xf32, #tpu.memory_space<vmem>>, vector<1x128x32xf32>
    %swap3A_676 = vector.shape_cast %swap3A_675 : vector<1x128x32xf32> to vector<128x32xf32>
    %swap3A_677 = vector.shape_cast %slice3A_671 : vector<128x32xf32> to vector<1x128x32xf32>
    tpu.vector_store %arg12[%swap3A_672, %swap3A_673, %swap3A_674], %swap3A_677 {strides = array<i32>} : memref<3x1024x128xf32, #tpu.memory_space<vmem>>, vector<1x128x32xf32>,
    %slice3A_678 = vector.extract_strided_slice %add3A_670 {offsets = [128, 0], sizes = [128, 32], strides = [1, 1]} : vector<4096x32xf32> to vector<128x32xf32>
    %swap3A_679 = arith.constant 2 : index
    %swap3A_680 = arith.constant 0 : index
    %swap3A_681 = arith.constant 32 : index
    %swap3A_682 = vector.load %arg12[%swap3A_679, %swap3A_680, %swap3A_681] : memref<3x1024x128xf32, #tpu.memory_space<vmem>>, vector<1x128x32xf32>
    %swap3A_683 = vector.shape_cast %swap3A_682 : vector<1x128x32xf32> to vector<128x32xf32>
    %swap3A_684 = vector.shape_cast %slice3A_678 : vector<128x32xf32> to vector<1x128x32xf32>
    tpu.vector_store %arg12[%swap3A_679, %swap3A_680, %swap3A_681], %swap3A_684 {strides = array<i32>} : memref<3x1024x128xf32, #tpu.memory_space<vmem>>, vector<1x128x32xf32>,
    %slice3A_685 = vector.extract_strided_slice %add3A_670 {offsets = [256, 0], sizes = [128, 32], strides = [1, 1]} : vector<4096x32xf32> to vector<128x32xf32>
    %swap3A_686 = arith.constant 2 : index
    %swap3A_687 = arith.constant 0 : index
    %swap3A_688 = arith.constant 64 : index
    %swap3A_689 = vector.load %arg12[%swap3A_686, %swap3A_687, %swap3A_688] : memref<3x1024x128xf32, #tpu.memory_space<vmem>>, vector<1x128x32xf32>
    %swap3A_690 = vector.shape_cast %swap3A_689 : vector<1x128x32xf32> to vector<128x32xf32>
    %swap3A_691 = vector.shape_cast %slice3A_685 : vector<128x32xf32> to vector<1x128x32xf32>
    tpu.vector_store %arg12[%swap3A_686, %swap3A_687, %swap3A_688], %swap3A_691 {strides = array<i32>} : memref<3x1024x128xf32, #tpu.memory_space<vmem>>, vector<1x128x32xf32>,
    %slice3A_692 = vector.extract_strided_slice %add3A_670 {offsets = [384, 0], sizes = [128, 32], strides = [1, 1]} : vector<4096x32xf32> to vector<128x32xf32>
    %swap3A_693 = arith.constant 2 : index
    %swap3A_694 = arith.constant 0 : index
    %swap3A_695 = arith.constant 96 : index
    %swap3A_696 = vector.load %arg12[%swap3A_693, %swap3A_694, %swap3A_695] : memref<3x1024x128xf32, #tpu.memory_space<vmem>>, vector<1x128x32xf32>
    %swap3A_697 = vector.shape_cast %swap3A_696 : vector<1x128x32xf32> to vector<128x32xf32>
    %swap3A_698 = vector.shape_cast %slice3A_692 : vector<128x32xf32> to vector<1x128x32xf32>
    tpu.vector_store %arg12[%swap3A_693, %swap3A_694, %swap3A_695], %swap3A_698 {strides = array<i32>} : memref<3x1024x128xf32, #tpu.memory_space<vmem>>, vector<1x128x32xf32>,
    %slice3A_699 = vector.extract_strided_slice %add3A_670 {offsets = [512, 0], sizes = [128, 32], strides = [1, 1]} : vector<4096x32xf32> to vector<128x32xf32>
    %swap3A_700 = arith.constant 2 : index
    %swap3A_701 = arith.constant 128 : index
    %swap3A_702 = arith.constant 0 : index
    %swap3A_703 = vector.load %arg12[%swap3A_700, %swap3A_701, %swap3A_702] : memref<3x1024x128xf32, #tpu.memory_space<vmem>>, vector<1x128x32xf32>
    %swap3A_704 = vector.shape_cast %swap3A_703 : vector<1x128x32xf32> to vector<128x32xf32>
    %swap3A_705 = vector.shape_cast %slice3A_699 : vector<128x32xf32> to vector<1x128x32xf32>
    tpu.vector_store %arg12[%swap3A_700, %swap3A_701, %swap3A_702], %swap3A_705 {strides = array<i32>} : memref<3x1024x128xf32, #tpu.memory_space<vmem>>, vector<1x128x32xf32>,
    %slice3A_706 = vector.extract_strided_slice %add3A_670 {offsets = [640, 0], sizes = [128, 32], strides = [1, 1]} : vector<4096x32xf32> to vector<128x32xf32>
    %swap3A_707 = arith.constant 2 : index
    %swap3A_708 = arith.constant 128 : index
    %swap3A_709 = arith.constant 32 : index
    %swap3A_710 = vector.load %arg12[%swap3A_707, %swap3A_708, %swap3A_709] : memref<3x1024x128xf32, #tpu.memory_space<vmem>>, vector<1x128x32xf32>
    %swap3A_711 = vector.shape_cast %swap3A_710 : vector<1x128x32xf32> to vector<128x32xf32>
    %swap3A_712 = vector.shape_cast %slice3A_706 : vector<128x32xf32> to vector<1x128x32xf32>
    tpu.vector_store %arg12[%swap3A_707, %swap3A_708, %swap3A_709], %swap3A_712 {strides = array<i32>} : memref<3x1024x128xf32, #tpu.memory_space<vmem>>, vector<1x128x32xf32>,
    %slice3A_713 = vector.extract_strided_slice %add3A_670 {offsets = [768, 0], sizes = [128, 32], strides = [1, 1]} : vector<4096x32xf32> to vector<128x32xf32>
    %swap3A_714 = arith.constant 2 : index
    %swap3A_715 = arith.constant 128 : index
    %swap3A_716 = arith.constant 64 : index
    %swap3A_717 = vector.load %arg12[%swap3A_714, %swap3A_715, %swap3A_716] : memref<3x1024x128xf32, #tpu.memory_space<vmem>>, vector<1x128x32xf32>
    %swap3A_718 = vector.shape_cast %swap3A_717 : vector<1x128x32xf32> to vector<128x32xf32>
    %swap3A_719 = vector.shape_cast %slice3A_713 : vector<128x32xf32> to vector<1x128x32xf32>
    tpu.vector_store %arg12[%swap3A_714, %swap3A_715, %swap3A_716], %swap3A_719 {strides = array<i32>} : memref<3x1024x128xf32, #tpu.memory_space<vmem>>, vector<1x128x32xf32>,
    %slice3A_720 = vector.extract_strided_slice %add3A_670 {offsets = [896, 0], sizes = [128, 32], strides = [1, 1]} : vector<4096x32xf32> to vector<128x32xf32>
    %swap3A_721 = arith.constant 2 : index
    %swap3A_722 = arith.constant 128 : index
    %swap3A_723 = arith.constant 96 : index
    %swap3A_724 = vector.load %arg12[%swap3A_721, %swap3A_722, %swap3A_723] : memref<3x1024x128xf32, #tpu.memory_space<vmem>>, vector<1x128x32xf32>
    %swap3A_725 = vector.shape_cast %swap3A_724 : vector<1x128x32xf32> to vector<128x32xf32>
    %swap3A_726 = vector.shape_cast %slice3A_720 : vector<128x32xf32> to vector<1x128x32xf32>
    tpu.vector_store %arg12[%swap3A_721, %swap3A_722, %swap3A_723], %swap3A_726 {strides = array<i32>} : memref<3x1024x128xf32, #tpu.memory_space<vmem>>, vector<1x128x32xf32>,
    %slice3A_727 = vector.extract_strided_slice %add3A_670 {offsets = [1024, 0], sizes = [128, 32], strides = [1, 1]} : vector<4096x32xf32> to vector<128x32xf32>
    %swap3A_728 = arith.constant 2 : index
    %swap3A_729 = arith.constant 256 : index
    %swap3A_730 = arith.constant 0 : index
    %swap3A_731 = vector.load %arg12[%swap3A_728, %swap3A_729, %swap3A_730] : memref<3x1024x128xf32, #tpu.memory_space<vmem>>, vector<1x128x32xf32>
    %swap3A_732 = vector.shape_cast %swap3A_731 : vector<1x128x32xf32> to vector<128x32xf32>
    %swap3A_733 = vector.shape_cast %slice3A_727 : vector<128x32xf32> to vector<1x128x32xf32>
    tpu.vector_store %arg12[%swap3A_728, %swap3A_729, %swap3A_730], %swap3A_733 {strides = array<i32>} : memref<3x1024x128xf32, #tpu.memory_space<vmem>>, vector<1x128x32xf32>,
    %slice3A_734 = vector.extract_strided_slice %add3A_670 {offsets = [1152, 0], sizes = [128, 32], strides = [1, 1]} : vector<4096x32xf32> to vector<128x32xf32>
    %swap3A_735 = arith.constant 2 : index
    %swap3A_736 = arith.constant 256 : index
    %swap3A_737 = arith.constant 32 : index
    %swap3A_738 = vector.load %arg12[%swap3A_735, %swap3A_736, %swap3A_737] : memref<3x1024x128xf32, #tpu.memory_space<vmem>>, vector<1x128x32xf32>
    %swap3A_739 = vector.shape_cast %swap3A_738 : vector<1x128x32xf32> to vector<128x32xf32>
    %swap3A_740 = vector.shape_cast %slice3A_734 : vector<128x32xf32> to vector<1x128x32xf32>
    tpu.vector_store %arg12[%swap3A_735, %swap3A_736, %swap3A_737], %swap3A_740 {strides = array<i32>} : memref<3x1024x128xf32, #tpu.memory_space<vmem>>, vector<1x128x32xf32>,
    %slice3A_741 = vector.extract_strided_slice %add3A_670 {offsets = [1280, 0], sizes = [128, 32], strides = [1, 1]} : vector<4096x32xf32> to vector<128x32xf32>
    %swap3A_742 = arith.constant 2 : index
    %swap3A_743 = arith.constant 256 : index
    %swap3A_744 = arith.constant 64 : index
    %swap3A_745 = vector.load %arg12[%swap3A_742, %swap3A_743, %swap3A_744] : memref<3x1024x128xf32, #tpu.memory_space<vmem>>, vector<1x128x32xf32>
    %swap3A_746 = vector.shape_cast %swap3A_745 : vector<1x128x32xf32> to vector<128x32xf32>
    %swap3A_747 = vector.shape_cast %slice3A_741 : vector<128x32xf32> to vector<1x128x32xf32>
    tpu.vector_store %arg12[%swap3A_742, %swap3A_743, %swap3A_744], %swap3A_747 {strides = array<i32>} : memref<3x1024x128xf32, #tpu.memory_space<vmem>>, vector<1x128x32xf32>,
    %slice3A_748 = vector.extract_strided_slice %add3A_670 {offsets = [1408, 0], sizes = [128, 32], strides = [1, 1]} : vector<4096x32xf32> to vector<128x32xf32>
    %swap3A_749 = arith.constant 2 : index
    %swap3A_750 = arith.constant 256 : index
    %swap3A_751 = arith.constant 96 : index
    %swap3A_752 = vector.load %arg12[%swap3A_749, %swap3A_750, %swap3A_751] : memref<3x1024x128xf32, #tpu.memory_space<vmem>>, vector<1x128x32xf32>
    %swap3A_753 = vector.shape_cast %swap3A_752 : vector<1x128x32xf32> to vector<128x32xf32>
    %swap3A_754 = vector.shape_cast %slice3A_748 : vector<128x32xf32> to vector<1x128x32xf32>
    tpu.vector_store %arg12[%swap3A_749, %swap3A_750, %swap3A_751], %swap3A_754 {strides = array<i32>} : memref<3x1024x128xf32, #tpu.memory_space<vmem>>, vector<1x128x32xf32>,
    %slice3A_755 = vector.extract_strided_slice %add3A_670 {offsets = [1536, 0], sizes = [128, 32], strides = [1, 1]} : vector<4096x32xf32> to vector<128x32xf32>
    %swap3A_756 = arith.constant 2 : index
    %swap3A_757 = arith.constant 384 : index
    %swap3A_758 = arith.constant 0 : index
    %swap3A_759 = vector.load %arg12[%swap3A_756, %swap3A_757, %swap3A_758] : memref<3x1024x128xf32, #tpu.memory_space<vmem>>, vector<1x128x32xf32>
    %swap3A_760 = vector.shape_cast %swap3A_759 : vector<1x128x32xf32> to vector<128x32xf32>
    %swap3A_761 = vector.shape_cast %slice3A_755 : vector<128x32xf32> to vector<1x128x32xf32>
    tpu.vector_store %arg12[%swap3A_756, %swap3A_757, %swap3A_758], %swap3A_761 {strides = array<i32>} : memref<3x1024x128xf32, #tpu.memory_space<vmem>>, vector<1x128x32xf32>,
    %slice3A_762 = vector.extract_strided_slice %add3A_670 {offsets = [1664, 0], sizes = [128, 32], strides = [1, 1]} : vector<4096x32xf32> to vector<128x32xf32>
    %swap3A_763 = arith.constant 2 : index
    %swap3A_764 = arith.constant 384 : index
    %swap3A_765 = arith.constant 32 : index
    %swap3A_766 = vector.load %arg12[%swap3A_763, %swap3A_764, %swap3A_765] : memref<3x1024x128xf32, #tpu.memory_space<vmem>>, vector<1x128x32xf32>
    %swap3A_767 = vector.shape_cast %swap3A_766 : vector<1x128x32xf32> to vector<128x32xf32>
    %swap3A_768 = vector.shape_cast %slice3A_762 : vector<128x32xf32> to vector<1x128x32xf32>
    tpu.vector_store %arg12[%swap3A_763, %swap3A_764, %swap3A_765], %swap3A_768 {strides = array<i32>} : memref<3x1024x128xf32, #tpu.memory_space<vmem>>, vector<1x128x32xf32>,
    %slice3A_769 = vector.extract_strided_slice %add3A_670 {offsets = [1792, 0], sizes = [128, 32], strides = [1, 1]} : vector<4096x32xf32> to vector<128x32xf32>
    %swap3A_770 = arith.constant 2 : index
    %swap3A_771 = arith.constant 384 : index
    %swap3A_772 = arith.constant 64 : index
    %swap3A_773 = vector.load %arg12[%swap3A_770, %swap3A_771, %swap3A_772] : memref<3x1024x128xf32, #tpu.memory_space<vmem>>, vector<1x128x32xf32>
    %swap3A_774 = vector.shape_cast %swap3A_773 : vector<1x128x32xf32> to vector<128x32xf32>
    %swap3A_775 = vector.shape_cast %slice3A_769 : vector<128x32xf32> to vector<1x128x32xf32>
    tpu.vector_store %arg12[%swap3A_770, %swap3A_771, %swap3A_772], %swap3A_775 {strides = array<i32>} : memref<3x1024x128xf32, #tpu.memory_space<vmem>>, vector<1x128x32xf32>,
    %slice3A_776 = vector.extract_strided_slice %add3A_670 {offsets = [1920, 0], sizes = [128, 32], strides = [1, 1]} : vector<4096x32xf32> to vector<128x32xf32>
    %swap3A_777 = arith.constant 2 : index
    %swap3A_778 = arith.constant 384 : index
    %swap3A_779 = arith.constant 96 : index
    %swap3A_780 = vector.load %arg12[%swap3A_777, %swap3A_778, %swap3A_779] : memref<3x1024x128xf32, #tpu.memory_space<vmem>>, vector<1x128x32xf32>
    %swap3A_781 = vector.shape_cast %swap3A_780 : vector<1x128x32xf32> to vector<128x32xf32>
    %swap3A_782 = vector.shape_cast %slice3A_776 : vector<128x32xf32> to vector<1x128x32xf32>
    tpu.vector_store %arg12[%swap3A_777, %swap3A_778, %swap3A_779], %swap3A_782 {strides = array<i32>} : memref<3x1024x128xf32, #tpu.memory_space<vmem>>, vector<1x128x32xf32>,
    %slice3A_783 = vector.extract_strided_slice %add3A_670 {offsets = [2048, 0], sizes = [128, 32], strides = [1, 1]} : vector<4096x32xf32> to vector<128x32xf32>
    %swap3A_784 = arith.constant 2 : index
    %swap3A_785 = arith.constant 512 : index
    %swap3A_786 = arith.constant 0 : index
    %swap3A_787 = vector.load %arg12[%swap3A_784, %swap3A_785, %swap3A_786] : memref<3x1024x128xf32, #tpu.memory_space<vmem>>, vector<1x128x32xf32>
    %swap3A_788 = vector.shape_cast %swap3A_787 : vector<1x128x32xf32> to vector<128x32xf32>
    %swap3A_789 = vector.shape_cast %slice3A_783 : vector<128x32xf32> to vector<1x128x32xf32>
    tpu.vector_store %arg12[%swap3A_784, %swap3A_785, %swap3A_786], %swap3A_789 {strides = array<i32>} : memref<3x1024x128xf32, #tpu.memory_space<vmem>>, vector<1x128x32xf32>,
    %slice3A_790 = vector.extract_strided_slice %add3A_670 {offsets = [2176, 0], sizes = [128, 32], strides = [1, 1]} : vector<4096x32xf32> to vector<128x32xf32>
    %swap3A_791 = arith.constant 2 : index
    %swap3A_792 = arith.constant 512 : index
    %swap3A_793 = arith.constant 32 : index
    %swap3A_794 = vector.load %arg12[%swap3A_791, %swap3A_792, %swap3A_793] : memref<3x1024x128xf32, #tpu.memory_space<vmem>>, vector<1x128x32xf32>
    %swap3A_795 = vector.shape_cast %swap3A_794 : vector<1x128x32xf32> to vector<128x32xf32>
    %swap3A_796 = vector.shape_cast %slice3A_790 : vector<128x32xf32> to vector<1x128x32xf32>
    tpu.vector_store %arg12[%swap3A_791, %swap3A_792, %swap3A_793], %swap3A_796 {strides = array<i32>} : memref<3x1024x128xf32, #tpu.memory_space<vmem>>, vector<1x128x32xf32>,
    %slice3A_797 = vector.extract_strided_slice %add3A_670 {offsets = [2304, 0], sizes = [128, 32], strides = [1, 1]} : vector<4096x32xf32> to vector<128x32xf32>
    %swap3A_798 = arith.constant 2 : index
    %swap3A_799 = arith.constant 512 : index
    %swap3A_800 = arith.constant 64 : index
    %swap3A_801 = vector.load %arg12[%swap3A_798, %swap3A_799, %swap3A_800] : memref<3x1024x128xf32, #tpu.memory_space<vmem>>, vector<1x128x32xf32>
    %swap3A_802 = vector.shape_cast %swap3A_801 : vector<1x128x32xf32> to vector<128x32xf32>
    %swap3A_803 = vector.shape_cast %slice3A_797 : vector<128x32xf32> to vector<1x128x32xf32>
    tpu.vector_store %arg12[%swap3A_798, %swap3A_799, %swap3A_800], %swap3A_803 {strides = array<i32>} : memref<3x1024x128xf32, #tpu.memory_space<vmem>>, vector<1x128x32xf32>,
    %slice3A_804 = vector.extract_strided_slice %add3A_670 {offsets = [2432, 0], sizes = [128, 32], strides = [1, 1]} : vector<4096x32xf32> to vector<128x32xf32>
    %swap3A_805 = arith.constant 2 : index
    %swap3A_806 = arith.constant 512 : index
    %swap3A_807 = arith.constant 96 : index
    %swap3A_808 = vector.load %arg12[%swap3A_805, %swap3A_806, %swap3A_807] : memref<3x1024x128xf32, #tpu.memory_space<vmem>>, vector<1x128x32xf32>
    %swap3A_809 = vector.shape_cast %swap3A_808 : vector<1x128x32xf32> to vector<128x32xf32>
    %swap3A_810 = vector.shape_cast %slice3A_804 : vector<128x32xf32> to vector<1x128x32xf32>
    tpu.vector_store %arg12[%swap3A_805, %swap3A_806, %swap3A_807], %swap3A_810 {strides = array<i32>} : memref<3x1024x128xf32, #tpu.memory_space<vmem>>, vector<1x128x32xf32>,
    %slice3A_811 = vector.extract_strided_slice %add3A_670 {offsets = [2560, 0], sizes = [128, 32], strides = [1, 1]} : vector<4096x32xf32> to vector<128x32xf32>
    %swap3A_812 = arith.constant 2 : index
    %swap3A_813 = arith.constant 640 : index
    %swap3A_814 = arith.constant 0 : index
    %swap3A_815 = vector.load %arg12[%swap3A_812, %swap3A_813, %swap3A_814] : memref<3x1024x128xf32, #tpu.memory_space<vmem>>, vector<1x128x32xf32>
    %swap3A_816 = vector.shape_cast %swap3A_815 : vector<1x128x32xf32> to vector<128x32xf32>
    %swap3A_817 = vector.shape_cast %slice3A_811 : vector<128x32xf32> to vector<1x128x32xf32>
    tpu.vector_store %arg12[%swap3A_812, %swap3A_813, %swap3A_814], %swap3A_817 {strides = array<i32>} : memref<3x1024x128xf32, #tpu.memory_space<vmem>>, vector<1x128x32xf32>,
    %slice3A_818 = vector.extract_strided_slice %add3A_670 {offsets = [2688, 0], sizes = [128, 32], strides = [1, 1]} : vector<4096x32xf32> to vector<128x32xf32>
    %swap3A_819 = arith.constant 2 : index
    %swap3A_820 = arith.constant 640 : index
    %swap3A_821 = arith.constant 32 : index
    %swap3A_822 = vector.load %arg12[%swap3A_819, %swap3A_820, %swap3A_821] : memref<3x1024x128xf32, #tpu.memory_space<vmem>>, vector<1x128x32xf32>
    %swap3A_823 = vector.shape_cast %swap3A_822 : vector<1x128x32xf32> to vector<128x32xf32>
    %swap3A_824 = vector.shape_cast %slice3A_818 : vector<128x32xf32> to vector<1x128x32xf32>
    tpu.vector_store %arg12[%swap3A_819, %swap3A_820, %swap3A_821], %swap3A_824 {strides = array<i32>} : memref<3x1024x128xf32, #tpu.memory_space<vmem>>, vector<1x128x32xf32>,
    %slice3A_825 = vector.extract_strided_slice %add3A_670 {offsets = [2816, 0], sizes = [128, 32], strides = [1, 1]} : vector<4096x32xf32> to vector<128x32xf32>
    %swap3A_826 = arith.constant 2 : index
    %swap3A_827 = arith.constant 640 : index
    %swap3A_828 = arith.constant 64 : index
    %swap3A_829 = vector.load %arg12[%swap3A_826, %swap3A_827, %swap3A_828] : memref<3x1024x128xf32, #tpu.memory_space<vmem>>, vector<1x128x32xf32>
    %swap3A_830 = vector.shape_cast %swap3A_829 : vector<1x128x32xf32> to vector<128x32xf32>
    %swap3A_831 = vector.shape_cast %slice3A_825 : vector<128x32xf32> to vector<1x128x32xf32>
    tpu.vector_store %arg12[%swap3A_826, %swap3A_827, %swap3A_828], %swap3A_831 {strides = array<i32>} : memref<3x1024x128xf32, #tpu.memory_space<vmem>>, vector<1x128x32xf32>,
    %slice3A_832 = vector.extract_strided_slice %add3A_670 {offsets = [2944, 0], sizes = [128, 32], strides = [1, 1]} : vector<4096x32xf32> to vector<128x32xf32>
    %swap3A_833 = arith.constant 2 : index
    %swap3A_834 = arith.constant 640 : index
    %swap3A_835 = arith.constant 96 : index
    %swap3A_836 = vector.load %arg12[%swap3A_833, %swap3A_834, %swap3A_835] : memref<3x1024x128xf32, #tpu.memory_space<vmem>>, vector<1x128x32xf32>
    %swap3A_837 = vector.shape_cast %swap3A_836 : vector<1x128x32xf32> to vector<128x32xf32>
    %swap3A_838 = vector.shape_cast %slice3A_832 : vector<128x32xf32> to vector<1x128x32xf32>
    tpu.vector_store %arg12[%swap3A_833, %swap3A_834, %swap3A_835], %swap3A_838 {strides = array<i32>} : memref<3x1024x128xf32, #tpu.memory_space<vmem>>, vector<1x128x32xf32>,
    %slice3A_839 = vector.extract_strided_slice %add3A_670 {offsets = [3072, 0], sizes = [128, 32], strides = [1, 1]} : vector<4096x32xf32> to vector<128x32xf32>
    %swap3A_840 = arith.constant 2 : index
    %swap3A_841 = arith.constant 768 : index
    %swap3A_842 = arith.constant 0 : index
    %swap3A_843 = vector.load %arg12[%swap3A_840, %swap3A_841, %swap3A_842] : memref<3x1024x128xf32, #tpu.memory_space<vmem>>, vector<1x128x32xf32>
    %swap3A_844 = vector.shape_cast %swap3A_843 : vector<1x128x32xf32> to vector<128x32xf32>
    %swap3A_845 = vector.shape_cast %slice3A_839 : vector<128x32xf32> to vector<1x128x32xf32>
    tpu.vector_store %arg12[%swap3A_840, %swap3A_841, %swap3A_842], %swap3A_845 {strides = array<i32>} : memref<3x1024x128xf32, #tpu.memory_space<vmem>>, vector<1x128x32xf32>,
    %slice3A_846 = vector.extract_strided_slice %add3A_670 {offsets = [3200, 0], sizes = [128, 32], strides = [1, 1]} : vector<4096x32xf32> to vector<128x32xf32>
    %swap3A_847 = arith.constant 2 : index
    %swap3A_848 = arith.constant 768 : index
    %swap3A_849 = arith.constant 32 : index
    %swap3A_850 = vector.load %arg12[%swap3A_847, %swap3A_848, %swap3A_849] : memref<3x1024x128xf32, #tpu.memory_space<vmem>>, vector<1x128x32xf32>
    %swap3A_851 = vector.shape_cast %swap3A_850 : vector<1x128x32xf32> to vector<128x32xf32>
    %swap3A_852 = vector.shape_cast %slice3A_846 : vector<128x32xf32> to vector<1x128x32xf32>
    tpu.vector_store %arg12[%swap3A_847, %swap3A_848, %swap3A_849], %swap3A_852 {strides = array<i32>} : memref<3x1024x128xf32, #tpu.memory_space<vmem>>, vector<1x128x32xf32>,
    %slice3A_853 = vector.extract_strided_slice %add3A_670 {offsets = [3328, 0], sizes = [128, 32], strides = [1, 1]} : vector<4096x32xf32> to vector<128x32xf32>
    %swap3A_854 = arith.constant 2 : index
    %swap3A_855 = arith.constant 768 : index
    %swap3A_856 = arith.constant 64 : index
    %swap3A_857 = vector.load %arg12[%swap3A_854, %swap3A_855, %swap3A_856] : memref<3x1024x128xf32, #tpu.memory_space<vmem>>, vector<1x128x32xf32>
    %swap3A_858 = vector.shape_cast %swap3A_857 : vector<1x128x32xf32> to vector<128x32xf32>
    %swap3A_859 = vector.shape_cast %slice3A_853 : vector<128x32xf32> to vector<1x128x32xf32>
    tpu.vector_store %arg12[%swap3A_854, %swap3A_855, %swap3A_856], %swap3A_859 {strides = array<i32>} : memref<3x1024x128xf32, #tpu.memory_space<vmem>>, vector<1x128x32xf32>,
    %slice3A_860 = vector.extract_strided_slice %add3A_670 {offsets = [3456, 0], sizes = [128, 32], strides = [1, 1]} : vector<4096x32xf32> to vector<128x32xf32>
    %swap3A_861 = arith.constant 2 : index
    %swap3A_862 = arith.constant 768 : index
    %swap3A_863 = arith.constant 96 : index
    %swap3A_864 = vector.load %arg12[%swap3A_861, %swap3A_862, %swap3A_863] : memref<3x1024x128xf32, #tpu.memory_space<vmem>>, vector<1x128x32xf32>
    %swap3A_865 = vector.shape_cast %swap3A_864 : vector<1x128x32xf32> to vector<128x32xf32>
    %swap3A_866 = vector.shape_cast %slice3A_860 : vector<128x32xf32> to vector<1x128x32xf32>
    tpu.vector_store %arg12[%swap3A_861, %swap3A_862, %swap3A_863], %swap3A_866 {strides = array<i32>} : memref<3x1024x128xf32, #tpu.memory_space<vmem>>, vector<1x128x32xf32>,
    %slice3A_867 = vector.extract_strided_slice %add3A_670 {offsets = [3584, 0], sizes = [128, 32], strides = [1, 1]} : vector<4096x32xf32> to vector<128x32xf32>
    %swap3A_868 = arith.constant 2 : index
    %swap3A_869 = arith.constant 896 : index
    %swap3A_870 = arith.constant 0 : index
    %swap3A_871 = vector.load %arg12[%swap3A_868, %swap3A_869, %swap3A_870] : memref<3x1024x128xf32, #tpu.memory_space<vmem>>, vector<1x128x32xf32>
    %swap3A_872 = vector.shape_cast %swap3A_871 : vector<1x128x32xf32> to vector<128x32xf32>
    %swap3A_873 = vector.shape_cast %slice3A_867 : vector<128x32xf32> to vector<1x128x32xf32>
    tpu.vector_store %arg12[%swap3A_868, %swap3A_869, %swap3A_870], %swap3A_873 {strides = array<i32>} : memref<3x1024x128xf32, #tpu.memory_space<vmem>>, vector<1x128x32xf32>,
    %slice3A_874 = vector.extract_strided_slice %add3A_670 {offsets = [3712, 0], sizes = [128, 32], strides = [1, 1]} : vector<4096x32xf32> to vector<128x32xf32>
    %swap3A_875 = arith.constant 2 : index
    %swap3A_876 = arith.constant 896 : index
    %swap3A_877 = arith.constant 32 : index
    %swap3A_878 = vector.load %arg12[%swap3A_875, %swap3A_876, %swap3A_877] : memref<3x1024x128xf32, #tpu.memory_space<vmem>>, vector<1x128x32xf32>
    %swap3A_879 = vector.shape_cast %swap3A_878 : vector<1x128x32xf32> to vector<128x32xf32>
    %swap3A_880 = vector.shape_cast %slice3A_874 : vector<128x32xf32> to vector<1x128x32xf32>
    tpu.vector_store %arg12[%swap3A_875, %swap3A_876, %swap3A_877], %swap3A_880 {strides = array<i32>} : memref<3x1024x128xf32, #tpu.memory_space<vmem>>, vector<1x128x32xf32>,
    %slice3A_881 = vector.extract_strided_slice %add3A_670 {offsets = [3840, 0], sizes = [128, 32], strides = [1, 1]} : vector<4096x32xf32> to vector<128x32xf32>
    %swap3A_882 = arith.constant 2 : index
    %swap3A_883 = arith.constant 896 : index
    %swap3A_884 = arith.constant 64 : index
    %swap3A_885 = vector.load %arg12[%swap3A_882, %swap3A_883, %swap3A_884] : memref<3x1024x128xf32, #tpu.memory_space<vmem>>, vector<1x128x32xf32>
    %swap3A_886 = vector.shape_cast %swap3A_885 : vector<1x128x32xf32> to vector<128x32xf32>
    %swap3A_887 = vector.shape_cast %slice3A_881 : vector<128x32xf32> to vector<1x128x32xf32>
    tpu.vector_store %arg12[%swap3A_882, %swap3A_883, %swap3A_884], %swap3A_887 {strides = array<i32>} : memref<3x1024x128xf32, #tpu.memory_space<vmem>>, vector<1x128x32xf32>,
    %slice3A_888 = vector.extract_strided_slice %add3A_670 {offsets = [3968, 0], sizes = [128, 32], strides = [1, 1]} : vector<4096x32xf32> to vector<128x32xf32>
    %swap3A_889 = arith.constant 2 : index
    %swap3A_890 = arith.constant 896 : index
    %swap3A_891 = arith.constant 96 : index
    %swap3A_892 = vector.load %arg12[%swap3A_889, %swap3A_890, %swap3A_891] : memref<3x1024x128xf32, #tpu.memory_space<vmem>>, vector<1x128x32xf32>
    %swap3A_893 = vector.shape_cast %swap3A_892 : vector<1x128x32xf32> to vector<128x32xf32>
    %swap3A_894 = vector.shape_cast %slice3A_888 : vector<128x32xf32> to vector<1x128x32xf32>
    tpu.vector_store %arg12[%swap3A_889, %swap3A_890, %swap3A_891], %swap3A_894 {strides = array<i32>} : memref<3x1024x128xf32, #tpu.memory_space<vmem>>, vector<1x128x32xf32>,
    return
  }
  func.func @transform_0(%arg0: i32) -> (i32, i32) {
    %c0_i32 = arith.constant 0 : i32
    %c0_i32_0 = arith.constant 0 : i32
    return %c0_i32, %arg0 : i32, i32
  }
  func.func @transform_1(%arg0: i32) -> (i32, i32) {
    %c0_i32 = arith.constant 0 : i32
    %c0_i32_0 = arith.constant 0 : i32
    return %c0_i32, %arg0 : i32, i32
  }
  func.func @transform_2(%arg0: i32) -> (i32, i32) {
    %c0_i32 = arith.constant 0 : i32
    %c0_i32_0 = arith.constant 0 : i32
    return %c0_i32, %arg0 : i32, i32
  }
  func.func @transform_3(%arg0: i32) -> (i32, i32, i32) {
    %c0_i32 = arith.constant 0 : i32
    %c0_i32_0 = arith.constant 0 : i32
    %c0_i32_1 = arith.constant 0 : i32
    %c0_i32_2 = arith.constant 0 : i32
    return %c0_i32, %c0_i32_0, %c0_i32_1 : i32, i32, i32
  }
  func.func @transform_4(%arg0: i32) -> (i32, i32, i32) {
    %c0_i32 = arith.constant 0 : i32
    %c0_i32_0 = arith.constant 0 : i32
    %c0_i32_1 = arith.constant 0 : i32
    %c0_i32_2 = arith.constant 0 : i32
    return %c0_i32, %c0_i32_0, %c0_i32_1 : i32, i32, i32
  }
  func.func @transform_5(%arg0: i32) -> (i32, i32, i32) {
    %c0_i32 = arith.constant 0 : i32
    %c0_i32_0 = arith.constant 0 : i32
    %c0_i32_1 = arith.constant 0 : i32
    %c0_i32_2 = arith.constant 0 : i32
    return %c0_i32, %c0_i32_0, %c0_i32_1 : i32, i32, i32
  }
  func.func @transform_6(%arg0: i32) -> (i32, i32, i32) {
    %c0_i32 = arith.constant 0 : i32
    %c0_i32_0 = arith.constant 0 : i32
    %c0_i32_1 = arith.constant 0 : i32
    %c0_i32_2 = arith.constant 0 : i32
    return %c0_i32, %c0_i32_0, %c0_i32_1 : i32, i32, i32
  }
  func.func @transform_7(%arg0: i32) -> (i32, i32, i32) {
    %c0_i32 = arith.constant 0 : i32
    %c0_i32_0 = arith.constant 0 : i32
    %c0_i32_1 = arith.constant 0 : i32
    %c0_i32_2 = arith.constant 0 : i32
    return %c0_i32, %c0_i32_0, %c0_i32_1 : i32, i32, i32
  }
  func.func @transform_8(%arg0: i32) -> (i32, i32, i32) {
    %c0_i32 = arith.constant 0 : i32
    %c0_i32_0 = arith.constant 0 : i32
    %c0_i32_1 = arith.constant 0 : i32
    %c0_i32_2 = arith.constant 0 : i32
    return %c0_i32, %c0_i32_0, %c0_i32_1 : i32, i32, i32
  }
  func.func @transform_9(%arg0: i32) -> (i32, i32, i32) {
    %c0_i32 = arith.constant 0 : i32
    %c0_i32_0 = arith.constant 0 : i32
    %c0_i32_1 = arith.constant 0 : i32
    %c0_i32_2 = arith.constant 0 : i32
    return %c0_i32, %c0_i32_0, %c0_i32_1 : i32, i32, i32
  }
  func.func @transform_10(%arg0: i32) -> (i32, i32, i32) {
    %c0_i32 = arith.constant 0 : i32
    %c0_i32_0 = arith.constant 0 : i32
    %c0_i32_1 = arith.constant 0 : i32
    %c0_i32_2 = arith.constant 0 : i32
    return %c0_i32, %c0_i32_0, %c0_i32_1 : i32, i32, i32
  }
  func.func @transform_11(%arg0: i32) -> (i32, i32, i32) {
    %c0_i32 = arith.constant 0 : i32
    %c0_i32_0 = arith.constant 0 : i32
    %c0_i32_1 = arith.constant 0 : i32
    return %c0_i32, %arg0, %c0_i32_0 : i32, i32, i32
  }
}

module attributes {stable_mosaic.version = 14 : i64} {
  func.func @_node_enc_kernel(%arg0: i32, %arg1: memref<16x1024xf32, #tpu.memory_space<vmem>>, %arg2: memref<16x64xf32, #tpu.memory_space<vmem>>, %arg3: memref<1x64xf32, #tpu.memory_space<vmem>>, %arg4: memref<64x64xf32, #tpu.memory_space<vmem>>, %arg5: memref<1x64xf32, #tpu.memory_space<vmem>>, %arg6: memref<64x32xf32, #tpu.memory_space<vmem>>, %arg7: memref<1x32xf32, #tpu.memory_space<vmem>>, %arg8: memref<1x32xf32, #tpu.memory_space<vmem>>, %arg9: memref<1x32xf32, #tpu.memory_space<vmem>>, %arg10: memref<1024x32xf32, #tpu.memory_space<vmem>>) attributes {dimension_semantics = [#tpu.dimension_semantics<parallel>], iteration_bounds = array<i64: 49>, scalar_prefetch = 0 : i64, scratch_operands = 0 : i64, tpu.core_type = #tpu.core_type<tc>, window_params = [{transform_indices = @transform_0, window_bounds = array<i64: 16, 1024>}, {pipeline_mode = #tpu.pipeline_mode<synchronous>, transform_indices = @transform_1, window_bounds = array<i64: 16, 64>}, {pipeline_mode = #tpu.pipeline_mode<synchronous>, transform_indices = @transform_2, window_bounds = array<i64: 1, 64>}, {pipeline_mode = #tpu.pipeline_mode<synchronous>, transform_indices = @transform_3, window_bounds = array<i64: 64, 64>}, {pipeline_mode = #tpu.pipeline_mode<synchronous>, transform_indices = @transform_4, window_bounds = array<i64: 1, 64>}, {pipeline_mode = #tpu.pipeline_mode<synchronous>, transform_indices = @transform_5, window_bounds = array<i64: 64, 32>}, {pipeline_mode = #tpu.pipeline_mode<synchronous>, transform_indices = @transform_6, window_bounds = array<i64: 1, 32>}, {pipeline_mode = #tpu.pipeline_mode<synchronous>, transform_indices = @transform_7, window_bounds = array<i64: 1, 32>}, {pipeline_mode = #tpu.pipeline_mode<synchronous>, transform_indices = @transform_8, window_bounds = array<i64: 1, 32>}, {transform_indices = @transform_9, window_bounds = array<i64: 1024, 32>}]} {
    %get3A = arith.constant 0 : index
    %get3A_0 = arith.constant 0 : index
    %get3A_1 = vector.load %arg1[%get3A, %get3A_0] : memref<16x1024xf32, #tpu.memory_space<vmem>>, vector<16x1024xf32>
    %get3A_2 = arith.constant 0 : index
    %get3A_3 = arith.constant 0 : index
    %get3A_4 = vector.load %arg2[%get3A_2, %get3A_3] : memref<16x64xf32, #tpu.memory_space<vmem>>, vector<16x64xf32>
    %get3A_5 = arith.constant 0 : index
    %get3A_6 = arith.constant 0 : index
    %get3A_7 = vector.load %arg3[%get3A_5, %get3A_6] : memref<1x64xf32, #tpu.memory_space<vmem>>, vector<1x64xf32>
    %get3A_8 = arith.constant 0 : index
    %get3A_9 = arith.constant 0 : index
    %get3A_10 = vector.load %arg4[%get3A_8, %get3A_9] : memref<64x64xf32, #tpu.memory_space<vmem>>, vector<64x64xf32>
    %get3A_11 = arith.constant 0 : index
    %get3A_12 = arith.constant 0 : index
    %get3A_13 = vector.load %arg5[%get3A_11, %get3A_12] : memref<1x64xf32, #tpu.memory_space<vmem>>, vector<1x64xf32>
    %get3A_14 = arith.constant 0 : index
    %get3A_15 = arith.constant 0 : index
    %get3A_16 = vector.load %arg6[%get3A_14, %get3A_15] : memref<64x32xf32, #tpu.memory_space<vmem>>, vector<64x32xf32>
    %get3A_17 = arith.constant 0 : index
    %get3A_18 = arith.constant 0 : index
    %get3A_19 = vector.load %arg7[%get3A_17, %get3A_18] : memref<1x32xf32, #tpu.memory_space<vmem>>, vector<1x32xf32>
    %dot_general3A = arith.constant dense<0.000000e+00> : vector<1024x64xf32>
    %dot_general3A_20 = tpu.matmul %get3A_1, %get3A_4, %dot_general3A {dimension_numbers = #tpu.dot_dimension_numbers<[0], [0], [1], [1], [0, 1, 1, 1], [], []>, transpose_lhs_hint = false} : vector<16x1024xf32>, vector<16x64xf32>, vector<1024x64xf32> -> vector<1024x64xf32>
    %add3A = vector.broadcast %get3A_7 : vector<1x64xf32> to vector<1024x64xf32>
    %add3A_21 = arith.addf %dot_general3A_20, %add3A : vector<1024x64xf32>
    %max3A = arith.constant 0.000000e+00 : f32
    %max3A_22 = vector.broadcast %max3A : f32 to vector<1024x64xf32>
    %max3A_23 = arith.maximumf %add3A_21, %max3A_22 : vector<1024x64xf32>
    %dot_general3A_24 = arith.constant dense<0.000000e+00> : vector<1024x64xf32>
    %dot_general3A_25 = tpu.matmul %max3A_23, %get3A_10, %dot_general3A_24 {dimension_numbers = #tpu.dot_dimension_numbers<[1], [0], [0], [1], [0, 0, 1, 1], [], []>, transpose_lhs_hint = false} : vector<1024x64xf32>, vector<64x64xf32>, vector<1024x64xf32> -> vector<1024x64xf32>
    %add3A_26 = vector.broadcast %get3A_13 : vector<1x64xf32> to vector<1024x64xf32>
    %add3A_27 = arith.addf %dot_general3A_25, %add3A_26 : vector<1024x64xf32>
    %max3A_28 = arith.constant 0.000000e+00 : f32
    %max3A_29 = vector.broadcast %max3A_28 : f32 to vector<1024x64xf32>
    %max3A_30 = arith.maximumf %add3A_27, %max3A_29 : vector<1024x64xf32>
    %dot_general3A_31 = arith.constant dense<0.000000e+00> : vector<1024x32xf32>
    %dot_general3A_32 = tpu.matmul %max3A_30, %get3A_16, %dot_general3A_31 {dimension_numbers = #tpu.dot_dimension_numbers<[1], [0], [0], [1], [0, 0, 1, 1], [], []>, transpose_lhs_hint = false} : vector<1024x64xf32>, vector<64x32xf32>, vector<1024x32xf32> -> vector<1024x32xf32>
    %add3A_33 = vector.broadcast %get3A_19 : vector<1x32xf32> to vector<1024x32xf32>
    %add3A_34 = arith.addf %dot_general3A_32, %add3A_33 : vector<1024x32xf32>
    %reduce_sum3A = arith.constant dense<0.000000e+00> : vector<1024xf32>
    %reduce_sum3A_35 = vector.multi_reduction <add>, %add3A_34, %reduce_sum3A [1] : vector<1024x32xf32> to vector<1024xf32>
    %broadcast_in_dim3A = vector.shape_cast %reduce_sum3A_35 : vector<1024xf32> to vector<1024x1xf32>
    %div3A = arith.constant 3.200000e+01 : f32
    %div3A_36 = vector.broadcast %div3A : f32 to vector<1024x1xf32>
    %div3A_37 = arith.divf %broadcast_in_dim3A, %div3A_36 : vector<1024x1xf32>
    %sub3A = vector.broadcast %div3A_37 : vector<1024x1xf32> to vector<1024x32xf32>
    %sub3A_38 = arith.subf %add3A_34, %sub3A : vector<1024x32xf32>
    %mul3A = arith.mulf %sub3A_38, %sub3A_38 : vector<1024x32xf32>
    %reduce_sum3A_39 = arith.constant dense<0.000000e+00> : vector<1024xf32>
    %reduce_sum3A_40 = vector.multi_reduction <add>, %mul3A, %reduce_sum3A_39 [1] : vector<1024x32xf32> to vector<1024xf32>
    %broadcast_in_dim3A_41 = vector.shape_cast %reduce_sum3A_40 : vector<1024xf32> to vector<1024x1xf32>
    %div3A_42 = arith.constant 3.200000e+01 : f32
    %div3A_43 = vector.broadcast %div3A_42 : f32 to vector<1024x1xf32>
    %div3A_44 = arith.divf %broadcast_in_dim3A_41, %div3A_43 : vector<1024x1xf32>
    %add3A_45 = arith.constant 9.99999974E-6 : f32
    %add3A_46 = vector.broadcast %add3A_45 : f32 to vector<1024x1xf32>
    %add3A_47 = arith.addf %div3A_44, %add3A_46 : vector<1024x1xf32>
    %sqrt3A = math.sqrt %add3A_47 : vector<1024x1xf32>
    %div3A_48 = vector.broadcast %sqrt3A : vector<1024x1xf32> to vector<1024x32xf32>
    %div3A_49 = arith.divf %sub3A_38, %div3A_48 : vector<1024x32xf32>
    %get3A_50 = arith.constant 0 : index
    %get3A_51 = arith.constant 0 : index
    %get3A_52 = vector.load %arg8[%get3A_50, %get3A_51] : memref<1x32xf32, #tpu.memory_space<vmem>>, vector<1x32xf32>
    %mul3A_53 = vector.broadcast %get3A_52 : vector<1x32xf32> to vector<1024x32xf32>
    %mul3A_54 = arith.mulf %div3A_49, %mul3A_53 : vector<1024x32xf32>
    %get3A_55 = arith.constant 0 : index
    %get3A_56 = arith.constant 0 : index
    %get3A_57 = vector.load %arg9[%get3A_55, %get3A_56] : memref<1x32xf32, #tpu.memory_space<vmem>>, vector<1x32xf32>
    %add3A_58 = vector.broadcast %get3A_57 : vector<1x32xf32> to vector<1024x32xf32>
    %add3A_59 = arith.addf %mul3A_54, %add3A_58 : vector<1024x32xf32>
    %swap3A = arith.constant 0 : index
    %swap3A_60 = arith.constant 0 : index
    %swap3A_61 = vector.load %arg10[%swap3A, %swap3A_60] : memref<1024x32xf32, #tpu.memory_space<vmem>>, vector<1024x32xf32>
    tpu.vector_store %arg10[%swap3A, %swap3A_60], %add3A_59 {strides = array<i32>} : memref<1024x32xf32, #tpu.memory_space<vmem>>, vector<1024x32xf32>,
    return
  }
  func.func @transform_0(%arg0: i32) -> (i32, i32) {
    %c0_i32 = arith.constant 0 : i32
    %c0_i32_0 = arith.constant 0 : i32
    return %c0_i32, %arg0 : i32, i32
  }
  func.func @transform_1(%arg0: i32) -> (i32, i32) {
    %c0_i32 = arith.constant 0 : i32
    %c0_i32_0 = arith.constant 0 : i32
    %c0_i32_1 = arith.constant 0 : i32
    return %c0_i32, %c0_i32_0 : i32, i32
  }
  func.func @transform_2(%arg0: i32) -> (i32, i32) {
    %c0_i32 = arith.constant 0 : i32
    %c0_i32_0 = arith.constant 0 : i32
    %c0_i32_1 = arith.constant 0 : i32
    return %c0_i32, %c0_i32_0 : i32, i32
  }
  func.func @transform_3(%arg0: i32) -> (i32, i32) {
    %c0_i32 = arith.constant 0 : i32
    %c0_i32_0 = arith.constant 0 : i32
    %c0_i32_1 = arith.constant 0 : i32
    return %c0_i32, %c0_i32_0 : i32, i32
  }
  func.func @transform_4(%arg0: i32) -> (i32, i32) {
    %c0_i32 = arith.constant 0 : i32
    %c0_i32_0 = arith.constant 0 : i32
    %c0_i32_1 = arith.constant 0 : i32
    return %c0_i32, %c0_i32_0 : i32, i32
  }
  func.func @transform_5(%arg0: i32) -> (i32, i32) {
    %c0_i32 = arith.constant 0 : i32
    %c0_i32_0 = arith.constant 0 : i32
    %c0_i32_1 = arith.constant 0 : i32
    return %c0_i32, %c0_i32_0 : i32, i32
  }
  func.func @transform_6(%arg0: i32) -> (i32, i32) {
    %c0_i32 = arith.constant 0 : i32
    %c0_i32_0 = arith.constant 0 : i32
    %c0_i32_1 = arith.constant 0 : i32
    return %c0_i32, %c0_i32_0 : i32, i32
  }
  func.func @transform_7(%arg0: i32) -> (i32, i32) {
    %c0_i32 = arith.constant 0 : i32
    %c0_i32_0 = arith.constant 0 : i32
    %c0_i32_1 = arith.constant 0 : i32
    return %c0_i32, %c0_i32_0 : i32, i32
  }
  func.func @transform_8(%arg0: i32) -> (i32, i32) {
    %c0_i32 = arith.constant 0 : i32
    %c0_i32_0 = arith.constant 0 : i32
    %c0_i32_1 = arith.constant 0 : i32
    return %c0_i32, %c0_i32_0 : i32, i32
  }
  func.func @transform_9(%arg0: i32) -> (i32, i32) {
    %c0_i32 = arith.constant 0 : i32
    %c0_i32_0 = arith.constant 0 : i32
    return %arg0, %c0_i32 : i32, i32
  }
}

module attributes {stable_mosaic.version = 14 : i64} {
  func.func @_node_upd_kernel(%arg0: i32, %arg1: memref<1024x32xf32, #tpu.memory_space<vmem>>, %arg2: memref<4x1024x32xf32, #tpu.memory_space<vmem>>, %arg3: memref<128x64xf32, #tpu.memory_space<vmem>>, %arg4: memref<1x64xf32, #tpu.memory_space<vmem>>, %arg5: memref<64x64xf32, #tpu.memory_space<vmem>>, %arg6: memref<1x64xf32, #tpu.memory_space<vmem>>, %arg7: memref<64x32xf32, #tpu.memory_space<vmem>>, %arg8: memref<1x32xf32, #tpu.memory_space<vmem>>, %arg9: memref<1x32xf32, #tpu.memory_space<vmem>>, %arg10: memref<1x32xf32, #tpu.memory_space<vmem>>, %arg11: memref<32x64xf32, #tpu.memory_space<vmem>>, %arg12: memref<1x64xf32, #tpu.memory_space<vmem>>, %arg13: memref<64x64xf32, #tpu.memory_space<vmem>>, %arg14: memref<1x64xf32, #tpu.memory_space<vmem>>, %arg15: memref<64x3xf32, #tpu.memory_space<vmem>>, %arg16: memref<1x3xf32, #tpu.memory_space<vmem>>, %arg17: memref<1024x3xf32, #tpu.memory_space<vmem>>) attributes {dimension_semantics = [#tpu.dimension_semantics<parallel>], iteration_bounds = array<i64: 49>, scalar_prefetch = 0 : i64, scratch_operands = 0 : i64, tpu.core_type = #tpu.core_type<tc>, window_params = [{transform_indices = @transform_0, window_bounds = array<i64: 1024, 32>}, {transform_indices = @transform_1, window_bounds = array<i64: 4, 1024, 32>}, {pipeline_mode = #tpu.pipeline_mode<synchronous>, transform_indices = @transform_2, window_bounds = array<i64: 128, 64>}, {pipeline_mode = #tpu.pipeline_mode<synchronous>, transform_indices = @transform_3, window_bounds = array<i64: 1, 64>}, {pipeline_mode = #tpu.pipeline_mode<synchronous>, transform_indices = @transform_4, window_bounds = array<i64: 64, 64>}, {pipeline_mode = #tpu.pipeline_mode<synchronous>, transform_indices = @transform_5, window_bounds = array<i64: 1, 64>}, {pipeline_mode = #tpu.pipeline_mode<synchronous>, transform_indices = @transform_6, window_bounds = array<i64: 64, 32>}, {pipeline_mode = #tpu.pipeline_mode<synchronous>, transform_indices = @transform_7, window_bounds = array<i64: 1, 32>}, {pipeline_mode = #tpu.pipeline_mode<synchronous>, transform_indices = @transform_8, window_bounds = array<i64: 1, 32>}, {pipeline_mode = #tpu.pipeline_mode<synchronous>, transform_indices = @transform_9, window_bounds = array<i64: 1, 32>}, {pipeline_mode = #tpu.pipeline_mode<synchronous>, transform_indices = @transform_10, window_bounds = array<i64: 32, 64>}, {pipeline_mode = #tpu.pipeline_mode<synchronous>, transform_indices = @transform_11, window_bounds = array<i64: 1, 64>}, {pipeline_mode = #tpu.pipeline_mode<synchronous>, transform_indices = @transform_12, window_bounds = array<i64: 64, 64>}, {pipeline_mode = #tpu.pipeline_mode<synchronous>, transform_indices = @transform_13, window_bounds = array<i64: 1, 64>}, {pipeline_mode = #tpu.pipeline_mode<synchronous>, transform_indices = @transform_14, window_bounds = array<i64: 64, 3>}, {pipeline_mode = #tpu.pipeline_mode<synchronous>, transform_indices = @transform_15, window_bounds = array<i64: 1, 3>}, {transform_indices = @transform_16, window_bounds = array<i64: 1024, 3>}]} {
    %get3A = arith.constant 0 : index
    %get3A_0 = arith.constant 0 : index
    %get3A_1 = vector.load %arg1[%get3A, %get3A_0] : memref<1024x32xf32, #tpu.memory_space<vmem>>, vector<1024x32xf32>
    %get3A_2 = arith.constant 0 : index
    %get3A_3 = arith.constant 0 : index
    %get3A_4 = arith.constant 0 : index
    %get3A_5 = vector.load %arg2[%get3A_2, %get3A_3, %get3A_4] : memref<4x1024x32xf32, #tpu.memory_space<vmem>>, vector<4x1024x32xf32>
    %slice3A = vector.extract_strided_slice %get3A_5 {offsets = [0, 0, 0], sizes = [1, 1024, 32], strides = [1, 1, 1]} : vector<4x1024x32xf32> to vector<1x1024x32xf32>
    %squeeze3A = vector.shape_cast %slice3A : vector<1x1024x32xf32> to vector<1024x32xf32>
    %slice3A_6 = vector.extract_strided_slice %get3A_5 {offsets = [1, 0, 0], sizes = [1, 1024, 32], strides = [1, 1, 1]} : vector<4x1024x32xf32> to vector<1x1024x32xf32>
    %squeeze3A_7 = vector.shape_cast %slice3A_6 : vector<1x1024x32xf32> to vector<1024x32xf32>
    %slice3A_8 = vector.extract_strided_slice %get3A_5 {offsets = [2, 0, 0], sizes = [1, 1024, 32], strides = [1, 1, 1]} : vector<4x1024x32xf32> to vector<1x1024x32xf32>
    %squeeze3A_9 = vector.shape_cast %slice3A_8 : vector<1x1024x32xf32> to vector<1024x32xf32>
    %slice3A_10 = vector.extract_strided_slice %get3A_5 {offsets = [3, 0, 0], sizes = [1, 1024, 32], strides = [1, 1, 1]} : vector<4x1024x32xf32> to vector<1x1024x32xf32>
    %squeeze3A_11 = vector.shape_cast %slice3A_10 : vector<1x1024x32xf32> to vector<1024x32xf32>
    %add3A = arith.addf %squeeze3A_9, %squeeze3A_11 : vector<1024x32xf32>
    %concatenate3A = tpu.concatenate %squeeze3A, %squeeze3A_7, %add3A in 1 : vector<1024x32xf32>, vector<1024x32xf32>, vector<1024x32xf32> -> vector<1024x96xf32>
    %concatenate3A_12 = tpu.concatenate %get3A_1, %concatenate3A in 1 : vector<1024x32xf32>, vector<1024x96xf32> -> vector<1024x128xf32>
    %get3A_13 = arith.constant 0 : index
    %get3A_14 = arith.constant 0 : index
    %get3A_15 = vector.load %arg3[%get3A_13, %get3A_14] : memref<128x64xf32, #tpu.memory_space<vmem>>, vector<128x64xf32>
    %get3A_16 = arith.constant 0 : index
    %get3A_17 = arith.constant 0 : index
    %get3A_18 = vector.load %arg4[%get3A_16, %get3A_17] : memref<1x64xf32, #tpu.memory_space<vmem>>, vector<1x64xf32>
    %get3A_19 = arith.constant 0 : index
    %get3A_20 = arith.constant 0 : index
    %get3A_21 = vector.load %arg5[%get3A_19, %get3A_20] : memref<64x64xf32, #tpu.memory_space<vmem>>, vector<64x64xf32>
    %get3A_22 = arith.constant 0 : index
    %get3A_23 = arith.constant 0 : index
    %get3A_24 = vector.load %arg6[%get3A_22, %get3A_23] : memref<1x64xf32, #tpu.memory_space<vmem>>, vector<1x64xf32>
    %get3A_25 = arith.constant 0 : index
    %get3A_26 = arith.constant 0 : index
    %get3A_27 = vector.load %arg7[%get3A_25, %get3A_26] : memref<64x32xf32, #tpu.memory_space<vmem>>, vector<64x32xf32>
    %get3A_28 = arith.constant 0 : index
    %get3A_29 = arith.constant 0 : index
    %get3A_30 = vector.load %arg8[%get3A_28, %get3A_29] : memref<1x32xf32, #tpu.memory_space<vmem>>, vector<1x32xf32>
    %get3A_31 = arith.constant 0 : index
    %get3A_32 = arith.constant 0 : index
    %get3A_33 = vector.load %arg9[%get3A_31, %get3A_32] : memref<1x32xf32, #tpu.memory_space<vmem>>, vector<1x32xf32>
    %get3A_34 = arith.constant 0 : index
    %get3A_35 = arith.constant 0 : index
    %get3A_36 = vector.load %arg10[%get3A_34, %get3A_35] : memref<1x32xf32, #tpu.memory_space<vmem>>, vector<1x32xf32>
    %dot_general3A = arith.constant dense<0.000000e+00> : vector<1024x64xf32>
    %dot_general3A_37 = tpu.matmul %concatenate3A_12, %get3A_15, %dot_general3A {dimension_numbers = #tpu.dot_dimension_numbers<[1], [0], [0], [1], [0, 0, 1, 1], [], []>, transpose_lhs_hint = false} : vector<1024x128xf32>, vector<128x64xf32>, vector<1024x64xf32> -> vector<1024x64xf32>
    %add3A_38 = vector.broadcast %get3A_18 : vector<1x64xf32> to vector<1024x64xf32>
    %add3A_39 = arith.addf %dot_general3A_37, %add3A_38 : vector<1024x64xf32>
    %max3A = arith.constant 0.000000e+00 : f32
    %max3A_40 = vector.broadcast %max3A : f32 to vector<1024x64xf32>
    %max3A_41 = arith.maximumf %add3A_39, %max3A_40 : vector<1024x64xf32>
    %dot_general3A_42 = arith.constant dense<0.000000e+00> : vector<1024x64xf32>
    %dot_general3A_43 = tpu.matmul %max3A_41, %get3A_21, %dot_general3A_42 {dimension_numbers = #tpu.dot_dimension_numbers<[1], [0], [0], [1], [0, 0, 1, 1], [], []>, transpose_lhs_hint = false} : vector<1024x64xf32>, vector<64x64xf32>, vector<1024x64xf32> -> vector<1024x64xf32>
    %add3A_44 = vector.broadcast %get3A_24 : vector<1x64xf32> to vector<1024x64xf32>
    %add3A_45 = arith.addf %dot_general3A_43, %add3A_44 : vector<1024x64xf32>
    %max3A_46 = arith.constant 0.000000e+00 : f32
    %max3A_47 = vector.broadcast %max3A_46 : f32 to vector<1024x64xf32>
    %max3A_48 = arith.maximumf %add3A_45, %max3A_47 : vector<1024x64xf32>
    %dot_general3A_49 = arith.constant dense<0.000000e+00> : vector<1024x32xf32>
    %dot_general3A_50 = tpu.matmul %max3A_48, %get3A_27, %dot_general3A_49 {dimension_numbers = #tpu.dot_dimension_numbers<[1], [0], [0], [1], [0, 0, 1, 1], [], []>, transpose_lhs_hint = false} : vector<1024x64xf32>, vector<64x32xf32>, vector<1024x32xf32> -> vector<1024x32xf32>
    %add3A_51 = vector.broadcast %get3A_30 : vector<1x32xf32> to vector<1024x32xf32>
    %add3A_52 = arith.addf %dot_general3A_50, %add3A_51 : vector<1024x32xf32>
    %reduce_sum3A = arith.constant dense<0.000000e+00> : vector<1024xf32>
    %reduce_sum3A_53 = vector.multi_reduction <add>, %add3A_52, %reduce_sum3A [1] : vector<1024x32xf32> to vector<1024xf32>
    %broadcast_in_dim3A = vector.shape_cast %reduce_sum3A_53 : vector<1024xf32> to vector<1024x1xf32>
    %div3A = arith.constant 3.200000e+01 : f32
    %div3A_54 = vector.broadcast %div3A : f32 to vector<1024x1xf32>
    %div3A_55 = arith.divf %broadcast_in_dim3A, %div3A_54 : vector<1024x1xf32>
    %sub3A = vector.broadcast %div3A_55 : vector<1024x1xf32> to vector<1024x32xf32>
    %sub3A_56 = arith.subf %add3A_52, %sub3A : vector<1024x32xf32>
    %mul3A = arith.mulf %sub3A_56, %sub3A_56 : vector<1024x32xf32>
    %reduce_sum3A_57 = arith.constant dense<0.000000e+00> : vector<1024xf32>
    %reduce_sum3A_58 = vector.multi_reduction <add>, %mul3A, %reduce_sum3A_57 [1] : vector<1024x32xf32> to vector<1024xf32>
    %broadcast_in_dim3A_59 = vector.shape_cast %reduce_sum3A_58 : vector<1024xf32> to vector<1024x1xf32>
    %div3A_60 = arith.constant 3.200000e+01 : f32
    %div3A_61 = vector.broadcast %div3A_60 : f32 to vector<1024x1xf32>
    %div3A_62 = arith.divf %broadcast_in_dim3A_59, %div3A_61 : vector<1024x1xf32>
    %add3A_63 = arith.constant 9.99999974E-6 : f32
    %add3A_64 = vector.broadcast %add3A_63 : f32 to vector<1024x1xf32>
    %add3A_65 = arith.addf %div3A_62, %add3A_64 : vector<1024x1xf32>
    %sqrt3A = math.sqrt %add3A_65 : vector<1024x1xf32>
    %div3A_66 = vector.broadcast %sqrt3A : vector<1024x1xf32> to vector<1024x32xf32>
    %div3A_67 = arith.divf %sub3A_56, %div3A_66 : vector<1024x32xf32>
    %mul3A_68 = vector.broadcast %get3A_33 : vector<1x32xf32> to vector<1024x32xf32>
    %mul3A_69 = arith.mulf %div3A_67, %mul3A_68 : vector<1024x32xf32>
    %add3A_70 = vector.broadcast %get3A_36 : vector<1x32xf32> to vector<1024x32xf32>
    %add3A_71 = arith.addf %mul3A_69, %add3A_70 : vector<1024x32xf32>
    %concatenate3A_72 = tpu.concatenate %add3A_71, %concatenate3A in 1 : vector<1024x32xf32>, vector<1024x96xf32> -> vector<1024x128xf32>
    %get3A_73 = arith.constant 0 : index
    %get3A_74 = arith.constant 0 : index
    %get3A_75 = vector.load %arg3[%get3A_73, %get3A_74] : memref<128x64xf32, #tpu.memory_space<vmem>>, vector<128x64xf32>
    %get3A_76 = arith.constant 0 : index
    %get3A_77 = arith.constant 0 : index
    %get3A_78 = vector.load %arg4[%get3A_76, %get3A_77] : memref<1x64xf32, #tpu.memory_space<vmem>>, vector<1x64xf32>
    %get3A_79 = arith.constant 0 : index
    %get3A_80 = arith.constant 0 : index
    %get3A_81 = vector.load %arg5[%get3A_79, %get3A_80] : memref<64x64xf32, #tpu.memory_space<vmem>>, vector<64x64xf32>
    %get3A_82 = arith.constant 0 : index
    %get3A_83 = arith.constant 0 : index
    %get3A_84 = vector.load %arg6[%get3A_82, %get3A_83] : memref<1x64xf32, #tpu.memory_space<vmem>>, vector<1x64xf32>
    %get3A_85 = arith.constant 0 : index
    %get3A_86 = arith.constant 0 : index
    %get3A_87 = vector.load %arg7[%get3A_85, %get3A_86] : memref<64x32xf32, #tpu.memory_space<vmem>>, vector<64x32xf32>
    %get3A_88 = arith.constant 0 : index
    %get3A_89 = arith.constant 0 : index
    %get3A_90 = vector.load %arg8[%get3A_88, %get3A_89] : memref<1x32xf32, #tpu.memory_space<vmem>>, vector<1x32xf32>
    %get3A_91 = arith.constant 0 : index
    %get3A_92 = arith.constant 0 : index
    %get3A_93 = vector.load %arg9[%get3A_91, %get3A_92] : memref<1x32xf32, #tpu.memory_space<vmem>>, vector<1x32xf32>
    %get3A_94 = arith.constant 0 : index
    %get3A_95 = arith.constant 0 : index
    %get3A_96 = vector.load %arg10[%get3A_94, %get3A_95] : memref<1x32xf32, #tpu.memory_space<vmem>>, vector<1x32xf32>
    %dot_general3A_97 = arith.constant dense<0.000000e+00> : vector<1024x64xf32>
    %dot_general3A_98 = tpu.matmul %concatenate3A_72, %get3A_75, %dot_general3A_97 {dimension_numbers = #tpu.dot_dimension_numbers<[1], [0], [0], [1], [0, 0, 1, 1], [], []>, transpose_lhs_hint = false} : vector<1024x128xf32>, vector<128x64xf32>, vector<1024x64xf32> -> vector<1024x64xf32>
    %add3A_99 = vector.broadcast %get3A_78 : vector<1x64xf32> to vector<1024x64xf32>
    %add3A_100 = arith.addf %dot_general3A_98, %add3A_99 : vector<1024x64xf32>
    %max3A_101 = arith.constant 0.000000e+00 : f32
    %max3A_102 = vector.broadcast %max3A_101 : f32 to vector<1024x64xf32>
    %max3A_103 = arith.maximumf %add3A_100, %max3A_102 : vector<1024x64xf32>
    %dot_general3A_104 = arith.constant dense<0.000000e+00> : vector<1024x64xf32>
    %dot_general3A_105 = tpu.matmul %max3A_103, %get3A_81, %dot_general3A_104 {dimension_numbers = #tpu.dot_dimension_numbers<[1], [0], [0], [1], [0, 0, 1, 1], [], []>, transpose_lhs_hint = false} : vector<1024x64xf32>, vector<64x64xf32>, vector<1024x64xf32> -> vector<1024x64xf32>
    %add3A_106 = vector.broadcast %get3A_84 : vector<1x64xf32> to vector<1024x64xf32>
    %add3A_107 = arith.addf %dot_general3A_105, %add3A_106 : vector<1024x64xf32>
    %max3A_108 = arith.constant 0.000000e+00 : f32
    %max3A_109 = vector.broadcast %max3A_108 : f32 to vector<1024x64xf32>
    %max3A_110 = arith.maximumf %add3A_107, %max3A_109 : vector<1024x64xf32>
    %dot_general3A_111 = arith.constant dense<0.000000e+00> : vector<1024x32xf32>
    %dot_general3A_112 = tpu.matmul %max3A_110, %get3A_87, %dot_general3A_111 {dimension_numbers = #tpu.dot_dimension_numbers<[1], [0], [0], [1], [0, 0, 1, 1], [], []>, transpose_lhs_hint = false} : vector<1024x64xf32>, vector<64x32xf32>, vector<1024x32xf32> -> vector<1024x32xf32>
    %add3A_113 = vector.broadcast %get3A_90 : vector<1x32xf32> to vector<1024x32xf32>
    %add3A_114 = arith.addf %dot_general3A_112, %add3A_113 : vector<1024x32xf32>
    %reduce_sum3A_115 = arith.constant dense<0.000000e+00> : vector<1024xf32>
    %reduce_sum3A_116 = vector.multi_reduction <add>, %add3A_114, %reduce_sum3A_115 [1] : vector<1024x32xf32> to vector<1024xf32>
    %broadcast_in_dim3A_117 = vector.shape_cast %reduce_sum3A_116 : vector<1024xf32> to vector<1024x1xf32>
    %div3A_118 = arith.constant 3.200000e+01 : f32
    %div3A_119 = vector.broadcast %div3A_118 : f32 to vector<1024x1xf32>
    %div3A_120 = arith.divf %broadcast_in_dim3A_117, %div3A_119 : vector<1024x1xf32>
    %sub3A_121 = vector.broadcast %div3A_120 : vector<1024x1xf32> to vector<1024x32xf32>
    %sub3A_122 = arith.subf %add3A_114, %sub3A_121 : vector<1024x32xf32>
    %mul3A_123 = arith.mulf %sub3A_122, %sub3A_122 : vector<1024x32xf32>
    %reduce_sum3A_124 = arith.constant dense<0.000000e+00> : vector<1024xf32>
    %reduce_sum3A_125 = vector.multi_reduction <add>, %mul3A_123, %reduce_sum3A_124 [1] : vector<1024x32xf32> to vector<1024xf32>
    %broadcast_in_dim3A_126 = vector.shape_cast %reduce_sum3A_125 : vector<1024xf32> to vector<1024x1xf32>
    %div3A_127 = arith.constant 3.200000e+01 : f32
    %div3A_128 = vector.broadcast %div3A_127 : f32 to vector<1024x1xf32>
    %div3A_129 = arith.divf %broadcast_in_dim3A_126, %div3A_128 : vector<1024x1xf32>
    %add3A_130 = arith.constant 9.99999974E-6 : f32
    %add3A_131 = vector.broadcast %add3A_130 : f32 to vector<1024x1xf32>
    %add3A_132 = arith.addf %div3A_129, %add3A_131 : vector<1024x1xf32>
    %sqrt3A_133 = math.sqrt %add3A_132 : vector<1024x1xf32>
    %div3A_134 = vector.broadcast %sqrt3A_133 : vector<1024x1xf32> to vector<1024x32xf32>
    %div3A_135 = arith.divf %sub3A_122, %div3A_134 : vector<1024x32xf32>
    %mul3A_136 = vector.broadcast %get3A_93 : vector<1x32xf32> to vector<1024x32xf32>
    %mul3A_137 = arith.mulf %div3A_135, %mul3A_136 : vector<1024x32xf32>
    %add3A_138 = vector.broadcast %get3A_96 : vector<1x32xf32> to vector<1024x32xf32>
    %add3A_139 = arith.addf %mul3A_137, %add3A_138 : vector<1024x32xf32>
    %concatenate3A_140 = tpu.concatenate %add3A_139, %concatenate3A in 1 : vector<1024x32xf32>, vector<1024x96xf32> -> vector<1024x128xf32>
    %get3A_141 = arith.constant 0 : index
    %get3A_142 = arith.constant 0 : index
    %get3A_143 = vector.load %arg3[%get3A_141, %get3A_142] : memref<128x64xf32, #tpu.memory_space<vmem>>, vector<128x64xf32>
    %get3A_144 = arith.constant 0 : index
    %get3A_145 = arith.constant 0 : index
    %get3A_146 = vector.load %arg4[%get3A_144, %get3A_145] : memref<1x64xf32, #tpu.memory_space<vmem>>, vector<1x64xf32>
    %get3A_147 = arith.constant 0 : index
    %get3A_148 = arith.constant 0 : index
    %get3A_149 = vector.load %arg5[%get3A_147, %get3A_148] : memref<64x64xf32, #tpu.memory_space<vmem>>, vector<64x64xf32>
    %get3A_150 = arith.constant 0 : index
    %get3A_151 = arith.constant 0 : index
    %get3A_152 = vector.load %arg6[%get3A_150, %get3A_151] : memref<1x64xf32, #tpu.memory_space<vmem>>, vector<1x64xf32>
    %get3A_153 = arith.constant 0 : index
    %get3A_154 = arith.constant 0 : index
    %get3A_155 = vector.load %arg7[%get3A_153, %get3A_154] : memref<64x32xf32, #tpu.memory_space<vmem>>, vector<64x32xf32>
    %get3A_156 = arith.constant 0 : index
    %get3A_157 = arith.constant 0 : index
    %get3A_158 = vector.load %arg8[%get3A_156, %get3A_157] : memref<1x32xf32, #tpu.memory_space<vmem>>, vector<1x32xf32>
    %get3A_159 = arith.constant 0 : index
    %get3A_160 = arith.constant 0 : index
    %get3A_161 = vector.load %arg9[%get3A_159, %get3A_160] : memref<1x32xf32, #tpu.memory_space<vmem>>, vector<1x32xf32>
    %get3A_162 = arith.constant 0 : index
    %get3A_163 = arith.constant 0 : index
    %get3A_164 = vector.load %arg10[%get3A_162, %get3A_163] : memref<1x32xf32, #tpu.memory_space<vmem>>, vector<1x32xf32>
    %dot_general3A_165 = arith.constant dense<0.000000e+00> : vector<1024x64xf32>
    %dot_general3A_166 = tpu.matmul %concatenate3A_140, %get3A_143, %dot_general3A_165 {dimension_numbers = #tpu.dot_dimension_numbers<[1], [0], [0], [1], [0, 0, 1, 1], [], []>, transpose_lhs_hint = false} : vector<1024x128xf32>, vector<128x64xf32>, vector<1024x64xf32> -> vector<1024x64xf32>
    %add3A_167 = vector.broadcast %get3A_146 : vector<1x64xf32> to vector<1024x64xf32>
    %add3A_168 = arith.addf %dot_general3A_166, %add3A_167 : vector<1024x64xf32>
    %max3A_169 = arith.constant 0.000000e+00 : f32
    %max3A_170 = vector.broadcast %max3A_169 : f32 to vector<1024x64xf32>
    %max3A_171 = arith.maximumf %add3A_168, %max3A_170 : vector<1024x64xf32>
    %dot_general3A_172 = arith.constant dense<0.000000e+00> : vector<1024x64xf32>
    %dot_general3A_173 = tpu.matmul %max3A_171, %get3A_149, %dot_general3A_172 {dimension_numbers = #tpu.dot_dimension_numbers<[1], [0], [0], [1], [0, 0, 1, 1], [], []>, transpose_lhs_hint = false} : vector<1024x64xf32>, vector<64x64xf32>, vector<1024x64xf32> -> vector<1024x64xf32>
    %add3A_174 = vector.broadcast %get3A_152 : vector<1x64xf32> to vector<1024x64xf32>
    %add3A_175 = arith.addf %dot_general3A_173, %add3A_174 : vector<1024x64xf32>
    %max3A_176 = arith.constant 0.000000e+00 : f32
    %max3A_177 = vector.broadcast %max3A_176 : f32 to vector<1024x64xf32>
    %max3A_178 = arith.maximumf %add3A_175, %max3A_177 : vector<1024x64xf32>
    %dot_general3A_179 = arith.constant dense<0.000000e+00> : vector<1024x32xf32>
    %dot_general3A_180 = tpu.matmul %max3A_178, %get3A_155, %dot_general3A_179 {dimension_numbers = #tpu.dot_dimension_numbers<[1], [0], [0], [1], [0, 0, 1, 1], [], []>, transpose_lhs_hint = false} : vector<1024x64xf32>, vector<64x32xf32>, vector<1024x32xf32> -> vector<1024x32xf32>
    %add3A_181 = vector.broadcast %get3A_158 : vector<1x32xf32> to vector<1024x32xf32>
    %add3A_182 = arith.addf %dot_general3A_180, %add3A_181 : vector<1024x32xf32>
    %reduce_sum3A_183 = arith.constant dense<0.000000e+00> : vector<1024xf32>
    %reduce_sum3A_184 = vector.multi_reduction <add>, %add3A_182, %reduce_sum3A_183 [1] : vector<1024x32xf32> to vector<1024xf32>
    %broadcast_in_dim3A_185 = vector.shape_cast %reduce_sum3A_184 : vector<1024xf32> to vector<1024x1xf32>
    %div3A_186 = arith.constant 3.200000e+01 : f32
    %div3A_187 = vector.broadcast %div3A_186 : f32 to vector<1024x1xf32>
    %div3A_188 = arith.divf %broadcast_in_dim3A_185, %div3A_187 : vector<1024x1xf32>
    %sub3A_189 = vector.broadcast %div3A_188 : vector<1024x1xf32> to vector<1024x32xf32>
    %sub3A_190 = arith.subf %add3A_182, %sub3A_189 : vector<1024x32xf32>
    %mul3A_191 = arith.mulf %sub3A_190, %sub3A_190 : vector<1024x32xf32>
    %reduce_sum3A_192 = arith.constant dense<0.000000e+00> : vector<1024xf32>
    %reduce_sum3A_193 = vector.multi_reduction <add>, %mul3A_191, %reduce_sum3A_192 [1] : vector<1024x32xf32> to vector<1024xf32>
    %broadcast_in_dim3A_194 = vector.shape_cast %reduce_sum3A_193 : vector<1024xf32> to vector<1024x1xf32>
    %div3A_195 = arith.constant 3.200000e+01 : f32
    %div3A_196 = vector.broadcast %div3A_195 : f32 to vector<1024x1xf32>
    %div3A_197 = arith.divf %broadcast_in_dim3A_194, %div3A_196 : vector<1024x1xf32>
    %add3A_198 = arith.constant 9.99999974E-6 : f32
    %add3A_199 = vector.broadcast %add3A_198 : f32 to vector<1024x1xf32>
    %add3A_200 = arith.addf %div3A_197, %add3A_199 : vector<1024x1xf32>
    %sqrt3A_201 = math.sqrt %add3A_200 : vector<1024x1xf32>
    %div3A_202 = vector.broadcast %sqrt3A_201 : vector<1024x1xf32> to vector<1024x32xf32>
    %div3A_203 = arith.divf %sub3A_190, %div3A_202 : vector<1024x32xf32>
    %mul3A_204 = vector.broadcast %get3A_161 : vector<1x32xf32> to vector<1024x32xf32>
    %mul3A_205 = arith.mulf %div3A_203, %mul3A_204 : vector<1024x32xf32>
    %add3A_206 = vector.broadcast %get3A_164 : vector<1x32xf32> to vector<1024x32xf32>
    %add3A_207 = arith.addf %mul3A_205, %add3A_206 : vector<1024x32xf32>
    %get3A_208 = arith.constant 0 : index
    %get3A_209 = arith.constant 0 : index
    %get3A_210 = vector.load %arg11[%get3A_208, %get3A_209] : memref<32x64xf32, #tpu.memory_space<vmem>>, vector<32x64xf32>
    %dot_general3A_211 = arith.constant dense<0.000000e+00> : vector<1024x64xf32>
    %dot_general3A_212 = tpu.matmul %add3A_207, %get3A_210, %dot_general3A_211 {dimension_numbers = #tpu.dot_dimension_numbers<[1], [0], [0], [1], [0, 0, 1, 1], [], []>, transpose_lhs_hint = false} : vector<1024x32xf32>, vector<32x64xf32>, vector<1024x64xf32> -> vector<1024x64xf32>
    %get3A_213 = arith.constant 0 : index
    %get3A_214 = arith.constant 0 : index
    %get3A_215 = vector.load %arg12[%get3A_213, %get3A_214] : memref<1x64xf32, #tpu.memory_space<vmem>>, vector<1x64xf32>
    %add3A_216 = vector.broadcast %get3A_215 : vector<1x64xf32> to vector<1024x64xf32>
    %add3A_217 = arith.addf %dot_general3A_212, %add3A_216 : vector<1024x64xf32>
    %max3A_218 = arith.constant 0.000000e+00 : f32
    %max3A_219 = vector.broadcast %max3A_218 : f32 to vector<1024x64xf32>
    %max3A_220 = arith.maximumf %add3A_217, %max3A_219 : vector<1024x64xf32>
    %get3A_221 = arith.constant 0 : index
    %get3A_222 = arith.constant 0 : index
    %get3A_223 = vector.load %arg13[%get3A_221, %get3A_222] : memref<64x64xf32, #tpu.memory_space<vmem>>, vector<64x64xf32>
    %dot_general3A_224 = arith.constant dense<0.000000e+00> : vector<1024x64xf32>
    %dot_general3A_225 = tpu.matmul %max3A_220, %get3A_223, %dot_general3A_224 {dimension_numbers = #tpu.dot_dimension_numbers<[1], [0], [0], [1], [0, 0, 1, 1], [], []>, transpose_lhs_hint = false} : vector<1024x64xf32>, vector<64x64xf32>, vector<1024x64xf32> -> vector<1024x64xf32>
    %get3A_226 = arith.constant 0 : index
    %get3A_227 = arith.constant 0 : index
    %get3A_228 = vector.load %arg14[%get3A_226, %get3A_227] : memref<1x64xf32, #tpu.memory_space<vmem>>, vector<1x64xf32>
    %add3A_229 = vector.broadcast %get3A_228 : vector<1x64xf32> to vector<1024x64xf32>
    %add3A_230 = arith.addf %dot_general3A_225, %add3A_229 : vector<1024x64xf32>
    %max3A_231 = arith.constant 0.000000e+00 : f32
    %max3A_232 = vector.broadcast %max3A_231 : f32 to vector<1024x64xf32>
    %max3A_233 = arith.maximumf %add3A_230, %max3A_232 : vector<1024x64xf32>
    %get3A_234 = arith.constant 0 : index
    %get3A_235 = arith.constant 0 : index
    %get3A_236 = vector.load %arg15[%get3A_234, %get3A_235] : memref<64x3xf32, #tpu.memory_space<vmem>>, vector<64x3xf32>
    %dot_general3A_237 = arith.constant dense<0.000000e+00> : vector<1024x3xf32>
    %dot_general3A_238 = tpu.matmul %max3A_233, %get3A_236, %dot_general3A_237 {dimension_numbers = #tpu.dot_dimension_numbers<[1], [0], [0], [1], [0, 0, 1, 1], [], []>, transpose_lhs_hint = false} : vector<1024x64xf32>, vector<64x3xf32>, vector<1024x3xf32> -> vector<1024x3xf32>
    %get3A_239 = arith.constant 0 : index
    %get3A_240 = arith.constant 0 : index
    %get3A_241 = vector.load %arg16[%get3A_239, %get3A_240] : memref<1x3xf32, #tpu.memory_space<vmem>>, vector<1x3xf32>
    %add3A_242 = vector.broadcast %get3A_241 : vector<1x3xf32> to vector<1024x3xf32>
    %add3A_243 = arith.addf %dot_general3A_238, %add3A_242 : vector<1024x3xf32>
    %swap3A = arith.constant 0 : index
    %swap3A_244 = arith.constant 0 : index
    %swap3A_245 = vector.load %arg17[%swap3A, %swap3A_244] : memref<1024x3xf32, #tpu.memory_space<vmem>>, vector<1024x3xf32>
    tpu.vector_store %arg17[%swap3A, %swap3A_244], %add3A_243 {strides = array<i32>} : memref<1024x3xf32, #tpu.memory_space<vmem>>, vector<1024x3xf32>,
    return
  }
  func.func @transform_0(%arg0: i32) -> (i32, i32) {
    %c0_i32 = arith.constant 0 : i32
    %c0_i32_0 = arith.constant 0 : i32
    return %arg0, %c0_i32 : i32, i32
  }
  func.func @transform_1(%arg0: i32) -> (i32, i32, i32) {
    %c0_i32 = arith.constant 0 : i32
    %c0_i32_0 = arith.constant 0 : i32
    %c0_i32_1 = arith.constant 0 : i32
    return %c0_i32, %arg0, %c0_i32_0 : i32, i32, i32
  }
  func.func @transform_2(%arg0: i32) -> (i32, i32) {
    %c0_i32 = arith.constant 0 : i32
    %c0_i32_0 = arith.constant 0 : i32
    %c0_i32_1 = arith.constant 0 : i32
    return %c0_i32, %c0_i32_0 : i32, i32
  }
  func.func @transform_3(%arg0: i32) -> (i32, i32) {
    %c0_i32 = arith.constant 0 : i32
    %c0_i32_0 = arith.constant 0 : i32
    %c0_i32_1 = arith.constant 0 : i32
    return %c0_i32, %c0_i32_0 : i32, i32
  }
  func.func @transform_4(%arg0: i32) -> (i32, i32) {
    %c0_i32 = arith.constant 0 : i32
    %c0_i32_0 = arith.constant 0 : i32
    %c0_i32_1 = arith.constant 0 : i32
    return %c0_i32, %c0_i32_0 : i32, i32
  }
  func.func @transform_5(%arg0: i32) -> (i32, i32) {
    %c0_i32 = arith.constant 0 : i32
    %c0_i32_0 = arith.constant 0 : i32
    %c0_i32_1 = arith.constant 0 : i32
    return %c0_i32, %c0_i32_0 : i32, i32
  }
  func.func @transform_6(%arg0: i32) -> (i32, i32) {
    %c0_i32 = arith.constant 0 : i32
    %c0_i32_0 = arith.constant 0 : i32
    %c0_i32_1 = arith.constant 0 : i32
    return %c0_i32, %c0_i32_0 : i32, i32
  }
  func.func @transform_7(%arg0: i32) -> (i32, i32) {
    %c0_i32 = arith.constant 0 : i32
    %c0_i32_0 = arith.constant 0 : i32
    %c0_i32_1 = arith.constant 0 : i32
    return %c0_i32, %c0_i32_0 : i32, i32
  }
  func.func @transform_8(%arg0: i32) -> (i32, i32) {
    %c0_i32 = arith.constant 0 : i32
    %c0_i32_0 = arith.constant 0 : i32
    %c0_i32_1 = arith.constant 0 : i32
    return %c0_i32, %c0_i32_0 : i32, i32
  }
  func.func @transform_9(%arg0: i32) -> (i32, i32) {
    %c0_i32 = arith.constant 0 : i32
    %c0_i32_0 = arith.constant 0 : i32
    %c0_i32_1 = arith.constant 0 : i32
    return %c0_i32, %c0_i32_0 : i32, i32
  }
  func.func @transform_10(%arg0: i32) -> (i32, i32) {
    %c0_i32 = arith.constant 0 : i32
    %c0_i32_0 = arith.constant 0 : i32
    %c0_i32_1 = arith.constant 0 : i32
    return %c0_i32, %c0_i32_0 : i32, i32
  }
  func.func @transform_11(%arg0: i32) -> (i32, i32) {
    %c0_i32 = arith.constant 0 : i32
    %c0_i32_0 = arith.constant 0 : i32
    %c0_i32_1 = arith.constant 0 : i32
    return %c0_i32, %c0_i32_0 : i32, i32
  }
  func.func @transform_12(%arg0: i32) -> (i32, i32) {
    %c0_i32 = arith.constant 0 : i32
    %c0_i32_0 = arith.constant 0 : i32
    %c0_i32_1 = arith.constant 0 : i32
    return %c0_i32, %c0_i32_0 : i32, i32
  }
  func.func @transform_13(%arg0: i32) -> (i32, i32) {
    %c0_i32 = arith.constant 0 : i32
    %c0_i32_0 = arith.constant 0 : i32
    %c0_i32_1 = arith.constant 0 : i32
    return %c0_i32, %c0_i32_0 : i32, i32
  }
  func.func @transform_14(%arg0: i32) -> (i32, i32) {
    %c0_i32 = arith.constant 0 : i32
    %c0_i32_0 = arith.constant 0 : i32
    %c0_i32_1 = arith.constant 0 : i32
    return %c0_i32, %c0_i32_0 : i32, i32
  }
  func.func @transform_15(%arg0: i32) -> (i32, i32) {
    %c0_i32 = arith.constant 0 : i32
    %c0_i32_0 = arith.constant 0 : i32
    %c0_i32_1 = arith.constant 0 : i32
    return %c0_i32, %c0_i32_0 : i32, i32
  }
  func.func @transform_16(%arg0: i32) -> (i32, i32) {
    %c0_i32 = arith.constant 0 : i32
    %c0_i32_0 = arith.constant 0 : i32
    return %arg0, %c0_i32 : i32, i32
  }
}

</mosaic_0001>

<sc_bundles>
// kernel: kernel.6.cloned.1.call-start
scs
__scs_entry_jumppad:
0x0: {  	(pc) =	sbr.rel $0x88, $3  }
0x1: {  	(tag) =	ssettag $0x0;
	lr =	simm.s32 $0x1  }
0x2: {  	[smem:$0x3F6E] =	sst lr;
	_ =	strace $0xD0000000  }
0x3: {  	_ = 	snop  }
0x4: {  	_ = 	snop  }
0x5: {  	_ = 	snop  }
0x6: {  	_ = 	snop  }
0x7: {  	_ = 	snop  }
__scs_overlays_trampoline_lowered:
0x8: {  	[smem:$0x3F7D] =	sst s0  }
0x9: {  	[smem:$0x3F7E] =	sst s1  }
0xa: {  	[smem:$0x3F7F] =	sst s2  }
0xb: {  	[smem:$0x3F80] =	sst s3  }
0xc: {  	[smem:$0x3F81] =	sst s4  }
0xd: {  	[smem:$0x3F82] =	sst s5  }
0xe: {  	[smem:$0x3F83] =	sst s6  }
0xf: {  	[smem:$0x3F84] =	sst s7  }
0x10: {  	[smem:$0x3F85] =	sst s8  }
0x11: {  	[smem:$0x3F86] =	sst s9;
	s0 =	simm.s32 @!p0 $0x0  }
0x12: {  	s1 =	sld [smem:$0x3F6C];
	s0 =	simm.s32 @p0 $0x1  }
0x13: {  	[smem:$0x3F87] =	sst s0;
	s0 =	simm.s32 @!p1 $0x0  }
0x14: {  	s2 =	sld [smem:$0x3F6B];
	s0 =	simm.s32 @p1 $0x1  }
0x15: {  	[smem:$0x3F88] =	sst s0;
	s0 =	simm.s32 @!p2 $0x0  }
0x16: {  	s3 =	sld [smem:$0x3FDB];
	s0 =	simm.s32 @p2 $0x1  }
0x17: {  	s4 =	simm.s32 $0x1BF5;
	[smem:$0x3F8A] =	sst s0  }
0x18: {  	s0 =	sld [smem:$0x3F6D];
	_ =	swait.ge [sflag:s4], $0x0  }
0x19: {  	s7 =	sld [smem:$0x3F6E]  }
0x1a: {  	s8 =	sadd.s32 $0xFFFFE003, lr  }
0x1b: {  	s9 =	sadd.s32 $0xFFFFFEF7, lr;
	s5 =	simm.s32 $0xFFFFFFFF;
	p2 =	slt.u32 s8, $0xFFFFF086  }
0x1c: {  	p1 =	slt.u32 s9, $0xF7A;
	s5 =	simm.s32 @!p2 $0x0  }
0x1d: {  	s5 =	simm.s32 @p1 $0x1;
	p0 =	seq.s32 s7, s2  }
0x1e: {  	s7 =	smul.u32 @!p0 $0xF7A, s2;
	p2 =	seq.s32 @!p0 s5, $0x0  }
0x1f: {  	s9 =	smul.u32 $0xF7A, s1;
	s8 =	simm.s32 @!p0 $0x1BF5;
	p2 =	por !p2, p0  }
0x20: {  	[sflag:s8] =	ssyncset.s32 @!p0 $0xFFFFF086;
	s6 =	sadd.s32 @!p0 s3, s7;
	s7 =	simm.s32 @!p0 $0x108  }
0x21: {  	s3 =	sadd.s32 s3, s9;
	s6 =	sadd.s32 @!p0 $0x88, s6;
	s7 =	simm.s32 @p2 $0x1082  }
0x22: {  	[simem:s7], [sflag:s8] =	dma.local @!p0 [hbm:s6], $0xF7A  }
0x23: {  	s9 =	sor.u32 $0xD0000000, s2;
	s6 =	simm.s32 $0x108;
	_ =	swait.ge @!p0 [sflag:s8], $0x0  }
0x24: {  	s3 =	sadd.s32 $0x88, s3;
	s6 =	simm.s32 @!p1 $0x1082;
	[sflag:s4] =	ssyncset.s32 $0xFFFFF086  }
0x25: {  	[simem:s6], [sflag:s4] =	dma.local [hbm:s3], $0xF7A  }
0x26: {  	[smem:$0x3F6E] =	sst s1;
	(tag) =	ssettag s2;
	_ =	strace s9  }
0x27: {  	s1 =	sld [smem:$0x3F7E]  }
0x28: {  	s2 =	sld [smem:$0x3F7F]  }
0x29: {  	s4 =	sld [smem:$0x3F81]  }
0x2a: {  	p0 =	seq.s32 s5, $0x0;
	s5 =	sld [smem:$0x3F82]  }
0x2b: {  	s6 =	sld [smem:$0x3F83]  }
0x2c: {  	s7 =	sld [smem:$0x3F84]  }
0x2d: {  	s3 =	simm.s32 $0x108;
	s8 =	sld [smem:$0x3F85]  }
0x2e: {  	s3 =	simm.s32 @!p0 $0x1082;
	s9 =	sld [smem:$0x3F86]  }
0x2f: {  	lr =	sadd.s32 s0, s3;
	s0 =	sld [smem:$0x3F7D]  }
0x30: {  	s3 =	sld [smem:$0x3F80]  }
0x31: {  	[smem:$0x3F89] =	sst s10  }
0x32: {  	s10 =	sld [smem:$0x3F87];
	_ =	sdelay $0x3  }
0x33: {  	p0 =	seq.s32 s10, $0x1;
	s10 =	sld [smem:$0x3F89];
	_ =	sdelay $0x3  }
0x34: {  	[smem:$0x3F89] =	sst s10  }
0x35: {  	s10 =	sld [smem:$0x3F88];
	_ =	sdelay $0x3  }
0x36: {  	p1 =	seq.s32 s10, $0x1;
	s10 =	sld [smem:$0x3F89];
	_ =	sdelay $0x3  }
0x37: {  	[smem:$0x3F89] =	sst s10  }
0x38: {  	s10 =	sld [smem:$0x3F8A]  }
0x39: {  	_ = 	snop;
	(pc) =	sbr.ind lr, $3  }
0x3a: {  	_ = 	snop  }
0x3b: {  	_ = 	snop  }
0x3c: {  	p2 =	seq.s32 s10, $0x1;
	s10 =	sld [smem:$0x3F89]  }
0x3d: {  	_ =	shalt  }
0x3e: {  	_ =	shalt  }
0x3f: {  	_ =	shalt  }
0x40: {  	_ =	shalt  }
0x41: {  	_ =	shalt  }
0x42: {  	_ =	shalt  }
0x43: {  	_ =	shalt  }
0x44: {  	_ =	shalt  }
0x45: {  	_ =	shalt  }
0x46: {  	_ =	shalt  }
0x47: {  	_ =	shalt  }
0x48: {  	_ =	shalt  }
0x49: {  	_ =	shalt  }
0x4a: {  	_ =	shalt  }
0x4b: {  	_ =	shalt  }
0x4c: {  	_ =	shalt  }
0x4d: {  	_ =	shalt  }
0x4e: {  	_ =	shalt  }
0x4f: {  	_ =	shalt  }
0x50: {  	_ =	shalt  }
0x51: {  	_ =	shalt  }
0x52: {  	_ =	shalt  }
0x53: {  	_ =	shalt  }
0x54: {  	_ =	shalt  }
0x55: {  	_ =	shalt  }
0x56: {  	_ =	shalt  }
0x57: {  	_ =	shalt  }
0x58: {  	_ =	shalt  }
0x59: {  	_ =	shalt  }
0x5a: {  	_ =	shalt  }
0x5b: {  	_ =	shalt  }
0x5c: {  	_ =	shalt  }
0x5d: {  	_ =	shalt  }
0x5e: {  	_ =	shalt  }
0x5f: {  	_ =	shalt  }
0x60: {  	_ =	shalt  }
0x61: {  	_ =	shalt  }
0x62: {  	_ =	shalt  }
0x63: {  	_ =	shalt  }
0x64: {  	_ =	shalt  }
0x65: {  	_ =	shalt  }
0x66: {  	_ =	shalt  }
0x67: {  	_ =	shalt  }
0x68: {  	_ =	shalt  }
0x69: {  	_ =	shalt  }
0x6a: {  	_ =	shalt  }
0x6b: {  	_ =	shalt  }
0x6c: {  	_ =	shalt  }
0x6d: {  	_ =	shalt  }
0x6e: {  	_ =	shalt  }
0x6f: {  	_ =	shalt  }
0x70: {  	_ =	shalt  }
0x71: {  	_ =	shalt  }
0x72: {  	_ =	shalt  }
0x73: {  	_ =	shalt  }
0x74: {  	_ =	shalt  }
0x75: {  	_ =	shalt  }
0x76: {  	_ =	shalt  }
0x77: {  	_ =	shalt  }
0x78: {  	_ =	shalt  }
0x79: {  	_ =	shalt  }
0x7a: {  	_ =	shalt  }
0x7b: {  	_ =	shalt  }
0x7c: {  	_ =	shalt  }
0x7d: {  	_ =	shalt  }
0x7e: {  	_ =	shalt  }
0x7f: {  	_ =	shalt  }
0x80: {  	_ =	shalt  }
0x81: {  	_ =	shalt  }
0x82: {  	_ =	shalt  }
0x83: {  	_ =	shalt  }
0x84: {  	_ =	shalt  }
0x85: {  	_ =	shalt  }
0x86: {  	_ =	shalt  }
0x87: {  	_ =	shalt  }
.Lfunc_end0:
.L_simem_size_0:
called_computation_lowered:
.L_overlay_start_0:
0x88: {  	s2 =	sld [smem:$0x3FD9]  }
0x89: {  	s3 =	sld [smem:$0x3FFE];
	_ =	sdelay $0x1  }
0x8a: {  	s1 =	srdreg.scid  }
0x8b: {  	s0 =	sand.u32 $0x1, s1  }
0x8c: {  	s16 =	sshll.u32 s0, $0xA;
	s2 =	sadd.s32 s3, s2  }
0x8d: {  	s2 =	sadd.s32 s2, s16  }
0x8e: {  	[smem:$0x3F95] =	sst s2  }
0x8f: {  	_ = 	snop  }
0x90: {  	(tm) =	ssettm $0x1  }
0x91: {  	s17 =	sld [smem:$0x3FFB];
	_ =	sdelay $0x3  }
0x92: {  	_ =	strace s17  }
0x93: {  	s2 =	sld [smem:$0x3FFC];
	_ =	sdelay $0x3  }
0x94: {  	_ =	strace s2  }
0x95: {  	s2 =	sld [smem:$0x3FFD];
	_ =	sdelay $0x3  }
0x96: {  	_ =	strace s2  }
0x97: {  	_ =	strace $0x8FFFFFFF  }
0x98: {  	s18 =	sld [smem:$0x3FDB];
	_ =	sdelay $0x1  }
0x99: {  	s19 =	simm.s32 $_scs_section_size  }
0x9a: {  	s4 =	simm.s32 $_size__tile_overlayer_lowered;
	s5 =	simm.s32 $_tile_overlayer_lowered  }
0x9b: {  	s22 =	simm.s32 $0x1BFF;
	s21 =	sshll.u32 s5, $0x1;
	s2 =	sadd.s32 s19, s18  }
0x9c: {  	s6 =	simm.s32 $0x0;
	s20 =	sshll.u32 s4, $0x1;
	s4 =	sadd.s32 s21, s2  }
0x9d: {  	[timem:s6], [sflag:s22] =	dma.local [hbm:s4], s20  }
0x9e: {  	_ =	swait.ge [sflag:s22], s20  }
0x9f: {  	s3 =	ssub.s32 $0x0, s20;
	[sflag:s22] =	ssyncset.done $0x0  }
0xa0: {  	[sflag:s22] =	ssyncadd.s32 s3;
	_ =	sdelay $0x1  }
0xa1: {  	s23 =	simm.s32 $0x1B8B  }
0xa2: {  	_ =	swait.ge [sflag:s23], $0x1  }
0xa3: {  	[sflag:s23] =	ssyncset.done $0x0  }
0xa4: {  	s25 =	simm.s32 $0x1B8E;
	s24 =	sld [smem:$0x3FFE];
	[sflag:s23] =	ssyncadd.s32 $0xFFFFFFFF  }
0xa5: {  	s26 =	simm.s32 $execute0_lowered;
	[smem:$0x3FD2] =	sst s25  }
0xa6: {  	s4 =	sshll.u32 s26, $0x1;
	_ =	strace $0x80000046;
	[dreg:$0x1] =	wrdreg $0xFFFFFFFF  }
0xa7: {  	s28 =	simm.s32 $_size_execute0_lowered;
	s2 =	sadd.s32 s2, s4;
	[dreg:$0x0] =	wrdreg $0x0  }
0xa8: {  	s4 =	sshll.u32 s28, $0x1;
	[dreg:$0x2] =	wrdreg s2  }
0xa9: {  	[dreg:$0x3] =	wrdreg s4  }
0xaa: {  	[dreg:$0x4] =	wrdreg $0xC0  }
0xab: {  	_ =	task [dreg:s6], $0x5FFFF  }
0xac: {  	[dreg:$0x1] =	wrdreg $0xFFFFFFFF  }
0xad: {  	[dreg:$0x0] =	wrdreg $0x60  }
0xae: {  	[dreg:$0x2] =	wrdreg s24  }
0xaf: {  	[dreg:$0x3] =	wrdreg $0x42000  }
0xb0: {  	[dreg:$0x4] =	wrdreg $0x9  }
0xb1: {  	_ =	task.clear_ibuf [dreg:s6], $0x5FFFF;
	_ =	strace $0x90000046  }
0xb2: {  	s29 =	simm.s32 $0x9;
	_ =	strace $0x80000048  }
0xb3: {  	_ =	swait.ge [sflag:s29], $0x1  }
0xb4: {  	[sflag:s29] =	ssyncadd.s32 $0xFFFFFFFF  }
0xb5: {  	_ =	strace $0x90000048  }
0xb6: {  	_ =	sfence  }
0xb7: {  	s30 =	sld [smem:$0x0];
	_ =	sdelay $0x2  }
0xb8: {  	s31 =	sshll.u32 s1, $0xD;
	s1 =	sshrl.u32 s1, $0x2  }
0xb9: {  	s3 =	sand.u32 $0x4000, s31;
	s1 =	sadd.s32 s1, s30  }
0xba: {  	s0 =	sor.u32 s3, s0;
	s1 =	sshll.u32 s1, $0x11  }
0xbb: {  	s0 =	sor.u32 s1, s0  }
0xbc: {  	s0 =	sadd.s32 $0x8F2B, s0  }
0xbd: {  	[sflag:s0] =	ssyncadd.remote.s32 $0x1  }
0xbe: {  	_ =	sfence.sel $0xFFFF  }
0xbf: {  	[dreg:$0x0] =	wrdreg $0xFFFFFFFF;
	(pc) =	sbr.abs _section_cstart, $3  }
0xc0: {  	[dreg:$0x1] =	wrdreg $0xFFFFFFFF  }
0xc1: {  	_ =	task.clear_ibuf [dreg:s6], $0x2FFFF;
	_ =	strace $0x9FFFFFFF  }
0xc2: {  	(tm) =	ssettm $0x7FFFFFFF  }
0xc3: {  	_ =	shalt  }
tec
execute0_lowered:
.L_overlay_start_1:
0x0: {  	(tag) =	ssettag $0x1  }
0x1: {  	s0 =	rddreg [dreg:$0x0]  }
0x2: {  	s2 =	rddreg [dreg:$0x1]  }
0x3: {  	s13 =	stileid.u32;
	s1 =	srdreg.scid  }
0x4: {  	s3 =	simm.s32 $0x0;
	s18 =	simm.s32 $0x20;
	s19 =	simm.s32 $0x80  }
0x5: {  	s28 =	simm.s32 $0x2;
	s4 =	smul.u32 $0x18800, s13;
	s1 =	sand.u32 $0x1, s1  }
0x6: {  	[smem:$0x7FF] =	sst s3;
	s6 =	sadd.s32 $0x1F400, s0;
	s5 =	smul.u32 $0x188000, s1  }
0x7: {  	s7 =	sadd.s32 $0x6800, s0;
	s11 =	sshll.u32 s13, $0x6;
	s20 =	smul.u32 $0x840000, s1  }
0x8: {  	s23 =	sshll.u32 s13, $0xE;
	s13 =	sshll.u32 s13, $0x9;
	s22 =	smul.u32 $0x42000, s1  }
0x9: {  	_ =	strace $0x80000047;
	s8 =	ssub.s32 $0x2, s1;
	s12 =	smul.u32 $0x420000, s1  }
0xa: {  	s1 =	smul.u32 $0x4200, s1;
	s9 =	sshrl.u32 s4, $0x3;
	s10 =	sshrl.u32 s8, $0x1  }
0xb: {  	s16 =	sadd.s32 s4, s2;
	s5 =	sadd.s32 s4, s5;
	s9 =	sadd.s32 s9, s0  }
0xc: {  	s8 =	ssub.s32 s8, s10;
	s24 =	sor.u32 s23, s20;
	s25 =	sor.u32 s13, s22  }
0xd: {  	s1 =	sadd.s32 s1, s7;
	s10 =	simm.s32 $0x3;
	s20 =	simm.s32 $0x200  }
0xe: {  	s22 =	simm.s32 $0x2200;
	s5 =	sshrl.u32 s5, $0x3;
	s8 =	smax.u32 s8, $0x1  }
0xf: {  	s4 =	sadd.s32 $0x337400, s9;
	s1 =	sadd.s32 s11, s1;
	[dreg:$0x7] =	wrdreg s8  }
0x10: {  	s0 =	sadd.s32 s5, s0;
	s1 =	sadd.s32 $0x10800, s1;
	[dreg:$0x3] =	wrdreg s4  }
0x11: {  	s5 =	sor.u32 $0x1C03, s11;
	s8 =	sshrl.u32 s24, $0x3;
	[dreg:$0x9] =	wrdreg s1  }
0x12: {  	s24 =	simm.s32 $0x1;
	s21 =	sadd.s32 $0x368400, s0;
	[dreg:$0x4] =	wrdreg s5  }
0x13: {  	s0 =	sadd.s32 $0x3CA400, s0;
	s9 =	sadd.s32 s8, s6;
	[dreg:$0x5] =	wrdreg s21  }
0x14: {  	s8 =	sshrl.u32 s25, $0x3;
	s25 =	simm.s32 $0x100;
	[dreg:$0x6] =	wrdreg s0  }
0x15: {  	s0 =	sadd.s32 s23, s12;
	s7 =	sadd.s32 s8, s7;
	s8 =	sshrl.u32 s16, $0x3  }
0x16: {  	s21 =	simm.s32 $0x1200;
	s23 =	simm.s32 $0x3200;
	s12 =	sadd.s32 $0x1080060, s0  }
0x17: {  	[dreg:$0x8] =	wrdreg s7;
	s29 =	sadd.s32 $0x1080040, s0;
	s30 =	sadd.s32 $0x1080020, s0  }
0x18: {  	s0 =	sadd.s32 $0x1080000, s0;
	[dreg:$0xa] =	wrdreg s8;
	s26 =	sshrl.u32 s12, $0x3  }
0x19: {  	s1 =	sshrl.u32 s29, $0x3;
	s31 =	sshrl.u32 s30, $0x3;
	s0 =	sshrl.u32 s0, $0x3  }
0x1a: {  	s12 =	sadd.s32 s26, s6;
	s13 =	sadd.s32 s1, s6;
	s14 =	sadd.s32 s31, s6  }
0x1b: {  	s15 =	sadd.s32 s0, s6;
	s26 =	simm.s32 $0x180;
	s1 =	simm.s32 $0x0  }
.LBB2_1:
0x1c: {  	[dreg:$0xb] =	wrdreg s1  }
0x1d: {  	[spmem:s8], [sflag:s5] =	dma.local [hbm:s4], $0x3100  }
0x1e: {  	_ =	swait.ge [sflag:s10], $0x3100  }
0x1f: {  	[sflag:s10] =	ssyncset.done $0x0  }
0x20: {  	[sflag:s10] =	ssyncadd.s32 $0xFFFFCF00  }
0x21: {  	[bflag:$0x0] =	sbarrier.arrive $0xFFFF  }
0x22: {  	s6 =	rddreg [dreg:$0x8]  }
0x23: {  	[tilespmem:s3], [sflag:$0x1] =	stream.linear.gather [hbm4b:s6+s3], $0x200, $0x38;
	[tilespmem:$0x1CA00] =	vst v63  }
0x24: {  	s0 =	sadd.s32 $0x0, s9  }
0x25: {  	[tilespmem:s20], [sflag:$0x1] =	stream.strided.gather [hbm4b:s0+s18], $0x1000, s19, s18, $0x38;
	[tilespmem:$0x1CA00] =	vst v63  }
0x26: {  	s30 =	sadd.s32 $0x4, s0  }
0x27: {  	[tilespmem:s21], [sflag:$0x1] =	stream.strided.gather [hbm4b:s30+s18], $0x1000, s19, s18, $0x38;
	[tilespmem:$0x1CA00] =	vst v63  }
0x28: {  	s31 =	sadd.s32 $0x8, s0  }
0x29: {  	[tilespmem:s22], [sflag:$0x1] =	stream.strided.gather [hbm4b:s31+s18], $0x1000, s19, s18, $0x38;
	[tilespmem:$0x1CA00] =	vst v63  }
0x2a: {  	s0 =	sadd.s32 $0xC, s0  }
0x2b: {  	[tilespmem:s23], [sflag:$0x1] =	stream.strided.gather [hbm4b:s0+s18], $0x1000, s19, s18, $0x38;
	[tilespmem:$0x1CA00] =	vst v63  }
0x2c: {  	_ =	swait.ge [sflag:s24], $0x200  }
0x2d: {  	[sflag:s24] =	ssyncset.done $0x0  }
0x2e: {  	[sflag:s24] =	ssyncadd.s32 $0xFFFFFE00  }
0x2f: {  	_ =	swait.ge [sflag:s24], $0x1000  }
0x30: {  	[sflag:s24] =	ssyncset.done $0x0  }
0x31: {  	[sflag:s24] =	ssyncadd.s32 $0xFFFFF000  }
0x32: {  	_ =	swait.ge [sflag:s24], $0x1000  }
0x33: {  	[sflag:s24] =	ssyncset.done $0x0  }
0x34: {  	[sflag:s24] =	ssyncadd.s32 $0xFFFFF000  }
0x35: {  	_ =	swait.ge [sflag:s24], $0x1000  }
0x36: {  	[sflag:s24] =	ssyncset.done $0x0  }
0x37: {  	[sflag:s24] =	ssyncadd.s32 $0xFFFFF000  }
0x38: {  	_ =	swait.ge [sflag:s24], $0x1000  }
0x39: {  	[sflag:s24] =	ssyncset.done $0x0  }
0x3a: {  	[sflag:s24] =	ssyncadd.s32 $0xFFFFF000  }
0x3b: {  	[spmem:s2] =	stream.indirect.scatter.add.f32 [tilespmem:s20], [sflag:$0x2], $0x20, s3, s19, $0xb8;
	[tilespmem:$0x1CA00] =	vst v63  }
0x3c: {  	_ = 	snop  }
0x3d: {  	[spmem:s2] =	stream.indirect.scatter.add.f32 [tilespmem:s21], [sflag:$0x2], $0x20, s19, s19, $0xb8;
	[tilespmem:$0x1CA00] =	vst v63  }
0x3e: {  	_ = 	snop  }
0x3f: {  	[spmem:s2] =	stream.indirect.scatter.add.f32 [tilespmem:s22], [sflag:$0x2], $0x20, s25, s19, $0xb8;
	[tilespmem:$0x1CA00] =	vst v63  }
0x40: {  	_ = 	snop  }
0x41: {  	[spmem:s2] =	stream.indirect.scatter.add.f32 [tilespmem:s23], [sflag:$0x2], $0x20, s26, s19, $0xb8;
	[tilespmem:$0x1CA00] =	vst v63  }
0x42: {  	_ =	swait.ge [sflag:s28], $0x1000  }
0x43: {  	[sflag:s28] =	ssyncset.done $0x0  }
0x44: {  	[sflag:s28] =	ssyncadd.s32 $0xFFFFF000  }
0x45: {  	_ =	swait.ge [sflag:s28], $0x1000  }
0x46: {  	[sflag:s28] =	ssyncset.done $0x0  }
0x47: {  	[sflag:s28] =	ssyncadd.s32 $0xFFFFF000  }
0x48: {  	_ =	swait.ge [sflag:s28], $0x1000  }
0x49: {  	[sflag:s28] =	ssyncset.done $0x0  }
0x4a: {  	[sflag:s28] =	ssyncadd.s32 $0xFFFFF000  }
0x4b: {  	_ =	swait.ge [sflag:s28], $0x1000  }
0x4c: {  	s1 =	smov.u32 s6;
	s0 =	simm.s32 $0x8000;
	[sflag:s28] =	ssyncset.done $0x0  }
.LBB2_2:
0x4d: {  	p0 =	sne.s32 s0, $0x100000;
	[sflag:s28] =	ssyncadd.s32 $0xFFFFF000;
	s1 =	sadd.s32 $0x400, s1  }
0x4e: {  	[tilespmem:s3], [sflag:$0x1] =	stream.linear.gather [hbm4b:s1+s3], $0x200, $0x38;
	[tilespmem:$0x1CA00] =	vst v63  }
0x4f: {  	s6 =	sadd.s32 s0, s9;
	s0 =	sadd.s32 $0x8000, s0  }
0x50: {  	[tilespmem:s20], [sflag:$0x1] =	stream.strided.gather [hbm4b:s6+s18], $0x1000, s19, s18, $0x38;
	[tilespmem:$0x1CA00] =	vst v63  }
0x51: {  	s7 =	sadd.s32 $0x4, s6  }
0x52: {  	[tilespmem:s21], [sflag:$0x1] =	stream.strided.gather [hbm4b:s7+s18], $0x1000, s19, s18, $0x38;
	[tilespmem:$0x1CA00] =	vst v63  }
0x53: {  	s7 =	sadd.s32 $0x8, s6  }
0x54: {  	[tilespmem:s22], [sflag:$0x1] =	stream.strided.gather [hbm4b:s7+s18], $0x1000, s19, s18, $0x38;
	[tilespmem:$0x1CA00] =	vst v63  }
0x55: {  	s6 =	sadd.s32 $0xC, s6  }
0x56: {  	[tilespmem:s23], [sflag:$0x1] =	stream.strided.gather [hbm4b:s6+s18], $0x1000, s19, s18, $0x38;
	[tilespmem:$0x1CA00] =	vst v63  }
0x57: {  	_ =	swait.ge [sflag:s24], $0x200  }
0x58: {  	[sflag:s24] =	ssyncset.done $0x0  }
0x59: {  	[sflag:s24] =	ssyncadd.s32 $0xFFFFFE00  }
0x5a: {  	_ =	swait.ge [sflag:s24], $0x1000  }
0x5b: {  	[sflag:s24] =	ssyncset.done $0x0  }
0x5c: {  	[sflag:s24] =	ssyncadd.s32 $0xFFFFF000  }
0x5d: {  	_ =	swait.ge [sflag:s24], $0x1000  }
0x5e: {  	[sflag:s24] =	ssyncset.done $0x0  }
0x5f: {  	[sflag:s24] =	ssyncadd.s32 $0xFFFFF000  }
0x60: {  	_ =	swait.ge [sflag:s24], $0x1000  }
0x61: {  	[sflag:s24] =	ssyncset.done $0x0  }
0x62: {  	[sflag:s24] =	ssyncadd.s32 $0xFFFFF000  }
0x63: {  	_ =	swait.ge [sflag:s24], $0x1000  }
0x64: {  	[sflag:s24] =	ssyncset.done $0x0  }
0x65: {  	[sflag:s24] =	ssyncadd.s32 $0xFFFFF000  }
0x66: {  	[spmem:s2] =	stream.indirect.scatter.add.f32 [tilespmem:s20], [sflag:$0x2], $0x20, s3, s19, $0xb8;
	[tilespmem:$0x1CA00] =	vst v63  }
0x67: {  	_ = 	snop  }
0x68: {  	[spmem:s2] =	stream.indirect.scatter.add.f32 [tilespmem:s21], [sflag:$0x2], $0x20, s19, s19, $0xb8;
	[tilespmem:$0x1CA00] =	vst v63  }
0x69: {  	_ = 	snop  }
0x6a: {  	[spmem:s2] =	stream.indirect.scatter.add.f32 [tilespmem:s22], [sflag:$0x2], $0x20, s25, s19, $0xb8;
	[tilespmem:$0x1CA00] =	vst v63  }
0x6b: {  	_ = 	snop  }
0x6c: {  	[spmem:s2] =	stream.indirect.scatter.add.f32 [tilespmem:s23], [sflag:$0x2], $0x20, s26, s19, $0xb8;
	[tilespmem:$0x1CA00] =	vst v63  }
0x6d: {  	_ =	swait.ge [sflag:s28], $0x1000  }
0x6e: {  	[sflag:s28] =	ssyncset.done $0x0  }
0x6f: {  	[sflag:s28] =	ssyncadd.s32 $0xFFFFF000  }
0x70: {  	_ =	swait.ge [sflag:s28], $0x1000  }
0x71: {  	[sflag:s28] =	ssyncset.done $0x0  }
0x72: {  	[sflag:s28] =	ssyncadd.s32 $0xFFFFF000  }
.Ltmp0:
0x73: {  	_ =	swait.ge [sflag:s28], $0x1000;
	(pc) =	sbr.rel @p0 .LBB2_2-.Ltmp0, $4  }
0x74: {  	[sflag:s28] =	ssyncset.done $0x0  }
0x75: {  	[sflag:s28] =	ssyncadd.s32 $0xFFFFF000  }
0x76: {  	_ =	swait.ge [sflag:s28], $0x1000  }
0x77: {  	[sflag:s28] =	ssyncset.done $0x0  }
0x78: {  	[sflag:s28] =	ssyncadd.s32 $0xFFFFF000  }
0x79: {  	[bflag:$0x0] =	sbarrier.arrive $0xFFFF  }
0x7a: {  	s0 =	rddreg [dreg:$0x5]  }
0x7b: {  	[hbm:s0], [sflag:s5] =	dma.local [spmem:s8], $0x3100  }
0x7c: {  	_ =	swait.ge [sflag:s10], $0x3100  }
0x7d: {  	[sflag:s10] =	ssyncset.done $0x0  }
0x7e: {  	[sflag:s10] =	ssyncadd.s32 $0xFFFFCF00  }
0x7f: {  	[bflag:$0x0] =	sbarrier.arrive $0xFFFF  }
0x80: {  	[spmem:s8], [sflag:s5] =	dma.local [hbm:s4], $0x3100  }
0x81: {  	_ =	swait.ge [sflag:s10], $0x3100  }
0x82: {  	s29 =	stileid.u32;
	[sflag:s10] =	ssyncset.done $0x0  }
0x83: {  	p0 =	sgt.u32 s29, $0x107;
	[sflag:s10] =	ssyncadd.s32 $0xFFFFCF00  }
0x84: {  	s1 =	simm.s32 @!p0 $0x200;
	[bflag:$0x0] =	sbarrier.arrive $0xFFFF  }
0x85: {  	s0 =	simm.s32 @!p0 $0x0;
	p0 =	por p0, p0;
	s10 =	rddreg [dreg:$0x9]  }
0x86: {  	[tilespmem:s0], [sflag:$0x1] =	stream.linear.gather @!p0 [hbm4b:s10+s0], $0x200, $0x38;
	[tilespmem:$0x1CA00] =	vst v63  }
0x87: {  	s6 =	sadd.s32 @!p0 $0x0, s15;
	s7 =	simm.s32 @!p0 $0x20;
	s30 =	simm.s32 @!p0 $0x80  }
0x88: {  	[tilespmem:s1], [sflag:$0x1] =	stream.strided.gather @!p0 [hbm4b:s6+s7], $0x1000, s30, s7, $0x38;
	[tilespmem:$0x1CA00] =	vst v63  }
0x89: {  	s8 =	simm.s32 @!p0 $0x1200;
	s6 =	sadd.s32 @!p0 $0x0, s14  }
0x8a: {  	[tilespmem:s8], [sflag:$0x1] =	stream.strided.gather @!p0 [hbm4b:s6+s7], $0x1000, s30, s7, $0x38;
	[tilespmem:$0x1CA00] =	vst v63  }
0x8b: {  	s31 =	simm.s32 @!p0 $0x2200;
	s6 =	sadd.s32 @!p0 $0x0, s13  }
0x8c: {  	[tilespmem:s31], [sflag:$0x1] =	stream.strided.gather @!p0 [hbm4b:s6+s7], $0x1000, s30, s7, $0x38;
	[tilespmem:$0x1CA00] =	vst v63  }
0x8d: {  	s11 =	simm.s32 @!p0 $0x1;
	s4 =	simm.s32 @!p0 $0x3200;
	s6 =	sadd.s32 @!p0 $0x0, s12  }
0x8e: {  	[tilespmem:s4], [sflag:$0x1] =	stream.strided.gather @!p0 [hbm4b:s6+s7], $0x1000, s30, s7, $0x38;
	[tilespmem:$0x1CA00] =	vst v63  }
0x8f: {  	_ =	swait.ge @!p0 [sflag:s11], $0x200  }
0x90: {  	[sflag:s11] =	ssyncset.done @!p0 $0x0  }
0x91: {  	[sflag:s11] =	ssyncadd.s32 @!p0 $0xFFFFFE00  }
0x92: {  	_ =	swait.ge @!p0 [sflag:s11], $0x1000  }
0x93: {  	[sflag:s11] =	ssyncset.done @!p0 $0x0  }
0x94: {  	[sflag:s11] =	ssyncadd.s32 @!p0 $0xFFFFF000  }
0x95: {  	_ =	swait.ge @!p0 [sflag:s11], $0x1000  }
0x96: {  	[sflag:s11] =	ssyncset.done @!p0 $0x0  }
0x97: {  	[sflag:s11] =	ssyncadd.s32 @!p0 $0xFFFFF000  }
0x98: {  	_ =	swait.ge @!p0 [sflag:s11], $0x1000  }
0x99: {  	[sflag:s11] =	ssyncset.done @!p0 $0x0  }
0x9a: {  	[sflag:s11] =	ssyncadd.s32 @!p0 $0xFFFFF000  }
0x9b: {  	_ =	swait.ge @!p0 [sflag:s11], $0x1000  }
0x9c: {  	[sflag:s11] =	ssyncset.done @!p0 $0x0  }
0x9d: {  	[sflag:s11] =	ssyncadd.s32 @!p0 $0xFFFFF000  }
0x9e: {  	[spmem:s2] =	stream.indirect.scatter.add.f32 @!p0 [tilespmem:s1], [sflag:$0x2], $0x20, s0, s30, $0xb8;
	[tilespmem:$0x1CA00] =	vst v63  }
0x9f: {  	_ = 	snop  }
0xa0: {  	[spmem:s2] =	stream.indirect.scatter.add.f32 @!p0 [tilespmem:s8], [sflag:$0x2], $0x20, s30, s30, $0xb8;
	[tilespmem:$0x1CA00] =	vst v63  }
0xa1: {  	s0 =	simm.s32 @!p0 $0x100  }
0xa2: {  	[spmem:s2] =	stream.indirect.scatter.add.f32 @!p0 [tilespmem:s31], [sflag:$0x2], $0x20, s0, s30, $0xb8;
	[tilespmem:$0x1CA00] =	vst v63  }
0xa3: {  	s8 =	simm.s32 @!p0 $0x2;
	s0 =	simm.s32 @!p0 $0x180  }
0xa4: {  	[spmem:s2] =	stream.indirect.scatter.add.f32 @!p0 [tilespmem:s4], [sflag:$0x2], $0x20, s0, s30, $0xb8;
	[tilespmem:$0x1CA00] =	vst v63  }
0xa5: {  	_ =	swait.ge @!p0 [sflag:s8], $0x1000  }
0xa6: {  	[sflag:s8] =	ssyncset.done @!p0 $0x0  }
0xa7: {  	[sflag:s8] =	ssyncadd.s32 @!p0 $0xFFFFF000  }
0xa8: {  	_ =	swait.ge @!p0 [sflag:s8], $0x1000  }
0xa9: {  	[sflag:s8] =	ssyncset.done @!p0 $0x0  }
0xaa: {  	[sflag:s8] =	ssyncadd.s32 @!p0 $0xFFFFF000  }
0xab: {  	_ =	swait.ge @!p0 [sflag:s8], $0x1000  }
0xac: {  	[sflag:s8] =	ssyncset.done @!p0 $0x0  }
0xad: {  	s1 =	sadd.s32 $0x10, s29;
	[sflag:s8] =	ssyncadd.s32 @!p0 $0xFFFFF000  }
0xae: {  	p2 =	sgt.u32 s1, $0x107;
	s31 =	sadd.s32 $0x400, s10;
	_ =	swait.ge @!p0 [sflag:s8], $0x1000  }
0xaf: {  	s30 =	simm.s32 $0x8000;
	s0 =	simm.s32 $0x10000;
	[sflag:s8] =	ssyncset.done @!p0 $0x0  }
.LBB2_4:
0xb0: {  	s7 =	simm.s32 @!p2 $0x0;
	s4 =	simm.s32 @!p2 $0x200  }
0xb1: {  	[sflag:s8] =	ssyncadd.s32 @!p0 $0xFFFFF000;
	s8 =	smov.u32 s0;
	p0 =	por p2, p2  }
0xb2: {  	[tilespmem:s7], [sflag:$0x1] =	stream.linear.gather @!p0 [hbm4b:s31+s7], $0x200, $0x38;
	[tilespmem:$0x1CA00] =	vst v63  }
0xb3: {  	s11 =	sadd.s32 @!p0 s30, s15;
	s10 =	simm.s32 @!p0 $0x20;
	s6 =	simm.s32 @!p0 $0x80  }
0xb4: {  	[tilespmem:s4], [sflag:$0x1] =	stream.strided.gather @!p0 [hbm4b:s11+s10], $0x1000, s6, s10, $0x38;
	[tilespmem:$0x1CA00] =	vst v63  }
0xb5: {  	s0 =	sadd.s32 $0x8000, s0;
	s5 =	simm.s32 @!p0 $0x1200;
	s11 =	sadd.s32 @!p0 s30, s14  }
0xb6: {  	[tilespmem:s5], [sflag:$0x1] =	stream.strided.gather @!p0 [hbm4b:s11+s10], $0x1000, s6, s10, $0x38;
	[tilespmem:$0x1CA00] =	vst v63  }
0xb7: {  	p1 =	sne.s32 s0, $0x88000;
	s16 =	simm.s32 @!p0 $0x2200;
	s11 =	sadd.s32 @!p0 s30, s13  }
0xb8: {  	[tilespmem:s16], [sflag:$0x1] =	stream.strided.gather @!p0 [hbm4b:s11+s10], $0x1000, s6, s10, $0x38;
	[tilespmem:$0x1CA00] =	vst v63  }
0xb9: {  	s17 =	simm.s32 @!p0 $0x3200;
	s29 =	simm.s32 @!p0 $0x1;
	s11 =	sadd.s32 @!p0 s30, s12  }
0xba: {  	[tilespmem:s17], [sflag:$0x1] =	stream.strided.gather @!p0 [hbm4b:s11+s10], $0x1000, s6, s10, $0x38;
	[tilespmem:$0x1CA00] =	vst v63  }
0xbb: {  	s30 =	smov.u32 s8;
	_ =	swait.ge @!p0 [sflag:s29], $0x200  }
0xbc: {  	[sflag:s29] =	ssyncset.done @!p0 $0x0  }
0xbd: {  	[sflag:s29] =	ssyncadd.s32 @!p0 $0xFFFFFE00  }
0xbe: {  	_ =	swait.ge @!p0 [sflag:s29], $0x1000  }
0xbf: {  	[sflag:s29] =	ssyncset.done @!p0 $0x0  }
0xc0: {  	[sflag:s29] =	ssyncadd.s32 @!p0 $0xFFFFF000  }
0xc1: {  	_ =	swait.ge @!p0 [sflag:s29], $0x1000  }
0xc2: {  	[sflag:s29] =	ssyncset.done @!p0 $0x0  }
0xc3: {  	[sflag:s29] =	ssyncadd.s32 @!p0 $0xFFFFF000  }
0xc4: {  	_ =	swait.ge @!p0 [sflag:s29], $0x1000  }
0xc5: {  	[sflag:s29] =	ssyncset.done @!p0 $0x0  }
0xc6: {  	[sflag:s29] =	ssyncadd.s32 @!p0 $0xFFFFF000  }
0xc7: {  	_ =	swait.ge @!p0 [sflag:s29], $0x1000  }
0xc8: {  	[sflag:s29] =	ssyncset.done @!p0 $0x0  }
0xc9: {  	[sflag:s29] =	ssyncadd.s32 @!p0 $0xFFFFF000  }
0xca: {  	[spmem:s2] =	stream.indirect.scatter.add.f32 @!p0 [tilespmem:s4], [sflag:$0x2], $0x20, s7, s6, $0xb8;
	[tilespmem:$0x1CA00] =	vst v63  }
0xcb: {  	_ = 	snop  }
0xcc: {  	[spmem:s2] =	stream.indirect.scatter.add.f32 @!p0 [tilespmem:s5], [sflag:$0x2], $0x20, s6, s6, $0xb8;
	[tilespmem:$0x1CA00] =	vst v63  }
0xcd: {  	s4 =	simm.s32 @!p0 $0x100  }
0xce: {  	[spmem:s2] =	stream.indirect.scatter.add.f32 @!p0 [tilespmem:s16], [sflag:$0x2], $0x20, s4, s6, $0xb8;
	[tilespmem:$0x1CA00] =	vst v63  }
0xcf: {  	s8 =	simm.s32 @!p0 $0x2;
	s4 =	simm.s32 @!p0 $0x180  }
0xd0: {  	[spmem:s2] =	stream.indirect.scatter.add.f32 @!p0 [tilespmem:s17], [sflag:$0x2], $0x20, s4, s6, $0xb8;
	[tilespmem:$0x1CA00] =	vst v63  }
0xd1: {  	_ =	swait.ge @!p0 [sflag:s8], $0x1000  }
0xd2: {  	[sflag:s8] =	ssyncset.done @!p0 $0x0  }
0xd3: {  	[sflag:s8] =	ssyncadd.s32 @!p0 $0xFFFFF000  }
0xd4: {  	_ =	swait.ge @!p0 [sflag:s8], $0x1000  }
0xd5: {  	[sflag:s8] =	ssyncset.done @!p0 $0x0  }
0xd6: {  	[sflag:s8] =	ssyncadd.s32 @!p0 $0xFFFFF000  }
.Ltmp1:
0xd7: {  	_ =	swait.ge @!p0 [sflag:s8], $0x1000;
	(pc) =	sbr.rel @p1 .LBB2_4-.Ltmp1, $4  }
0xd8: {  	[sflag:s8] =	ssyncset.done @!p0 $0x0  }
0xd9: {  	[sflag:s8] =	ssyncadd.s32 @!p0 $0xFFFFF000  }
0xda: {  	s1 =	sadd.s32 $0x10, s1;
	_ =	swait.ge @!p0 [sflag:s8], $0x1000  }
0xdb: {  	p2 =	sgt.u32 s1, $0x107;
	s31 =	sadd.s32 $0x400, s31;
	[sflag:s8] =	ssyncset.done @!p0 $0x0  }
0xdc: {  	s0 =	simm.s32 @!p2 $0x0  }
0xdd: {  	s1 =	simm.s32 @!p2 $0x200;
	[sflag:s8] =	ssyncadd.s32 @!p0 $0xFFFFF000;
	p0 =	por p2, p2  }
0xde: {  	[tilespmem:s0], [sflag:$0x1] =	stream.linear.gather @!p0 [hbm4b:s31+s0], $0x200, $0x38;
	[tilespmem:$0x1CA00] =	vst v63  }
0xdf: {  	s4 =	sadd.s32 @!p0 s30, s15;
	s5 =	simm.s32 @!p0 $0x20;
	s6 =	simm.s32 @!p0 $0x80  }
0xe0: {  	[tilespmem:s1], [sflag:$0x1] =	stream.strided.gather @!p0 [hbm4b:s4+s5], $0x1000, s6, s5, $0x38;
	[tilespmem:$0x1CA00] =	vst v63  }
0xe1: {  	s7 =	simm.s32 @!p0 $0x1200;
	s4 =	sadd.s32 @!p0 s30, s14  }
0xe2: {  	[tilespmem:s7], [sflag:$0x1] =	stream.strided.gather @!p0 [hbm4b:s4+s5], $0x1000, s6, s5, $0x38;
	[tilespmem:$0x1CA00] =	vst v63  }
0xe3: {  	s8 =	simm.s32 @!p0 $0x2200;
	s4 =	sadd.s32 @!p0 s30, s13  }
0xe4: {  	[tilespmem:s8], [sflag:$0x1] =	stream.strided.gather @!p0 [hbm4b:s4+s5], $0x1000, s6, s5, $0x38;
	[tilespmem:$0x1CA00] =	vst v63  }
0xe5: {  	s10 =	simm.s32 @!p0 $0x3200;
	s11 =	simm.s32 @!p0 $0x1;
	s4 =	sadd.s32 @!p0 s30, s12  }
0xe6: {  	[tilespmem:s10], [sflag:$0x1] =	stream.strided.gather @!p0 [hbm4b:s4+s5], $0x1000, s6, s5, $0x38;
	[tilespmem:$0x1CA00] =	vst v63  }
0xe7: {  	_ =	swait.ge @!p0 [sflag:s11], $0x200  }
0xe8: {  	[sflag:s11] =	ssyncset.done @!p0 $0x0  }
0xe9: {  	[sflag:s11] =	ssyncadd.s32 @!p0 $0xFFFFFE00  }
0xea: {  	_ =	swait.ge @!p0 [sflag:s11], $0x1000  }
0xeb: {  	[sflag:s11] =	ssyncset.done @!p0 $0x0  }
0xec: {  	[sflag:s11] =	ssyncadd.s32 @!p0 $0xFFFFF000  }
0xed: {  	_ =	swait.ge @!p0 [sflag:s11], $0x1000  }
0xee: {  	[sflag:s11] =	ssyncset.done @!p0 $0x0  }
0xef: {  	[sflag:s11] =	ssyncadd.s32 @!p0 $0xFFFFF000  }
0xf0: {  	_ =	swait.ge @!p0 [sflag:s11], $0x1000  }
0xf1: {  	[sflag:s11] =	ssyncset.done @!p0 $0x0  }
0xf2: {  	[sflag:s11] =	ssyncadd.s32 @!p0 $0xFFFFF000  }
0xf3: {  	_ =	swait.ge @!p0 [sflag:s11], $0x1000  }
0xf4: {  	[sflag:s11] =	ssyncset.done @!p0 $0x0  }
0xf5: {  	[sflag:s11] =	ssyncadd.s32 @!p0 $0xFFFFF000  }
0xf6: {  	[spmem:s2] =	stream.indirect.scatter.add.f32 @!p0 [tilespmem:s1], [sflag:$0x2], $0x20, s0, s6, $0xb8;
	[tilespmem:$0x1CA00] =	vst v63  }
0xf7: {  	_ = 	snop  }
0xf8: {  	[spmem:s2] =	stream.indirect.scatter.add.f32 @!p0 [tilespmem:s7], [sflag:$0x2], $0x20, s6, s6, $0xb8;
	[tilespmem:$0x1CA00] =	vst v63  }
0xf9: {  	s0 =	simm.s32 @!p0 $0x100  }
0xfa: {  	[spmem:s2] =	stream.indirect.scatter.add.f32 @!p0 [tilespmem:s8], [sflag:$0x2], $0x20, s0, s6, $0xb8;
	[tilespmem:$0x1CA00] =	vst v63  }
0xfb: {  	s1 =	simm.s32 @!p0 $0x2;
	s0 =	simm.s32 @!p0 $0x180  }
0xfc: {  	[spmem:s2] =	stream.indirect.scatter.add.f32 @!p0 [tilespmem:s10], [sflag:$0x2], $0x20, s0, s6, $0xb8;
	[tilespmem:$0x1CA00] =	vst v63  }
0xfd: {  	_ =	swait.ge @!p0 [sflag:s1], $0x1000  }
0xfe: {  	[sflag:s1] =	ssyncset.done @!p0 $0x0  }
0xff: {  	[sflag:s1] =	ssyncadd.s32 @!p0 $0xFFFFF000  }
0x100: {  	_ =	swait.ge @!p0 [sflag:s1], $0x1000  }
0x101: {  	[sflag:s1] =	ssyncset.done @!p0 $0x0  }
0x102: {  	[sflag:s1] =	ssyncadd.s32 @!p0 $0xFFFFF000  }
0x103: {  	_ =	swait.ge @!p0 [sflag:s1], $0x1000  }
0x104: {  	[sflag:s1] =	ssyncset.done @!p0 $0x0  }
0x105: {  	[sflag:s1] =	ssyncadd.s32 @!p0 $0xFFFFF000  }
0x106: {  	_ =	swait.ge @!p0 [sflag:s1], $0x1000  }
0x107: {  	[sflag:s1] =	ssyncset.done @!p0 $0x0  }
0x108: {  	[sflag:s1] =	ssyncadd.s32 @!p0 $0xFFFFF000  }
0x109: {  	[bflag:$0x0] =	sbarrier.arrive $0xFFFF  }
0x10a: {  	s5 =	rddreg [dreg:$0x4]  }
0x10b: {  	s29 =	rddreg [dreg:$0x6]  }
0x10c: {  	s10 =	simm.s32 $0x3;
	s8 =	rddreg [dreg:$0xa]  }
0x10d: {  	[hbm:s29], [sflag:s5] =	dma.local [spmem:s8], $0x3100  }
0x10e: {  	_ =	swait.ge [sflag:s10], $0x3100  }
0x10f: {  	s30 =	rddreg [dreg:$0xb]  }
0x110: {  	s31 =	rddreg [dreg:$0x7];
	s1 =	sadd.s32 $0x1, s30  }
0x111: {  	p0 =	sne.s32 s1, s31  }
.Ltmp2:
0x112: {  	_ = 	snop;
	(pc) =	sbr.rel @p0 .LBB2_1-.Ltmp2, $4  }
0x113: {  	[sflag:s10] =	ssyncset.done $0x0  }
0x114: {  	[sflag:s10] =	ssyncadd.s32 $0xFFFFCF00  }
0x115: {  	[bflag:$0x0] =	sbarrier.arrive $0xFFFF  }
0x116: {  	s4 =	rddreg [dreg:$0x3]  }
0x117: {  	_ =	sfence.sel $0x180000  }
0x118: {  	[bflag:$0x0] =	sbarrier.arrive $0xFFFF  }
0x119: {  	_ =	strace $0x90000047  }
0x11a: {  	s0 =	stileid.u32;
	[bflag:$0x2] =	sbarrier.arrive $0xFFFF  }
0x11b: {  	p0 =	sne.s32 s0, $0x0;
	s0 =	rddreg [dreg:$0x2]  }
0x11c: {  	s0 =	sadd.s32 @!p0 $0x100000, s0  }
0x11d: {  	[sflag:s0] =	ssyncadd.tile.s32 @!p0 $0x1;
	_ =	shalt  }
.Lfunc_end2:
_tile_overlayer_lowered:
.L_overlay_start_2:
0x11e: {  	(tag) =	ssettag $0x2  }
0x11f: {  	s0 =	rddreg [dreg:$0x0];
	s2 =	stileid.u32  }
0x120: {  	s1 =	rddreg [dreg:$0x1];
	p0 =	sne.s32 s2, $0x0  }
0x121: {  	s3 =	rddreg [dreg:$0x2];
	[bflag:$0x3] =	sbarrier.arrive $0xFFFF;
	s2 =	simm.s32 @!p0 $0x1C03  }
0x122: {  	[timem:s3], [sflag:s2] =	dma.local @!p0 [hbm:s0], s1  }
0x123: {  	s0 =	simm.s32 @!p0 $0x3  }
0x124: {  	_ =	swait.ge @!p0 [sflag:s0], s1  }
0x125: {  	s1 =	ssub.s32 @!p0 $0x0, s1;
	[sflag:s0] =	ssyncset.done @!p0 $0x0  }
0x126: {  	[sflag:s0] =	ssyncadd.s32 @!p0 s1  }
0x127: {  	[bflag:$0x3] =	sbarrier.arrive $0xFFFF  }
0x128: {  	_ =	shalt  }

</sc_bundles>
